<compile_context>
chip_gen: v7x
topology: tpu7x:2x2x1
jax: 0.10.2.dev20260603
libtpu: 0.0.44.dev20260713+nightly
codegen_flags: <defaults>
</compile_context>

<pallas_src>
import functools

import jax
import jax.numpy as jnp
from jax import lax
from jax.experimental import pallas as pl
from jax.experimental.pallas import tpu as pltpu
from jax.experimental.pallas import tpu_sc as plsc

N = 10000
E = 320000
F = 128
DE = 16
L = 4
C = 10
G = 64
BN_EPS = 1e-5

NC = 2
NS = 16
NW = NC * NS
CH = 128
CW0 = 104
CW1 = 54
EPAD = NS * CH * (CW0 + CW1)
NACC = 10240
RPS = NACC // NS



def _zero_vmem_rows(buf, rows, width):
    z16 = jnp.zeros((16,), jnp.float32)

    def body(i, _):
        for j in range(width // 16):
            buf[i, pl.ds(j * 16, 16)] = z16
        return 0

    lax.fori_loop(0, rows, body, 0)


def _segsum_body(tab_hbm, src_hbm, dst_hbm, out_hbm, sA, dA, sB, dB,
                 rows0, rows1, acc, sem0, sem1, *, gather):
    cid = lax.axis_index("c")
    sid = lax.axis_index("s")
    cw = jnp.where(cid == 0, CW0, CW1)
    base = jnp.where(cid == 0, sid * CW0, NS * CW0 + sid * CW1)

    _zero_vmem_rows(rows0, CH, F)

    def zbody(i, _):
        pltpu.sync_copy(rows0, acc.at[pl.ds(sid * RPS + i * CH, CH)])
        return 0

    lax.fori_loop(0, RPS // CH, zbody, 0)
    plsc.subcore_barrier()

    def body(j, _):
        row = base + j
        pltpu.sync_copy(dst_hbm.at[row], dA)
        if gather:
            pltpu.sync_copy(src_hbm.at[row], sA)
            pltpu.async_copy(tab_hbm.at[sA.at[0]], rows0, sem0).wait()
        else:
            pltpu.sync_copy(tab_hbm.at[row], rows0)
        pltpu.sync_copy(rows0, acc.at[dA.at[0]], add=True)
        return 0

    lax.fori_loop(0, cw, body, 0)
    plsc.subcore_barrier()

    pltpu.sync_copy(acc.at[pl.ds(sid * RPS, RPS)],
                    out_hbm.at[cid, pl.ds(sid * RPS, RPS)])


@functools.cache
def _sc_kernels():
    mesh = plsc.VectorSubcoreMesh(core_axis_name="c", subcore_axis_name="s",
                                  num_cores=NC, num_subcores=NS)

    scratches = [
        pltpu.VMEM((1, CH), jnp.int32),
        pltpu.VMEM((1, CH), jnp.int32),
        pltpu.VMEM((1, CH), jnp.int32),
        pltpu.VMEM((1, CH), jnp.int32),
        pltpu.VMEM((CH, F), jnp.float32),
        pltpu.VMEM((CH, F), jnp.float32),
        pltpu.VMEM_SHARED((NACC, F), jnp.float32),
        pltpu.SemaphoreType.DMA,
        pltpu.SemaphoreType.DMA,
    ]

    @functools.partial(
        pl.kernel,
        out_type=jax.ShapeDtypeStruct((NC, NACC, F), jnp.float32),
        mesh=mesh,
        scratch_types=scratches,
    )
    def _p_segsum(x_hbm, src3d, dst3d, out_hbm, sA, dA, sB, dB, rows0,
                  rows1, acc, sem0, sem1):
        _segsum_body(x_hbm, src3d, dst3d, out_hbm, sA, dA, sB, dB, rows0,
                     rows1, acc, sem0, sem1, gather=True)

    @functools.partial(
        pl.kernel,
        out_type=jax.ShapeDtypeStruct((NC, NACC, F), jnp.float32),
        mesh=mesh,
        scratch_types=scratches,
    )
    def _s_segsum(ea3d, src3d, dst3d, out_hbm, sA, dA, sB, dB, rows0,
                  rows1, acc, sem0, sem1):
        _segsum_body(ea3d, src3d, dst3d, out_hbm, sA, dA, sB, dB, rows0,
                     rows1, acc, sem0, sem1, gather=False)

    return _p_segsum, _s_segsum


def _embed_tc(h_ref, w_ref, b_ref, o_ref):
    o_ref[...] = jnp.dot(h_ref[...], w_ref[...],
                         preferred_element_type=jnp.float32) + b_ref[...]


def _layer_tc(x_ref, p_ref, s_ref, we_ref, wc_ref, bc_ref, g_ref, b_ref, o_ref):
    x = x_ref[...]
    s = s_ref[0, :N, :DE] + s_ref[1, :N, :DE]
    agg = p_ref[0, :N] + p_ref[1, :N] + jnp.dot(s, we_ref[...],
                                        preferred_element_type=jnp.float32)
    y = jnp.dot(x + agg, wc_ref[...],
                preferred_element_type=jnp.float32) + bc_ref[...]
    mu = jnp.mean(y, axis=0, keepdims=True)
    var = jnp.mean((y - mu) * (y - mu), axis=0, keepdims=True)
    y = (y - mu) * lax.rsqrt(var + BN_EPS)
    y = y * g_ref[...] + b_ref[...]
    o_ref[...] = jnp.maximum(y, 0.0) + x


def _pool_tc(x_ref, batch_ref, wout_ref, bout_ref, o_ref):
    x = x_ref[...]
    b = batch_ref[...]
    gids = lax.broadcasted_iota(jnp.int32, (G, 1), 0)
    onehot_t = (b == gids).astype(jnp.float32)
    sums = jnp.dot(onehot_t, x, preferred_element_type=jnp.float32)
    cnt = jnp.sum(onehot_t, axis=1, keepdims=True)
    pooled = sums / jnp.maximum(cnt, 1.0)
    o_ref[...] = jnp.dot(pooled, wout_ref[...],
                         preferred_element_type=jnp.float32) + bout_ref[...]


def kernel(h, edge_attr, edge_index, edge_feat_mat, pair_info, batch,
           W_embed, b_embed, Wconv, bconv, We, gamma, beta, Wout, bout):
    del edge_feat_mat, pair_info
    src = edge_index[0].astype(jnp.int32)
    dst = edge_index[1].astype(jnp.int32)
    pad = EPAD - E
    src3d = jnp.concatenate(
        [src, jnp.zeros((pad,), jnp.int32)]).reshape(NS * (CW0 + CW1), 1, CH)
    dst3d = jnp.concatenate(
        [dst, jnp.full((pad,), N, jnp.int32)]).reshape(NS * (CW0 + CW1), 1, CH)
    ea3d = jnp.pad(edge_attr, ((0, pad), (0, F - DE))).reshape(NS * (CW0 + CW1), CH, F)

    _p_segsum, _s_segsum = _sc_kernels()

    x = pl.pallas_call(
        _embed_tc,
        out_shape=jax.ShapeDtypeStruct((N, F), jnp.float32),
    )(h, W_embed, b_embed.reshape(1, F))

    s_part = _s_segsum(ea3d, src3d, dst3d)

    layer = pl.pallas_call(
        _layer_tc,
        out_shape=jax.ShapeDtypeStruct((N, F), jnp.float32),
    )
    for l in range(L):
        p_part = _p_segsum(x, src3d, dst3d)
        x = layer(x, p_part, s_part, We[l], Wconv[l], bconv[l].reshape(1, F),
                  gamma[l].reshape(1, F), beta[l].reshape(1, F))

    out = pl.pallas_call(
        _pool_tc,
        out_shape=jax.ShapeDtypeStruct((G, C), jnp.float32),
    )(x, batch.astype(jnp.int32).reshape(1, N), Wout, bout.reshape(1, C))
    return out

# --- scband reference (transcript-rebuilt; emitter-appended) ---
"""Pipeline reference for scband-gnn-bench-12421045420924 (READ-ONLY COPY).

The authoritative reference and input builder live on the scoring server;
editing this copy changes nothing except your own understanding.
"""

import jax, jax.numpy as jnp
import numpy as np

N = 10000
E = 320000
F = 128
DE = 16
L = 4
C = 10
G = 64
BN_EPS = 1e-5


def setup_inputs(seed: int = 0) -> dict:
    key = jax.random.key(seed)
    ks = jax.random.split(key, 16)
    h = jax.random.normal(ks[0], (N, F), dtype=jnp.float32)
    edge_attr = jax.random.normal(ks[1], (E, DE), dtype=jnp.float32)
    edge_index = jax.random.randint(ks[2], (2, E), 0, N)
    edge_feat_mat = jax.random.normal(ks[3], (E, DE), dtype=jnp.float32)
    pair_info = jnp.zeros((1,), dtype=jnp.float32)
    batch = jnp.sort(jax.random.randint(ks[4], (N,), 0, G))
    s = 1.0 / np.sqrt(F)
    W_embed = jax.random.normal(ks[5], (F, F), dtype=jnp.float32) * s
    b_embed = jnp.zeros((F,), dtype=jnp.float32)
    Wconv = jax.random.normal(ks[6], (L, F, F), dtype=jnp.float32) * s
    bconv = jnp.zeros((L, F), dtype=jnp.float32)
    We = jax.random.normal(ks[7], (L, DE, F), dtype=jnp.float32) * (1.0 / np.sqrt(DE))
    gamma = jnp.ones((L, F), dtype=jnp.float32)
    beta = jnp.zeros((L, F), dtype=jnp.float32)
    Wout = jax.random.normal(ks[8], (F, C), dtype=jnp.float32) * s
    bout = jnp.zeros((C,), dtype=jnp.float32)
    return {"h": h, "edge_attr": edge_attr, "edge_index": edge_index,
            "edge_feat_mat": edge_feat_mat, "pair_info": pair_info, "batch": batch,
            "W_embed": W_embed, "b_embed": b_embed, "Wconv": Wconv, "bconv": bconv,
            "We": We, "gamma": gamma, "beta": beta, "Wout": Wout, "bout": bout}


def _forward(h, edge_attr, edge_feat_mat, pair_info,
             W_embed, b_embed, Wconv, bconv, We, gamma, beta, Wout, bout,
             edge_index, batch):
    src = edge_index[0]
    dst = edge_index[1]
    x = h @ W_embed + b_embed  # embedding_h
    h_list = [x]
    for l in range(L):
        # GNNLayer: message = h[src] + proj(edge_attr); scatter-add to dst; linear
        msg = jnp.take(x, src, axis=0) + edge_attr @ We[l]
        agg = jax.ops.segment_sum(msg, dst, num_segments=N)
        x2 = (x + agg) @ Wconv[l] + bconv[l]
        # BatchNorm1d (training-mode batch statistics)
        mu = jnp.mean(x2, axis=0, keepdims=True)
        var = jnp.var(x2, axis=0, keepdims=True)
        x2 = (x2 - mu) / jnp.sqrt(var + BN_EPS)
        x2 = x2 * gamma[l] + beta[l]
        x2 = jax.nn.relu(x2)
        x2 = x2 + h_list[l]  # residual
        # dropout p=0.0 -> identity
        h_list.append(x2)
        x = x2
    # global_mean_pool over batch (jk=False -> last layer only)
    sums = jax.ops.segment_sum(h_list[-1], batch, num_segments=G)
    cnt = jax.ops.segment_sum(jnp.ones((N, 1), dtype=h.dtype), batch, num_segments=G)
    pooled = sums / jnp.clip(cnt, 1.0, None)
    out = pooled @ Wout + bout  # nclass > 1 -> return directly
    return out


def reference(h, edge_attr, edge_index, edge_feat_mat, pair_info, batch,
              W_embed, b_embed, Wconv, bconv, We, gamma, beta, Wout, bout):
    return _forward(h, edge_attr, edge_feat_mat, pair_info,
                    W_embed, b_embed, Wconv, bconv, We, gamma, beta, Wout, bout,
                    edge_index, batch)

if __name__ == "__main__":
    import jax
    _d = setup_inputs()
    print(jax.jit(kernel)(*tuple(_d.values())))

</pallas_src>

<mosaic_0001>
#map = affine_map<(d0, d1) -> (0, 0)>
#map1 = affine_map<(d0, d1) -> (0, 0, 0)>
module attributes {stable_mosaic.version = 14 : i64} {
  func.func @_p_segsum(%arg0: i32, %arg1: i32, %arg2: memref<10000x128xf32, #tpu.memory_space<hbm>>, %arg3: memref<2528x1x128xi32, #tpu.memory_space<hbm>>, %arg4: memref<2528x1x128xi32, #tpu.memory_space<hbm>>, %arg5: memref<2x10240x128xf32, #tpu.memory_space<hbm>>, %arg6: memref<1x128xi32, #tpu.memory_space<vmem>>, %arg7: memref<1x128xi32, #tpu.memory_space<vmem>>, %arg8: memref<1x128xi32, #tpu.memory_space<vmem>>, %arg9: memref<1x128xi32, #tpu.memory_space<vmem>>, %arg10: memref<128x128xf32, #tpu.memory_space<vmem>>, %arg11: memref<128x128xf32, #tpu.memory_space<vmem>>, %arg12: memref<10240x128xf32, #tpu.memory_space<vmem_shared>>, %arg13: memref<!tpu.dma_semaphore, #tpu.memory_space<semaphore_mem>>, %arg14: memref<!tpu.dma_semaphore, #tpu.memory_space<semaphore_mem>>) attributes {dimension_semantics = [#tpu.dimension_semantics<core_parallel>, #tpu.dimension_semantics<subcore_parallel>], iteration_bounds = array<i64: 2, 16>, scalar_prefetch = 0 : i64, scratch_operands = 9 : i64, tpu.core_type = #tpu.core_type<sc_vector_subcore>, window_params = [{transform_indices = #map}, {transform_indices = #map1}, {transform_indices = #map1}, {transform_indices = #map1}]} {
    %eq3A = arith.constant 0 : i32
    %eq3A_0 = arith.cmpi eq, %arg0, %eq3A : i32
    %jit3A = arith.constant 104 : i32
    %jit3A_1 = arith.constant 54 : i32
    %select_n3A = arith.select %eq3A_0, %jit3A, %jit3A_1 : i32
    %eq3A_2 = arith.constant 0 : i32
    %eq3A_3 = arith.cmpi eq, %arg0, %eq3A_2 : i32
    %mul3A = arith.constant 104 : i32
    %mul3A_4 = arith.muli %arg1, %mul3A : i32
    %mul3A_5 = arith.constant 54 : i32
    %mul3A_6 = arith.muli %arg1, %mul3A_5 : i32
    %add3A = arith.constant 1664 : i32
    %add3A_7 = arith.addi %add3A, %mul3A_6 : i32
    %select_n3A_8 = arith.select %eq3A_3, %mul3A_4, %add3A_7 : i32
    %broadcast_in_dim3A = arith.constant 0.000000e+00 : f32
    %broadcast_in_dim3A_9 = vector.broadcast %broadcast_in_dim3A : f32 to vector<16xf32>
    %scan3A = arith.constant 0 : i32
    %scan3A_10 = arith.constant 0 : i32
    %scan3A_11 = arith.constant 128 : i32
    %scan3A_12 = arith.addi %scan3A_10, %scan3A_11 : i32
    %scan3A_13 = arith.constant 1 : i32
    %scan3A_14 = scf.for %scan3A_39 = %scan3A_10 to %scan3A_12 step %scan3A_13 iter_args(%scan3A_40 = %scan3A) -> (i32)  : i32 {
      %swap3A = arith.index_cast %scan3A_39 : i32 to index
      %swap3A_41 = arith.constant 0 : index
      %swap3A_42 = tpu.vector_load %arg10[%swap3A, %swap3A_41] {strides = array<i32>} : memref<128x128xf32, #tpu.memory_space<vmem>>, vector<1x16xf32>,
      %swap3A_43 = vector.shape_cast %swap3A_42 : vector<1x16xf32> to vector<16xf32>
      %swap3A_44 = vector.shape_cast %broadcast_in_dim3A_9 : vector<16xf32> to vector<1x16xf32>
      tpu.vector_store %arg10[%swap3A, %swap3A_41], %swap3A_44 {strides = array<i32>} : memref<128x128xf32, #tpu.memory_space<vmem>>, vector<1x16xf32>,
      %swap3A_45 = arith.index_cast %scan3A_39 : i32 to index
      %swap3A_46 = arith.constant 16 : index
      %swap3A_47 = tpu.vector_load %arg10[%swap3A_45, %swap3A_46] {strides = array<i32>} : memref<128x128xf32, #tpu.memory_space<vmem>>, vector<1x16xf32>,
      %swap3A_48 = vector.shape_cast %swap3A_47 : vector<1x16xf32> to vector<16xf32>
      %swap3A_49 = vector.shape_cast %broadcast_in_dim3A_9 : vector<16xf32> to vector<1x16xf32>
      tpu.vector_store %arg10[%swap3A_45, %swap3A_46], %swap3A_49 {strides = array<i32>} : memref<128x128xf32, #tpu.memory_space<vmem>>, vector<1x16xf32>,
      %swap3A_50 = arith.index_cast %scan3A_39 : i32 to index
      %swap3A_51 = arith.constant 32 : index
      %swap3A_52 = tpu.vector_load %arg10[%swap3A_50, %swap3A_51] {strides = array<i32>} : memref<128x128xf32, #tpu.memory_space<vmem>>, vector<1x16xf32>,
      %swap3A_53 = vector.shape_cast %swap3A_52 : vector<1x16xf32> to vector<16xf32>
      %swap3A_54 = vector.shape_cast %broadcast_in_dim3A_9 : vector<16xf32> to vector<1x16xf32>
      tpu.vector_store %arg10[%swap3A_50, %swap3A_51], %swap3A_54 {strides = array<i32>} : memref<128x128xf32, #tpu.memory_space<vmem>>, vector<1x16xf32>,
      %swap3A_55 = arith.index_cast %scan3A_39 : i32 to index
      %swap3A_56 = arith.constant 48 : index
      %swap3A_57 = tpu.vector_load %arg10[%swap3A_55, %swap3A_56] {strides = array<i32>} : memref<128x128xf32, #tpu.memory_space<vmem>>, vector<1x16xf32>,
      %swap3A_58 = vector.shape_cast %swap3A_57 : vector<1x16xf32> to vector<16xf32>
      %swap3A_59 = vector.shape_cast %broadcast_in_dim3A_9 : vector<16xf32> to vector<1x16xf32>
      tpu.vector_store %arg10[%swap3A_55, %swap3A_56], %swap3A_59 {strides = array<i32>} : memref<128x128xf32, #tpu.memory_space<vmem>>, vector<1x16xf32>,
      %swap3A_60 = arith.index_cast %scan3A_39 : i32 to index
      %swap3A_61 = arith.constant 64 : index
      %swap3A_62 = tpu.vector_load %arg10[%swap3A_60, %swap3A_61] {strides = array<i32>} : memref<128x128xf32, #tpu.memory_space<vmem>>, vector<1x16xf32>,
      %swap3A_63 = vector.shape_cast %swap3A_62 : vector<1x16xf32> to vector<16xf32>
      %swap3A_64 = vector.shape_cast %broadcast_in_dim3A_9 : vector<16xf32> to vector<1x16xf32>
      tpu.vector_store %arg10[%swap3A_60, %swap3A_61], %swap3A_64 {strides = array<i32>} : memref<128x128xf32, #tpu.memory_space<vmem>>, vector<1x16xf32>,
      %swap3A_65 = arith.index_cast %scan3A_39 : i32 to index
      %swap3A_66 = arith.constant 80 : index
      %swap3A_67 = tpu.vector_load %arg10[%swap3A_65, %swap3A_66] {strides = array<i32>} : memref<128x128xf32, #tpu.memory_space<vmem>>, vector<1x16xf32>,
      %swap3A_68 = vector.shape_cast %swap3A_67 : vector<1x16xf32> to vector<16xf32>
      %swap3A_69 = vector.shape_cast %broadcast_in_dim3A_9 : vector<16xf32> to vector<1x16xf32>
      tpu.vector_store %arg10[%swap3A_65, %swap3A_66], %swap3A_69 {strides = array<i32>} : memref<128x128xf32, #tpu.memory_space<vmem>>, vector<1x16xf32>,
      %swap3A_70 = arith.index_cast %scan3A_39 : i32 to index
      %swap3A_71 = arith.constant 96 : index
      %swap3A_72 = tpu.vector_load %arg10[%swap3A_70, %swap3A_71] {strides = array<i32>} : memref<128x128xf32, #tpu.memory_space<vmem>>, vector<1x16xf32>,
      %swap3A_73 = vector.shape_cast %swap3A_72 : vector<1x16xf32> to vector<16xf32>
      %swap3A_74 = vector.shape_cast %broadcast_in_dim3A_9 : vector<16xf32> to vector<1x16xf32>
      tpu.vector_store %arg10[%swap3A_70, %swap3A_71], %swap3A_74 {strides = array<i32>} : memref<128x128xf32, #tpu.memory_space<vmem>>, vector<1x16xf32>,
      %swap3A_75 = arith.index_cast %scan3A_39 : i32 to index
      %swap3A_76 = arith.constant 112 : index
      %swap3A_77 = tpu.vector_load %arg10[%swap3A_75, %swap3A_76] {strides = array<i32>} : memref<128x128xf32, #tpu.memory_space<vmem>>, vector<1x16xf32>,
      %swap3A_78 = vector.shape_cast %swap3A_77 : vector<1x16xf32> to vector<16xf32>
      %swap3A_79 = vector.shape_cast %broadcast_in_dim3A_9 : vector<16xf32> to vector<1x16xf32>
      tpu.vector_store %arg10[%swap3A_75, %swap3A_76], %swap3A_79 {strides = array<i32>} : memref<128x128xf32, #tpu.memory_space<vmem>>, vector<1x16xf32>,
      %scan3A_80 = arith.constant 0 : i32
      scf.yield %scan3A_80 : i32
    }
    %scan3A_15 = arith.constant 128 : i32
    %scan3A_16 = arith.constant 0 : i32
    %scan3A_17 = arith.constant 0 : i32
    %scan3A_18 = arith.constant 5 : i32
    %scan3A_19 = arith.addi %scan3A_17, %scan3A_18 : i32
    %scan3A_20 = arith.constant 1 : i32
    %scan3A_21 = scf.for %scan3A_39 = %scan3A_17 to %scan3A_19 step %scan3A_20 iter_args(%scan3A_40 = %scan3A_16) -> (i32)  : i32 {
      %mul3A_41 = arith.constant 640 : i32
      %mul3A_42 = arith.muli %arg1, %mul3A_41 : i32
      %mul3A_43 = arith.constant 128 : i32
      %mul3A_44 = arith.muli %scan3A_39, %mul3A_43 : i32
      %add3A_45 = arith.addi %mul3A_42, %mul3A_44 : i32
      "tpu.region"() ({
        %run_scoped3A = tpu.sem_alloc : memref<!tpu.dma_semaphore, #tpu.memory_space<semaphore_mem>>
        %dma_start3A = arith.constant 0 : i32
        %dma_start3A_47 = tpu.memref_slice %arg12[%add3A_45, %dma_start3A] : memref<10240x128xf32, #tpu.memory_space<vmem_shared>> -> memref<128x128xf32, #tpu.memory_space<vmem_shared>>
        %dma_start3A_48 = arith.constant 0 : i32
        %dma_start3A_49 = tpu.memref_slice %arg12[%add3A_45, %dma_start3A_48] : memref<10240x128xf32, #tpu.memory_space<vmem_shared>> -> memref<128x128xf32, #tpu.memory_space<vmem_shared>>
        tpu.enqueue_dma source(%arg10 : memref<128x128xf32, #tpu.memory_space<vmem>>) target(%dma_start3A_49 : memref<128x128xf32, #tpu.memory_space<vmem_shared>>) target_semaphore(%run_scoped3A : memref<!tpu.dma_semaphore, #tpu.memory_space<semaphore_mem>>)
        %dma_wait3A = arith.constant 0 : i32
        %dma_wait3A_50 = tpu.memref_slice %arg12[%add3A_45, %dma_wait3A] : memref<10240x128xf32, #tpu.memory_space<vmem_shared>> -> memref<128x128xf32, #tpu.memory_space<vmem_shared>>
        %dma_wait3A_51 = arith.constant 0 : i32
        %dma_wait3A_52 = tpu.memref_slice %arg12[%add3A_45, %dma_wait3A_51] : memref<10240x128xf32, #tpu.memory_space<vmem_shared>> -> memref<128x128xf32, #tpu.memory_space<vmem_shared>>
        tpu.wait_dma2 semaphore(%run_scoped3A : memref<!tpu.dma_semaphore, #tpu.memory_space<semaphore_mem>>) src(%arg10 : memref<128x128xf32, #tpu.memory_space<vmem>>) dst(%dma_wait3A_52 : memref<128x128xf32, #tpu.memory_space<vmem_shared>>)
        tpu.yield
      }) : () -> ()
      %scan3A_46 = arith.constant 0 : i32
      scf.yield %scan3A_46 : i32
    }
    %scan3A_22 = arith.constant 5 : i32
    %barrier3A = arith.constant 0 : index
    tpu.barrier barrier_id(%barrier3A)
    %while3A = arith.constant 0 : i32
    %while3A_23 = arith.constant 0 : i32
    %while3A_24 = arith.subi %select_n3A, %while3A : i32
    %while3A_25 = arith.addi %while3A, %while3A_24 : i32
    %while3A_26 = arith.constant 1 : i32
    %while3A_27 = arith.divsi %while3A_24, %while3A_26 : i32
    %while3A_28 = arith.muli %while3A_27, %while3A_26 : i32
    %while3A_29 = arith.addi %while3A, %while3A_28 : i32
    %while3A_30 = arith.constant 1 : i32
    %while3A_31 = scf.for %while3A_39 = %while3A to %while3A_29 step %while3A_30 iter_args(%while3A_40 = %while3A_23) -> (i32)  : i32 {
      %add3A_41 = arith.addi %select_n3A_8, %while3A_39 : i32
      "tpu.region"() ({
        %run_scoped3A_55 = tpu.sem_alloc : memref<!tpu.dma_semaphore, #tpu.memory_space<semaphore_mem>>
        %dma_start3A_56 = arith.constant 0 : i32
        %dma_start3A_57 = arith.constant 0 : i32
        %dma_start3A_58 = tpu.memref_slice %arg4[%add3A_41, %dma_start3A_56, %dma_start3A_57] : memref<2528x1x128xi32, #tpu.memory_space<hbm>> -> memref<1x1x128xi32, #tpu.memory_space<hbm>>
        %dma_start3A_59 = tpu.memref_squeeze %dma_start3A_58 : memref<1x1x128xi32, #tpu.memory_space<hbm>> -> memref<1x128xi32, #tpu.memory_space<hbm>>
        %dma_start3A_60 = arith.constant 0 : i32
        %dma_start3A_61 = arith.constant 0 : i32
        %dma_start3A_62 = tpu.memref_slice %arg4[%add3A_41, %dma_start3A_60, %dma_start3A_61] : memref<2528x1x128xi32, #tpu.memory_space<hbm>> -> memref<1x1x128xi32, #tpu.memory_space<hbm>>
        %dma_start3A_63 = tpu.memref_squeeze %dma_start3A_62 : memref<1x1x128xi32, #tpu.memory_space<hbm>> -> memref<1x128xi32, #tpu.memory_space<hbm>>
        tpu.enqueue_dma source(%dma_start3A_63 : memref<1x128xi32, #tpu.memory_space<hbm>>) target(%arg7 : memref<1x128xi32, #tpu.memory_space<vmem>>) target_semaphore(%run_scoped3A_55 : memref<!tpu.dma_semaphore, #tpu.memory_space<semaphore_mem>>)
        %dma_wait3A_64 = arith.constant 0 : i32
        %dma_wait3A_65 = arith.constant 0 : i32
        %dma_wait3A_66 = tpu.memref_slice %arg4[%add3A_41, %dma_wait3A_64, %dma_wait3A_65] : memref<2528x1x128xi32, #tpu.memory_space<hbm>> -> memref<1x1x128xi32, #tpu.memory_space<hbm>>
        %dma_wait3A_67 = tpu.memref_squeeze %dma_wait3A_66 : memref<1x1x128xi32, #tpu.memory_space<hbm>> -> memref<1x128xi32, #tpu.memory_space<hbm>>
        %dma_wait3A_68 = arith.constant 0 : i32
        %dma_wait3A_69 = arith.constant 0 : i32
        %dma_wait3A_70 = tpu.memref_slice %arg4[%add3A_41, %dma_wait3A_68, %dma_wait3A_69] : memref<2528x1x128xi32, #tpu.memory_space<hbm>> -> memref<1x1x128xi32, #tpu.memory_space<hbm>>
        %dma_wait3A_71 = tpu.memref_squeeze %dma_wait3A_70 : memref<1x1x128xi32, #tpu.memory_space<hbm>> -> memref<1x128xi32, #tpu.memory_space<hbm>>
        tpu.wait_dma2 semaphore(%run_scoped3A_55 : memref<!tpu.dma_semaphore, #tpu.memory_space<semaphore_mem>>) src(%dma_wait3A_71 : memref<1x128xi32, #tpu.memory_space<hbm>>) dst(%arg7 : memref<1x128xi32, #tpu.memory_space<vmem>>)
        tpu.yield
      }) : () -> ()
      "tpu.region"() ({
        %run_scoped3A_55 = tpu.sem_alloc : memref<!tpu.dma_semaphore, #tpu.memory_space<semaphore_mem>>
        %dma_start3A_56 = arith.constant 0 : i32
        %dma_start3A_57 = arith.constant 0 : i32
        %dma_start3A_58 = tpu.memref_slice %arg3[%add3A_41, %dma_start3A_56, %dma_start3A_57] : memref<2528x1x128xi32, #tpu.memory_space<hbm>> -> memref<1x1x128xi32, #tpu.memory_space<hbm>>
        %dma_start3A_59 = tpu.memref_squeeze %dma_start3A_58 : memref<1x1x128xi32, #tpu.memory_space<hbm>> -> memref<1x128xi32, #tpu.memory_space<hbm>>
        %dma_start3A_60 = arith.constant 0 : i32
        %dma_start3A_61 = arith.constant 0 : i32
        %dma_start3A_62 = tpu.memref_slice %arg3[%add3A_41, %dma_start3A_60, %dma_start3A_61] : memref<2528x1x128xi32, #tpu.memory_space<hbm>> -> memref<1x1x128xi32, #tpu.memory_space<hbm>>
        %dma_start3A_63 = tpu.memref_squeeze %dma_start3A_62 : memref<1x1x128xi32, #tpu.memory_space<hbm>> -> memref<1x128xi32, #tpu.memory_space<hbm>>
        tpu.enqueue_dma source(%dma_start3A_63 : memref<1x128xi32, #tpu.memory_space<hbm>>) target(%arg6 : memref<1x128xi32, #tpu.memory_space<vmem>>) target_semaphore(%run_scoped3A_55 : memref<!tpu.dma_semaphore, #tpu.memory_space<semaphore_mem>>)
        %dma_wait3A_64 = arith.constant 0 : i32
        %dma_wait3A_65 = arith.constant 0 : i32
        %dma_wait3A_66 = tpu.memref_slice %arg3[%add3A_41, %dma_wait3A_64, %dma_wait3A_65] : memref<2528x1x128xi32, #tpu.memory_space<hbm>> -> memref<1x1x128xi32, #tpu.memory_space<hbm>>
        %dma_wait3A_67 = tpu.memref_squeeze %dma_wait3A_66 : memref<1x1x128xi32, #tpu.memory_space<hbm>> -> memref<1x128xi32, #tpu.memory_space<hbm>>
        %dma_wait3A_68 = arith.constant 0 : i32
        %dma_wait3A_69 = arith.constant 0 : i32
        %dma_wait3A_70 = tpu.memref_slice %arg3[%add3A_41, %dma_wait3A_68, %dma_wait3A_69] : memref<2528x1x128xi32, #tpu.memory_space<hbm>> -> memref<1x1x128xi32, #tpu.memory_space<hbm>>
        %dma_wait3A_71 = tpu.memref_squeeze %dma_wait3A_70 : memref<1x1x128xi32, #tpu.memory_space<hbm>> -> memref<1x128xi32, #tpu.memory_space<hbm>>
        tpu.wait_dma2 semaphore(%run_scoped3A_55 : memref<!tpu.dma_semaphore, #tpu.memory_space<semaphore_mem>>) src(%dma_wait3A_71 : memref<1x128xi32, #tpu.memory_space<hbm>>) dst(%arg6 : memref<1x128xi32, #tpu.memory_space<vmem>>)
        tpu.yield
      }) : () -> ()
      %dma_start3A = arith.constant 0 : i32
      %dma_start3A_42 = arith.constant 0 : i32
      %dma_start3A_43 = tpu.memref_slice %arg6[%dma_start3A, %dma_start3A_42] : memref<1x128xi32, #tpu.memory_space<vmem>> -> memref<1x128xi32, #tpu.memory_space<vmem>>
      %dma_start3A_44 = tpu.memref_squeeze %dma_start3A_43 : memref<1x128xi32, #tpu.memory_space<vmem>> -> memref<128xi32, #tpu.memory_space<vmem>>
      %dma_start3A_45 = arith.constant 0 : i32
      %dma_start3A_46 = arith.constant 0 : i32
      %dma_start3A_47 = tpu.memref_slice %arg2[%dma_start3A_45, %dma_start3A_46] : memref<10000x128xf32, #tpu.memory_space<hbm>> -> memref<10000x128xf32, #tpu.memory_space<hbm>>
      tpu.enqueue_indirect_dma source(%dma_start3A_47 : memref<10000x128xf32, #tpu.memory_space<hbm>>) target(%arg10 : memref<128x128xf32, #tpu.memory_space<vmem>>) offsets(%dma_start3A_44 : memref<128xi32, #tpu.memory_space<vmem>>) semaphore(%arg13 : memref<!tpu.dma_semaphore, #tpu.memory_space<semaphore_mem>>)
      %dma_wait3A = arith.constant 0 : i32
      %dma_wait3A_48 = arith.constant 0 : i32
      %dma_wait3A_49 = tpu.memref_slice %arg6[%dma_wait3A, %dma_wait3A_48] : memref<1x128xi32, #tpu.memory_space<vmem>> -> memref<1x128xi32, #tpu.memory_space<vmem>>
      %dma_wait3A_50 = tpu.memref_squeeze %dma_wait3A_49 : memref<1x128xi32, #tpu.memory_space<vmem>> -> memref<128xi32, #tpu.memory_space<vmem>>
      %dma_wait3A_51 = arith.constant 0 : i32
      %dma_wait3A_52 = arith.constant 0 : i32
      %dma_wait3A_53 = tpu.memref_slice %arg2[%dma_wait3A_51, %dma_wait3A_52] : memref<10000x128xf32, #tpu.memory_space<hbm>> -> memref<10000x128xf32, #tpu.memory_space<hbm>>
      tpu.wait_indirect_dma semaphore(%arg13 : memref<!tpu.dma_semaphore, #tpu.memory_space<semaphore_mem>>) src(%dma_wait3A_53 : memref<10000x128xf32, #tpu.memory_space<hbm>>) dst(%arg10 : memref<128x128xf32, #tpu.memory_space<vmem>>)
      %run_scoped3A = arith.constant 0 : i32
      "tpu.region"() ({
        %run_scoped3A_55 = tpu.sem_alloc : memref<!tpu.dma_semaphore, #tpu.memory_space<semaphore_mem>>
        %dma_start3A_56 = arith.constant 0 : i32
        %dma_start3A_57 = tpu.memref_slice %arg7[%run_scoped3A, %dma_start3A_56] : memref<1x128xi32, #tpu.memory_space<vmem>> -> memref<1x128xi32, #tpu.memory_space<vmem>>
        %dma_start3A_58 = tpu.memref_squeeze %dma_start3A_57 : memref<1x128xi32, #tpu.memory_space<vmem>> -> memref<128xi32, #tpu.memory_space<vmem>>
        %dma_start3A_59 = arith.constant 0 : i32
        %dma_start3A_60 = arith.constant 0 : i32
        %dma_start3A_61 = tpu.memref_slice %arg12[%dma_start3A_59, %dma_start3A_60] : memref<10240x128xf32, #tpu.memory_space<vmem_shared>> -> memref<10240x128xf32, #tpu.memory_space<vmem_shared>>
        tpu.enqueue_indirect_dma source(%arg10 : memref<128x128xf32, #tpu.memory_space<vmem>>) target(%dma_start3A_61 : memref<10240x128xf32, #tpu.memory_space<vmem_shared>>) offsets(%dma_start3A_58 : memref<128xi32, #tpu.memory_space<vmem>>) semaphore(%run_scoped3A_55 : memref<!tpu.dma_semaphore, #tpu.memory_space<semaphore_mem>>) {add = true}
        %dma_wait3A_62 = arith.constant 0 : i32
        %dma_wait3A_63 = tpu.memref_slice %arg7[%run_scoped3A, %dma_wait3A_62] : memref<1x128xi32, #tpu.memory_space<vmem>> -> memref<1x128xi32, #tpu.memory_space<vmem>>
        %dma_wait3A_64 = tpu.memref_squeeze %dma_wait3A_63 : memref<1x128xi32, #tpu.memory_space<vmem>> -> memref<128xi32, #tpu.memory_space<vmem>>
        %dma_wait3A_65 = arith.constant 0 : i32
        %dma_wait3A_66 = arith.constant 0 : i32
        %dma_wait3A_67 = tpu.memref_slice %arg12[%dma_wait3A_65, %dma_wait3A_66] : memref<10240x128xf32, #tpu.memory_space<vmem_shared>> -> memref<10240x128xf32, #tpu.memory_space<vmem_shared>>
        tpu.wait_indirect_dma semaphore(%run_scoped3A_55 : memref<!tpu.dma_semaphore, #tpu.memory_space<semaphore_mem>>) src(%arg10 : memref<128x128xf32, #tpu.memory_space<vmem>>) dst(%dma_wait3A_67 : memref<10240x128xf32, #tpu.memory_space<vmem_shared>>)
        tpu.yield
      }) : () -> ()
      %while3A_54 = arith.constant 0 : i32
      scf.yield %while3A_54 : i32
    }
    %while3A_32 = arith.constant 1 : i32
    %while3A_33 = scf.for %while3A_39 = %while3A_29 to %while3A_25 step %while3A_32 iter_args(%while3A_40 = %while3A_31) -> (i32)  : i32 {
      %add3A_41 = arith.addi %select_n3A_8, %while3A_39 : i32
      "tpu.region"() ({
        %run_scoped3A_55 = tpu.sem_alloc : memref<!tpu.dma_semaphore, #tpu.memory_space<semaphore_mem>>
        %dma_start3A_56 = arith.constant 0 : i32
        %dma_start3A_57 = arith.constant 0 : i32
        %dma_start3A_58 = tpu.memref_slice %arg4[%add3A_41, %dma_start3A_56, %dma_start3A_57] : memref<2528x1x128xi32, #tpu.memory_space<hbm>> -> memref<1x1x128xi32, #tpu.memory_space<hbm>>
        %dma_start3A_59 = tpu.memref_squeeze %dma_start3A_58 : memref<1x1x128xi32, #tpu.memory_space<hbm>> -> memref<1x128xi32, #tpu.memory_space<hbm>>
        %dma_start3A_60 = arith.constant 0 : i32
        %dma_start3A_61 = arith.constant 0 : i32
        %dma_start3A_62 = tpu.memref_slice %arg4[%add3A_41, %dma_start3A_60, %dma_start3A_61] : memref<2528x1x128xi32, #tpu.memory_space<hbm>> -> memref<1x1x128xi32, #tpu.memory_space<hbm>>
        %dma_start3A_63 = tpu.memref_squeeze %dma_start3A_62 : memref<1x1x128xi32, #tpu.memory_space<hbm>> -> memref<1x128xi32, #tpu.memory_space<hbm>>
        tpu.enqueue_dma source(%dma_start3A_63 : memref<1x128xi32, #tpu.memory_space<hbm>>) target(%arg7 : memref<1x128xi32, #tpu.memory_space<vmem>>) target_semaphore(%run_scoped3A_55 : memref<!tpu.dma_semaphore, #tpu.memory_space<semaphore_mem>>)
        %dma_wait3A_64 = arith.constant 0 : i32
        %dma_wait3A_65 = arith.constant 0 : i32
        %dma_wait3A_66 = tpu.memref_slice %arg4[%add3A_41, %dma_wait3A_64, %dma_wait3A_65] : memref<2528x1x128xi32, #tpu.memory_space<hbm>> -> memref<1x1x128xi32, #tpu.memory_space<hbm>>
        %dma_wait3A_67 = tpu.memref_squeeze %dma_wait3A_66 : memref<1x1x128xi32, #tpu.memory_space<hbm>> -> memref<1x128xi32, #tpu.memory_space<hbm>>
        %dma_wait3A_68 = arith.constant 0 : i32
        %dma_wait3A_69 = arith.constant 0 : i32
        %dma_wait3A_70 = tpu.memref_slice %arg4[%add3A_41, %dma_wait3A_68, %dma_wait3A_69] : memref<2528x1x128xi32, #tpu.memory_space<hbm>> -> memref<1x1x128xi32, #tpu.memory_space<hbm>>
        %dma_wait3A_71 = tpu.memref_squeeze %dma_wait3A_70 : memref<1x1x128xi32, #tpu.memory_space<hbm>> -> memref<1x128xi32, #tpu.memory_space<hbm>>
        tpu.wait_dma2 semaphore(%run_scoped3A_55 : memref<!tpu.dma_semaphore, #tpu.memory_space<semaphore_mem>>) src(%dma_wait3A_71 : memref<1x128xi32, #tpu.memory_space<hbm>>) dst(%arg7 : memref<1x128xi32, #tpu.memory_space<vmem>>)
        tpu.yield
      }) : () -> ()
      "tpu.region"() ({
        %run_scoped3A_55 = tpu.sem_alloc : memref<!tpu.dma_semaphore, #tpu.memory_space<semaphore_mem>>
        %dma_start3A_56 = arith.constant 0 : i32
        %dma_start3A_57 = arith.constant 0 : i32
        %dma_start3A_58 = tpu.memref_slice %arg3[%add3A_41, %dma_start3A_56, %dma_start3A_57] : memref<2528x1x128xi32, #tpu.memory_space<hbm>> -> memref<1x1x128xi32, #tpu.memory_space<hbm>>
        %dma_start3A_59 = tpu.memref_squeeze %dma_start3A_58 : memref<1x1x128xi32, #tpu.memory_space<hbm>> -> memref<1x128xi32, #tpu.memory_space<hbm>>
        %dma_start3A_60 = arith.constant 0 : i32
        %dma_start3A_61 = arith.constant 0 : i32
        %dma_start3A_62 = tpu.memref_slice %arg3[%add3A_41, %dma_start3A_60, %dma_start3A_61] : memref<2528x1x128xi32, #tpu.memory_space<hbm>> -> memref<1x1x128xi32, #tpu.memory_space<hbm>>
        %dma_start3A_63 = tpu.memref_squeeze %dma_start3A_62 : memref<1x1x128xi32, #tpu.memory_space<hbm>> -> memref<1x128xi32, #tpu.memory_space<hbm>>
        tpu.enqueue_dma source(%dma_start3A_63 : memref<1x128xi32, #tpu.memory_space<hbm>>) target(%arg6 : memref<1x128xi32, #tpu.memory_space<vmem>>) target_semaphore(%run_scoped3A_55 : memref<!tpu.dma_semaphore, #tpu.memory_space<semaphore_mem>>)
        %dma_wait3A_64 = arith.constant 0 : i32
        %dma_wait3A_65 = arith.constant 0 : i32
        %dma_wait3A_66 = tpu.memref_slice %arg3[%add3A_41, %dma_wait3A_64, %dma_wait3A_65] : memref<2528x1x128xi32, #tpu.memory_space<hbm>> -> memref<1x1x128xi32, #tpu.memory_space<hbm>>
        %dma_wait3A_67 = tpu.memref_squeeze %dma_wait3A_66 : memref<1x1x128xi32, #tpu.memory_space<hbm>> -> memref<1x128xi32, #tpu.memory_space<hbm>>
        %dma_wait3A_68 = arith.constant 0 : i32
        %dma_wait3A_69 = arith.constant 0 : i32
        %dma_wait3A_70 = tpu.memref_slice %arg3[%add3A_41, %dma_wait3A_68, %dma_wait3A_69] : memref<2528x1x128xi32, #tpu.memory_space<hbm>> -> memref<1x1x128xi32, #tpu.memory_space<hbm>>
        %dma_wait3A_71 = tpu.memref_squeeze %dma_wait3A_70 : memref<1x1x128xi32, #tpu.memory_space<hbm>> -> memref<1x128xi32, #tpu.memory_space<hbm>>
        tpu.wait_dma2 semaphore(%run_scoped3A_55 : memref<!tpu.dma_semaphore, #tpu.memory_space<semaphore_mem>>) src(%dma_wait3A_71 : memref<1x128xi32, #tpu.memory_space<hbm>>) dst(%arg6 : memref<1x128xi32, #tpu.memory_space<vmem>>)
        tpu.yield
      }) : () -> ()
      %dma_start3A = arith.constant 0 : i32
      %dma_start3A_42 = arith.constant 0 : i32
      %dma_start3A_43 = tpu.memref_slice %arg6[%dma_start3A, %dma_start3A_42] : memref<1x128xi32, #tpu.memory_space<vmem>> -> memref<1x128xi32, #tpu.memory_space<vmem>>
      %dma_start3A_44 = tpu.memref_squeeze %dma_start3A_43 : memref<1x128xi32, #tpu.memory_space<vmem>> -> memref<128xi32, #tpu.memory_space<vmem>>
      %dma_start3A_45 = arith.constant 0 : i32
      %dma_start3A_46 = arith.constant 0 : i32
      %dma_start3A_47 = tpu.memref_slice %arg2[%dma_start3A_45, %dma_start3A_46] : memref<10000x128xf32, #tpu.memory_space<hbm>> -> memref<10000x128xf32, #tpu.memory_space<hbm>>
      tpu.enqueue_indirect_dma source(%dma_start3A_47 : memref<10000x128xf32, #tpu.memory_space<hbm>>) target(%arg10 : memref<128x128xf32, #tpu.memory_space<vmem>>) offsets(%dma_start3A_44 : memref<128xi32, #tpu.memory_space<vmem>>) semaphore(%arg13 : memref<!tpu.dma_semaphore, #tpu.memory_space<semaphore_mem>>)
      %dma_wait3A = arith.constant 0 : i32
      %dma_wait3A_48 = arith.constant 0 : i32
      %dma_wait3A_49 = tpu.memref_slice %arg6[%dma_wait3A, %dma_wait3A_48] : memref<1x128xi32, #tpu.memory_space<vmem>> -> memref<1x128xi32, #tpu.memory_space<vmem>>
      %dma_wait3A_50 = tpu.memref_squeeze %dma_wait3A_49 : memref<1x128xi32, #tpu.memory_space<vmem>> -> memref<128xi32, #tpu.memory_space<vmem>>
      %dma_wait3A_51 = arith.constant 0 : i32
      %dma_wait3A_52 = arith.constant 0 : i32
      %dma_wait3A_53 = tpu.memref_slice %arg2[%dma_wait3A_51, %dma_wait3A_52] : memref<10000x128xf32, #tpu.memory_space<hbm>> -> memref<10000x128xf32, #tpu.memory_space<hbm>>
      tpu.wait_indirect_dma semaphore(%arg13 : memref<!tpu.dma_semaphore, #tpu.memory_space<semaphore_mem>>) src(%dma_wait3A_53 : memref<10000x128xf32, #tpu.memory_space<hbm>>) dst(%arg10 : memref<128x128xf32, #tpu.memory_space<vmem>>)
      %run_scoped3A = arith.constant 0 : i32
      "tpu.region"() ({
        %run_scoped3A_55 = tpu.sem_alloc : memref<!tpu.dma_semaphore, #tpu.memory_space<semaphore_mem>>
        %dma_start3A_56 = arith.constant 0 : i32
        %dma_start3A_57 = tpu.memref_slice %arg7[%run_scoped3A, %dma_start3A_56] : memref<1x128xi32, #tpu.memory_space<vmem>> -> memref<1x128xi32, #tpu.memory_space<vmem>>
        %dma_start3A_58 = tpu.memref_squeeze %dma_start3A_57 : memref<1x128xi32, #tpu.memory_space<vmem>> -> memref<128xi32, #tpu.memory_space<vmem>>
        %dma_start3A_59 = arith.constant 0 : i32
        %dma_start3A_60 = arith.constant 0 : i32
        %dma_start3A_61 = tpu.memref_slice %arg12[%dma_start3A_59, %dma_start3A_60] : memref<10240x128xf32, #tpu.memory_space<vmem_shared>> -> memref<10240x128xf32, #tpu.memory_space<vmem_shared>>
        tpu.enqueue_indirect_dma source(%arg10 : memref<128x128xf32, #tpu.memory_space<vmem>>) target(%dma_start3A_61 : memref<10240x128xf32, #tpu.memory_space<vmem_shared>>) offsets(%dma_start3A_58 : memref<128xi32, #tpu.memory_space<vmem>>) semaphore(%run_scoped3A_55 : memref<!tpu.dma_semaphore, #tpu.memory_space<semaphore_mem>>) {add = true}
        %dma_wait3A_62 = arith.constant 0 : i32
        %dma_wait3A_63 = tpu.memref_slice %arg7[%run_scoped3A, %dma_wait3A_62] : memref<1x128xi32, #tpu.memory_space<vmem>> -> memref<1x128xi32, #tpu.memory_space<vmem>>
        %dma_wait3A_64 = tpu.memref_squeeze %dma_wait3A_63 : memref<1x128xi32, #tpu.memory_space<vmem>> -> memref<128xi32, #tpu.memory_space<vmem>>
        %dma_wait3A_65 = arith.constant 0 : i32
        %dma_wait3A_66 = arith.constant 0 : i32
        %dma_wait3A_67 = tpu.memref_slice %arg12[%dma_wait3A_65, %dma_wait3A_66] : memref<10240x128xf32, #tpu.memory_space<vmem_shared>> -> memref<10240x128xf32, #tpu.memory_space<vmem_shared>>
        tpu.wait_indirect_dma semaphore(%run_scoped3A_55 : memref<!tpu.dma_semaphore, #tpu.memory_space<semaphore_mem>>) src(%arg10 : memref<128x128xf32, #tpu.memory_space<vmem>>) dst(%dma_wait3A_67 : memref<10240x128xf32, #tpu.memory_space<vmem_shared>>)
        tpu.yield
      }) : () -> ()
      %while3A_54 = arith.constant 0 : i32
      scf.yield %while3A_54 : i32
    }
    %barrier3A_34 = arith.constant 0 : index
    tpu.barrier barrier_id(%barrier3A_34)
    %mul3A_35 = arith.constant 640 : i32
    %mul3A_36 = arith.muli %arg1, %mul3A_35 : i32
    %mul3A_37 = arith.constant 640 : i32
    %mul3A_38 = arith.muli %arg1, %mul3A_37 : i32
    "tpu.region"() ({
      %run_scoped3A = tpu.sem_alloc : memref<!tpu.dma_semaphore, #tpu.memory_space<semaphore_mem>>
      %dma_start3A = arith.constant 0 : i32
      %dma_start3A_39 = tpu.memref_slice %arg5[%arg0, %mul3A_38, %dma_start3A] : memref<2x10240x128xf32, #tpu.memory_space<hbm>> -> memref<1x640x128xf32, #tpu.memory_space<hbm>>
      %dma_start3A_40 = tpu.memref_squeeze %dma_start3A_39 : memref<1x640x128xf32, #tpu.memory_space<hbm>> -> memref<640x128xf32, #tpu.memory_space<hbm>>
      %dma_start3A_41 = arith.constant 0 : i32
      %dma_start3A_42 = tpu.memref_slice %arg12[%mul3A_36, %dma_start3A_41] : memref<10240x128xf32, #tpu.memory_space<vmem_shared>> -> memref<640x128xf32, #tpu.memory_space<vmem_shared>>
      tpu.enqueue_dma source(%dma_start3A_42 : memref<640x128xf32, #tpu.memory_space<vmem_shared>>) target(%dma_start3A_40 : memref<640x128xf32, #tpu.memory_space<hbm>>) target_semaphore(%run_scoped3A : memref<!tpu.dma_semaphore, #tpu.memory_space<semaphore_mem>>)
      %dma_wait3A = arith.constant 0 : i32
      %dma_wait3A_43 = tpu.memref_slice %arg5[%arg0, %mul3A_38, %dma_wait3A] : memref<2x10240x128xf32, #tpu.memory_space<hbm>> -> memref<1x640x128xf32, #tpu.memory_space<hbm>>
      %dma_wait3A_44 = tpu.memref_squeeze %dma_wait3A_43 : memref<1x640x128xf32, #tpu.memory_space<hbm>> -> memref<640x128xf32, #tpu.memory_space<hbm>>
      %dma_wait3A_45 = arith.constant 0 : i32
      %dma_wait3A_46 = tpu.memref_slice %arg12[%mul3A_36, %dma_wait3A_45] : memref<10240x128xf32, #tpu.memory_space<vmem_shared>> -> memref<640x128xf32, #tpu.memory_space<vmem_shared>>
      tpu.wait_dma2 semaphore(%run_scoped3A : memref<!tpu.dma_semaphore, #tpu.memory_space<semaphore_mem>>) src(%dma_wait3A_46 : memref<640x128xf32, #tpu.memory_space<vmem_shared>>) dst(%dma_wait3A_44 : memref<640x128xf32, #tpu.memory_space<hbm>>)
      tpu.yield
    }) : () -> ()
    return
  }
}

#map = affine_map<(d0, d1) -> (0, 0)>
#map1 = affine_map<(d0, d1) -> (0, 0, 0)>
module attributes {stable_mosaic.version = 14 : i64} {
  func.func @_p_segsum(%arg0: i32, %arg1: i32, %arg2: memref<10000x128xf32, #tpu.memory_space<hbm>>, %arg3: memref<2528x1x128xi32, #tpu.memory_space<hbm>>, %arg4: memref<2528x1x128xi32, #tpu.memory_space<hbm>>, %arg5: memref<2x10240x128xf32, #tpu.memory_space<hbm>>, %arg6: memref<1x128xi32, #tpu.memory_space<vmem>>, %arg7: memref<1x128xi32, #tpu.memory_space<vmem>>, %arg8: memref<1x128xi32, #tpu.memory_space<vmem>>, %arg9: memref<1x128xi32, #tpu.memory_space<vmem>>, %arg10: memref<128x128xf32, #tpu.memory_space<vmem>>, %arg11: memref<128x128xf32, #tpu.memory_space<vmem>>, %arg12: memref<10240x128xf32, #tpu.memory_space<vmem_shared>>, %arg13: memref<!tpu.dma_semaphore, #tpu.memory_space<semaphore_mem>>, %arg14: memref<!tpu.dma_semaphore, #tpu.memory_space<semaphore_mem>>) attributes {dimension_semantics = [#tpu.dimension_semantics<core_parallel>, #tpu.dimension_semantics<subcore_parallel>], iteration_bounds = array<i64: 2, 16>, scalar_prefetch = 0 : i64, scratch_operands = 9 : i64, tpu.core_type = #tpu.core_type<sc_vector_subcore>, window_params = [{transform_indices = #map}, {transform_indices = #map1}, {transform_indices = #map1}, {transform_indices = #map1}]} {
    %eq3A = arith.constant 0 : i32
    %eq3A_0 = arith.cmpi eq, %arg0, %eq3A : i32
    %jit3A = arith.constant 104 : i32
    %jit3A_1 = arith.constant 54 : i32
    %select_n3A = arith.select %eq3A_0, %jit3A, %jit3A_1 : i32
    %eq3A_2 = arith.constant 0 : i32
    %eq3A_3 = arith.cmpi eq, %arg0, %eq3A_2 : i32
    %mul3A = arith.constant 104 : i32
    %mul3A_4 = arith.muli %arg1, %mul3A : i32
    %mul3A_5 = arith.constant 54 : i32
    %mul3A_6 = arith.muli %arg1, %mul3A_5 : i32
    %add3A = arith.constant 1664 : i32
    %add3A_7 = arith.addi %add3A, %mul3A_6 : i32
    %select_n3A_8 = arith.select %eq3A_3, %mul3A_4, %add3A_7 : i32
    %broadcast_in_dim3A = arith.constant 0.000000e+00 : f32
    %broadcast_in_dim3A_9 = vector.broadcast %broadcast_in_dim3A : f32 to vector<16xf32>
    %scan3A = arith.constant 0 : i32
    %scan3A_10 = arith.constant 0 : i32
    %scan3A_11 = arith.constant 128 : i32
    %scan3A_12 = arith.addi %scan3A_10, %scan3A_11 : i32
    %scan3A_13 = arith.constant 1 : i32
    %scan3A_14 = scf.for %scan3A_39 = %scan3A_10 to %scan3A_12 step %scan3A_13 iter_args(%scan3A_40 = %scan3A) -> (i32)  : i32 {
      %swap3A = arith.index_cast %scan3A_39 : i32 to index
      %swap3A_41 = arith.constant 0 : index
      %swap3A_42 = tpu.vector_load %arg10[%swap3A, %swap3A_41] {strides = array<i32>} : memref<128x128xf32, #tpu.memory_space<vmem>>, vector<1x16xf32>,
      %swap3A_43 = vector.shape_cast %swap3A_42 : vector<1x16xf32> to vector<16xf32>
      %swap3A_44 = vector.shape_cast %broadcast_in_dim3A_9 : vector<16xf32> to vector<1x16xf32>
      tpu.vector_store %arg10[%swap3A, %swap3A_41], %swap3A_44 {strides = array<i32>} : memref<128x128xf32, #tpu.memory_space<vmem>>, vector<1x16xf32>,
      %swap3A_45 = arith.index_cast %scan3A_39 : i32 to index
      %swap3A_46 = arith.constant 16 : index
      %swap3A_47 = tpu.vector_load %arg10[%swap3A_45, %swap3A_46] {strides = array<i32>} : memref<128x128xf32, #tpu.memory_space<vmem>>, vector<1x16xf32>,
      %swap3A_48 = vector.shape_cast %swap3A_47 : vector<1x16xf32> to vector<16xf32>
      %swap3A_49 = vector.shape_cast %broadcast_in_dim3A_9 : vector<16xf32> to vector<1x16xf32>
      tpu.vector_store %arg10[%swap3A_45, %swap3A_46], %swap3A_49 {strides = array<i32>} : memref<128x128xf32, #tpu.memory_space<vmem>>, vector<1x16xf32>,
      %swap3A_50 = arith.index_cast %scan3A_39 : i32 to index
      %swap3A_51 = arith.constant 32 : index
      %swap3A_52 = tpu.vector_load %arg10[%swap3A_50, %swap3A_51] {strides = array<i32>} : memref<128x128xf32, #tpu.memory_space<vmem>>, vector<1x16xf32>,
      %swap3A_53 = vector.shape_cast %swap3A_52 : vector<1x16xf32> to vector<16xf32>
      %swap3A_54 = vector.shape_cast %broadcast_in_dim3A_9 : vector<16xf32> to vector<1x16xf32>
      tpu.vector_store %arg10[%swap3A_50, %swap3A_51], %swap3A_54 {strides = array<i32>} : memref<128x128xf32, #tpu.memory_space<vmem>>, vector<1x16xf32>,
      %swap3A_55 = arith.index_cast %scan3A_39 : i32 to index
      %swap3A_56 = arith.constant 48 : index
      %swap3A_57 = tpu.vector_load %arg10[%swap3A_55, %swap3A_56] {strides = array<i32>} : memref<128x128xf32, #tpu.memory_space<vmem>>, vector<1x16xf32>,
      %swap3A_58 = vector.shape_cast %swap3A_57 : vector<1x16xf32> to vector<16xf32>
      %swap3A_59 = vector.shape_cast %broadcast_in_dim3A_9 : vector<16xf32> to vector<1x16xf32>
      tpu.vector_store %arg10[%swap3A_55, %swap3A_56], %swap3A_59 {strides = array<i32>} : memref<128x128xf32, #tpu.memory_space<vmem>>, vector<1x16xf32>,
      %swap3A_60 = arith.index_cast %scan3A_39 : i32 to index
      %swap3A_61 = arith.constant 64 : index
      %swap3A_62 = tpu.vector_load %arg10[%swap3A_60, %swap3A_61] {strides = array<i32>} : memref<128x128xf32, #tpu.memory_space<vmem>>, vector<1x16xf32>,
      %swap3A_63 = vector.shape_cast %swap3A_62 : vector<1x16xf32> to vector<16xf32>
      %swap3A_64 = vector.shape_cast %broadcast_in_dim3A_9 : vector<16xf32> to vector<1x16xf32>
      tpu.vector_store %arg10[%swap3A_60, %swap3A_61], %swap3A_64 {strides = array<i32>} : memref<128x128xf32, #tpu.memory_space<vmem>>, vector<1x16xf32>,
      %swap3A_65 = arith.index_cast %scan3A_39 : i32 to index
      %swap3A_66 = arith.constant 80 : index
      %swap3A_67 = tpu.vector_load %arg10[%swap3A_65, %swap3A_66] {strides = array<i32>} : memref<128x128xf32, #tpu.memory_space<vmem>>, vector<1x16xf32>,
      %swap3A_68 = vector.shape_cast %swap3A_67 : vector<1x16xf32> to vector<16xf32>
      %swap3A_69 = vector.shape_cast %broadcast_in_dim3A_9 : vector<16xf32> to vector<1x16xf32>
      tpu.vector_store %arg10[%swap3A_65, %swap3A_66], %swap3A_69 {strides = array<i32>} : memref<128x128xf32, #tpu.memory_space<vmem>>, vector<1x16xf32>,
      %swap3A_70 = arith.index_cast %scan3A_39 : i32 to index
      %swap3A_71 = arith.constant 96 : index
      %swap3A_72 = tpu.vector_load %arg10[%swap3A_70, %swap3A_71] {strides = array<i32>} : memref<128x128xf32, #tpu.memory_space<vmem>>, vector<1x16xf32>,
      %swap3A_73 = vector.shape_cast %swap3A_72 : vector<1x16xf32> to vector<16xf32>
      %swap3A_74 = vector.shape_cast %broadcast_in_dim3A_9 : vector<16xf32> to vector<1x16xf32>
      tpu.vector_store %arg10[%swap3A_70, %swap3A_71], %swap3A_74 {strides = array<i32>} : memref<128x128xf32, #tpu.memory_space<vmem>>, vector<1x16xf32>,
      %swap3A_75 = arith.index_cast %scan3A_39 : i32 to index
      %swap3A_76 = arith.constant 112 : index
      %swap3A_77 = tpu.vector_load %arg10[%swap3A_75, %swap3A_76] {strides = array<i32>} : memref<128x128xf32, #tpu.memory_space<vmem>>, vector<1x16xf32>,
      %swap3A_78 = vector.shape_cast %swap3A_77 : vector<1x16xf32> to vector<16xf32>
      %swap3A_79 = vector.shape_cast %broadcast_in_dim3A_9 : vector<16xf32> to vector<1x16xf32>
      tpu.vector_store %arg10[%swap3A_75, %swap3A_76], %swap3A_79 {strides = array<i32>} : memref<128x128xf32, #tpu.memory_space<vmem>>, vector<1x16xf32>,
      %scan3A_80 = arith.constant 0 : i32
      scf.yield %scan3A_80 : i32
    }
    %scan3A_15 = arith.constant 128 : i32
    %scan3A_16 = arith.constant 0 : i32
    %scan3A_17 = arith.constant 0 : i32
    %scan3A_18 = arith.constant 5 : i32
    %scan3A_19 = arith.addi %scan3A_17, %scan3A_18 : i32
    %scan3A_20 = arith.constant 1 : i32
    %scan3A_21 = scf.for %scan3A_39 = %scan3A_17 to %scan3A_19 step %scan3A_20 iter_args(%scan3A_40 = %scan3A_16) -> (i32)  : i32 {
      %mul3A_41 = arith.constant 640 : i32
      %mul3A_42 = arith.muli %arg1, %mul3A_41 : i32
      %mul3A_43 = arith.constant 128 : i32
      %mul3A_44 = arith.muli %scan3A_39, %mul3A_43 : i32
      %add3A_45 = arith.addi %mul3A_42, %mul3A_44 : i32
      "tpu.region"() ({
        %run_scoped3A = tpu.sem_alloc : memref<!tpu.dma_semaphore, #tpu.memory_space<semaphore_mem>>
        %dma_start3A = arith.constant 0 : i32
        %dma_start3A_47 = tpu.memref_slice %arg12[%add3A_45, %dma_start3A] : memref<10240x128xf32, #tpu.memory_space<vmem_shared>> -> memref<128x128xf32, #tpu.memory_space<vmem_shared>>
        %dma_start3A_48 = arith.constant 0 : i32
        %dma_start3A_49 = tpu.memref_slice %arg12[%add3A_45, %dma_start3A_48] : memref<10240x128xf32, #tpu.memory_space<vmem_shared>> -> memref<128x128xf32, #tpu.memory_space<vmem_shared>>
        tpu.enqueue_dma source(%arg10 : memref<128x128xf32, #tpu.memory_space<vmem>>) target(%dma_start3A_49 : memref<128x128xf32, #tpu.memory_space<vmem_shared>>) target_semaphore(%run_scoped3A : memref<!tpu.dma_semaphore, #tpu.memory_space<semaphore_mem>>)
        %dma_wait3A = arith.constant 0 : i32
        %dma_wait3A_50 = tpu.memref_slice %arg12[%add3A_45, %dma_wait3A] : memref<10240x128xf32, #tpu.memory_space<vmem_shared>> -> memref<128x128xf32, #tpu.memory_space<vmem_shared>>
        %dma_wait3A_51 = arith.constant 0 : i32
        %dma_wait3A_52 = tpu.memref_slice %arg12[%add3A_45, %dma_wait3A_51] : memref<10240x128xf32, #tpu.memory_space<vmem_shared>> -> memref<128x128xf32, #tpu.memory_space<vmem_shared>>
        tpu.wait_dma2 semaphore(%run_scoped3A : memref<!tpu.dma_semaphore, #tpu.memory_space<semaphore_mem>>) src(%arg10 : memref<128x128xf32, #tpu.memory_space<vmem>>) dst(%dma_wait3A_52 : memref<128x128xf32, #tpu.memory_space<vmem_shared>>)
        tpu.yield
      }) : () -> ()
      %scan3A_46 = arith.constant 0 : i32
      scf.yield %scan3A_46 : i32
    }
    %scan3A_22 = arith.constant 5 : i32
    %barrier3A = arith.constant 0 : index
    tpu.barrier barrier_id(%barrier3A)
    %while3A = arith.constant 0 : i32
    %while3A_23 = arith.constant 0 : i32
    %while3A_24 = arith.subi %select_n3A, %while3A : i32
    %while3A_25 = arith.addi %while3A, %while3A_24 : i32
    %while3A_26 = arith.constant 1 : i32
    %while3A_27 = arith.divsi %while3A_24, %while3A_26 : i32
    %while3A_28 = arith.muli %while3A_27, %while3A_26 : i32
    %while3A_29 = arith.addi %while3A, %while3A_28 : i32
    %while3A_30 = arith.constant 1 : i32
    %while3A_31 = scf.for %while3A_39 = %while3A to %while3A_29 step %while3A_30 iter_args(%while3A_40 = %while3A_23) -> (i32)  : i32 {
      %add3A_41 = arith.addi %select_n3A_8, %while3A_39 : i32
      "tpu.region"() ({
        %run_scoped3A_55 = tpu.sem_alloc : memref<!tpu.dma_semaphore, #tpu.memory_space<semaphore_mem>>
        %dma_start3A_56 = arith.constant 0 : i32
        %dma_start3A_57 = arith.constant 0 : i32
        %dma_start3A_58 = tpu.memref_slice %arg4[%add3A_41, %dma_start3A_56, %dma_start3A_57] : memref<2528x1x128xi32, #tpu.memory_space<hbm>> -> memref<1x1x128xi32, #tpu.memory_space<hbm>>
        %dma_start3A_59 = tpu.memref_squeeze %dma_start3A_58 : memref<1x1x128xi32, #tpu.memory_space<hbm>> -> memref<1x128xi32, #tpu.memory_space<hbm>>
        %dma_start3A_60 = arith.constant 0 : i32
        %dma_start3A_61 = arith.constant 0 : i32
        %dma_start3A_62 = tpu.memref_slice %arg4[%add3A_41, %dma_start3A_60, %dma_start3A_61] : memref<2528x1x128xi32, #tpu.memory_space<hbm>> -> memref<1x1x128xi32, #tpu.memory_space<hbm>>
        %dma_start3A_63 = tpu.memref_squeeze %dma_start3A_62 : memref<1x1x128xi32, #tpu.memory_space<hbm>> -> memref<1x128xi32, #tpu.memory_space<hbm>>
        tpu.enqueue_dma source(%dma_start3A_63 : memref<1x128xi32, #tpu.memory_space<hbm>>) target(%arg7 : memref<1x128xi32, #tpu.memory_space<vmem>>) target_semaphore(%run_scoped3A_55 : memref<!tpu.dma_semaphore, #tpu.memory_space<semaphore_mem>>)
        %dma_wait3A_64 = arith.constant 0 : i32
        %dma_wait3A_65 = arith.constant 0 : i32
        %dma_wait3A_66 = tpu.memref_slice %arg4[%add3A_41, %dma_wait3A_64, %dma_wait3A_65] : memref<2528x1x128xi32, #tpu.memory_space<hbm>> -> memref<1x1x128xi32, #tpu.memory_space<hbm>>
        %dma_wait3A_67 = tpu.memref_squeeze %dma_wait3A_66 : memref<1x1x128xi32, #tpu.memory_space<hbm>> -> memref<1x128xi32, #tpu.memory_space<hbm>>
        %dma_wait3A_68 = arith.constant 0 : i32
        %dma_wait3A_69 = arith.constant 0 : i32
        %dma_wait3A_70 = tpu.memref_slice %arg4[%add3A_41, %dma_wait3A_68, %dma_wait3A_69] : memref<2528x1x128xi32, #tpu.memory_space<hbm>> -> memref<1x1x128xi32, #tpu.memory_space<hbm>>
        %dma_wait3A_71 = tpu.memref_squeeze %dma_wait3A_70 : memref<1x1x128xi32, #tpu.memory_space<hbm>> -> memref<1x128xi32, #tpu.memory_space<hbm>>
        tpu.wait_dma2 semaphore(%run_scoped3A_55 : memref<!tpu.dma_semaphore, #tpu.memory_space<semaphore_mem>>) src(%dma_wait3A_71 : memref<1x128xi32, #tpu.memory_space<hbm>>) dst(%arg7 : memref<1x128xi32, #tpu.memory_space<vmem>>)
        tpu.yield
      }) : () -> ()
      "tpu.region"() ({
        %run_scoped3A_55 = tpu.sem_alloc : memref<!tpu.dma_semaphore, #tpu.memory_space<semaphore_mem>>
        %dma_start3A_56 = arith.constant 0 : i32
        %dma_start3A_57 = arith.constant 0 : i32
        %dma_start3A_58 = tpu.memref_slice %arg3[%add3A_41, %dma_start3A_56, %dma_start3A_57] : memref<2528x1x128xi32, #tpu.memory_space<hbm>> -> memref<1x1x128xi32, #tpu.memory_space<hbm>>
        %dma_start3A_59 = tpu.memref_squeeze %dma_start3A_58 : memref<1x1x128xi32, #tpu.memory_space<hbm>> -> memref<1x128xi32, #tpu.memory_space<hbm>>
        %dma_start3A_60 = arith.constant 0 : i32
        %dma_start3A_61 = arith.constant 0 : i32
        %dma_start3A_62 = tpu.memref_slice %arg3[%add3A_41, %dma_start3A_60, %dma_start3A_61] : memref<2528x1x128xi32, #tpu.memory_space<hbm>> -> memref<1x1x128xi32, #tpu.memory_space<hbm>>
        %dma_start3A_63 = tpu.memref_squeeze %dma_start3A_62 : memref<1x1x128xi32, #tpu.memory_space<hbm>> -> memref<1x128xi32, #tpu.memory_space<hbm>>
        tpu.enqueue_dma source(%dma_start3A_63 : memref<1x128xi32, #tpu.memory_space<hbm>>) target(%arg6 : memref<1x128xi32, #tpu.memory_space<vmem>>) target_semaphore(%run_scoped3A_55 : memref<!tpu.dma_semaphore, #tpu.memory_space<semaphore_mem>>)
        %dma_wait3A_64 = arith.constant 0 : i32
        %dma_wait3A_65 = arith.constant 0 : i32
        %dma_wait3A_66 = tpu.memref_slice %arg3[%add3A_41, %dma_wait3A_64, %dma_wait3A_65] : memref<2528x1x128xi32, #tpu.memory_space<hbm>> -> memref<1x1x128xi32, #tpu.memory_space<hbm>>
        %dma_wait3A_67 = tpu.memref_squeeze %dma_wait3A_66 : memref<1x1x128xi32, #tpu.memory_space<hbm>> -> memref<1x128xi32, #tpu.memory_space<hbm>>
        %dma_wait3A_68 = arith.constant 0 : i32
        %dma_wait3A_69 = arith.constant 0 : i32
        %dma_wait3A_70 = tpu.memref_slice %arg3[%add3A_41, %dma_wait3A_68, %dma_wait3A_69] : memref<2528x1x128xi32, #tpu.memory_space<hbm>> -> memref<1x1x128xi32, #tpu.memory_space<hbm>>
        %dma_wait3A_71 = tpu.memref_squeeze %dma_wait3A_70 : memref<1x1x128xi32, #tpu.memory_space<hbm>> -> memref<1x128xi32, #tpu.memory_space<hbm>>
        tpu.wait_dma2 semaphore(%run_scoped3A_55 : memref<!tpu.dma_semaphore, #tpu.memory_space<semaphore_mem>>) src(%dma_wait3A_71 : memref<1x128xi32, #tpu.memory_space<hbm>>) dst(%arg6 : memref<1x128xi32, #tpu.memory_space<vmem>>)
        tpu.yield
      }) : () -> ()
      %dma_start3A = arith.constant 0 : i32
      %dma_start3A_42 = arith.constant 0 : i32
      %dma_start3A_43 = tpu.memref_slice %arg6[%dma_start3A, %dma_start3A_42] : memref<1x128xi32, #tpu.memory_space<vmem>> -> memref<1x128xi32, #tpu.memory_space<vmem>>
      %dma_start3A_44 = tpu.memref_squeeze %dma_start3A_43 : memref<1x128xi32, #tpu.memory_space<vmem>> -> memref<128xi32, #tpu.memory_space<vmem>>
      %dma_start3A_45 = arith.constant 0 : i32
      %dma_start3A_46 = arith.constant 0 : i32
      %dma_start3A_47 = tpu.memref_slice %arg2[%dma_start3A_45, %dma_start3A_46] : memref<10000x128xf32, #tpu.memory_space<hbm>> -> memref<10000x128xf32, #tpu.memory_space<hbm>>
      tpu.enqueue_indirect_dma source(%dma_start3A_47 : memref<10000x128xf32, #tpu.memory_space<hbm>>) target(%arg10 : memref<128x128xf32, #tpu.memory_space<vmem>>) offsets(%dma_start3A_44 : memref<128xi32, #tpu.memory_space<vmem>>) semaphore(%arg13 : memref<!tpu.dma_semaphore, #tpu.memory_space<semaphore_mem>>)
      %dma_wait3A = arith.constant 0 : i32
      %dma_wait3A_48 = arith.constant 0 : i32
      %dma_wait3A_49 = tpu.memref_slice %arg6[%dma_wait3A, %dma_wait3A_48] : memref<1x128xi32, #tpu.memory_space<vmem>> -> memref<1x128xi32, #tpu.memory_space<vmem>>
      %dma_wait3A_50 = tpu.memref_squeeze %dma_wait3A_49 : memref<1x128xi32, #tpu.memory_space<vmem>> -> memref<128xi32, #tpu.memory_space<vmem>>
      %dma_wait3A_51 = arith.constant 0 : i32
      %dma_wait3A_52 = arith.constant 0 : i32
      %dma_wait3A_53 = tpu.memref_slice %arg2[%dma_wait3A_51, %dma_wait3A_52] : memref<10000x128xf32, #tpu.memory_space<hbm>> -> memref<10000x128xf32, #tpu.memory_space<hbm>>
      tpu.wait_indirect_dma semaphore(%arg13 : memref<!tpu.dma_semaphore, #tpu.memory_space<semaphore_mem>>) src(%dma_wait3A_53 : memref<10000x128xf32, #tpu.memory_space<hbm>>) dst(%arg10 : memref<128x128xf32, #tpu.memory_space<vmem>>)
      %run_scoped3A = arith.constant 0 : i32
      "tpu.region"() ({
        %run_scoped3A_55 = tpu.sem_alloc : memref<!tpu.dma_semaphore, #tpu.memory_space<semaphore_mem>>
        %dma_start3A_56 = arith.constant 0 : i32
        %dma_start3A_57 = tpu.memref_slice %arg7[%run_scoped3A, %dma_start3A_56] : memref<1x128xi32, #tpu.memory_space<vmem>> -> memref<1x128xi32, #tpu.memory_space<vmem>>
        %dma_start3A_58 = tpu.memref_squeeze %dma_start3A_57 : memref<1x128xi32, #tpu.memory_space<vmem>> -> memref<128xi32, #tpu.memory_space<vmem>>
        %dma_start3A_59 = arith.constant 0 : i32
        %dma_start3A_60 = arith.constant 0 : i32
        %dma_start3A_61 = tpu.memref_slice %arg12[%dma_start3A_59, %dma_start3A_60] : memref<10240x128xf32, #tpu.memory_space<vmem_shared>> -> memref<10240x128xf32, #tpu.memory_space<vmem_shared>>
        tpu.enqueue_indirect_dma source(%arg10 : memref<128x128xf32, #tpu.memory_space<vmem>>) target(%dma_start3A_61 : memref<10240x128xf32, #tpu.memory_space<vmem_shared>>) offsets(%dma_start3A_58 : memref<128xi32, #tpu.memory_space<vmem>>) semaphore(%run_scoped3A_55 : memref<!tpu.dma_semaphore, #tpu.memory_space<semaphore_mem>>) {add = true}
        %dma_wait3A_62 = arith.constant 0 : i32
        %dma_wait3A_63 = tpu.memref_slice %arg7[%run_scoped3A, %dma_wait3A_62] : memref<1x128xi32, #tpu.memory_space<vmem>> -> memref<1x128xi32, #tpu.memory_space<vmem>>
        %dma_wait3A_64 = tpu.memref_squeeze %dma_wait3A_63 : memref<1x128xi32, #tpu.memory_space<vmem>> -> memref<128xi32, #tpu.memory_space<vmem>>
        %dma_wait3A_65 = arith.constant 0 : i32
        %dma_wait3A_66 = arith.constant 0 : i32
        %dma_wait3A_67 = tpu.memref_slice %arg12[%dma_wait3A_65, %dma_wait3A_66] : memref<10240x128xf32, #tpu.memory_space<vmem_shared>> -> memref<10240x128xf32, #tpu.memory_space<vmem_shared>>
        tpu.wait_indirect_dma semaphore(%run_scoped3A_55 : memref<!tpu.dma_semaphore, #tpu.memory_space<semaphore_mem>>) src(%arg10 : memref<128x128xf32, #tpu.memory_space<vmem>>) dst(%dma_wait3A_67 : memref<10240x128xf32, #tpu.memory_space<vmem_shared>>)
        tpu.yield
      }) : () -> ()
      %while3A_54 = arith.constant 0 : i32
      scf.yield %while3A_54 : i32
    }
    %while3A_32 = arith.constant 1 : i32
    %while3A_33 = scf.for %while3A_39 = %while3A_29 to %while3A_25 step %while3A_32 iter_args(%while3A_40 = %while3A_31) -> (i32)  : i32 {
      %add3A_41 = arith.addi %select_n3A_8, %while3A_39 : i32
      "tpu.region"() ({
        %run_scoped3A_55 = tpu.sem_alloc : memref<!tpu.dma_semaphore, #tpu.memory_space<semaphore_mem>>
        %dma_start3A_56 = arith.constant 0 : i32
        %dma_start3A_57 = arith.constant 0 : i32
        %dma_start3A_58 = tpu.memref_slice %arg4[%add3A_41, %dma_start3A_56, %dma_start3A_57] : memref<2528x1x128xi32, #tpu.memory_space<hbm>> -> memref<1x1x128xi32, #tpu.memory_space<hbm>>
        %dma_start3A_59 = tpu.memref_squeeze %dma_start3A_58 : memref<1x1x128xi32, #tpu.memory_space<hbm>> -> memref<1x128xi32, #tpu.memory_space<hbm>>
        %dma_start3A_60 = arith.constant 0 : i32
        %dma_start3A_61 = arith.constant 0 : i32
        %dma_start3A_62 = tpu.memref_slice %arg4[%add3A_41, %dma_start3A_60, %dma_start3A_61] : memref<2528x1x128xi32, #tpu.memory_space<hbm>> -> memref<1x1x128xi32, #tpu.memory_space<hbm>>
        %dma_start3A_63 = tpu.memref_squeeze %dma_start3A_62 : memref<1x1x128xi32, #tpu.memory_space<hbm>> -> memref<1x128xi32, #tpu.memory_space<hbm>>
        tpu.enqueue_dma source(%dma_start3A_63 : memref<1x128xi32, #tpu.memory_space<hbm>>) target(%arg7 : memref<1x128xi32, #tpu.memory_space<vmem>>) target_semaphore(%run_scoped3A_55 : memref<!tpu.dma_semaphore, #tpu.memory_space<semaphore_mem>>)
        %dma_wait3A_64 = arith.constant 0 : i32
        %dma_wait3A_65 = arith.constant 0 : i32
        %dma_wait3A_66 = tpu.memref_slice %arg4[%add3A_41, %dma_wait3A_64, %dma_wait3A_65] : memref<2528x1x128xi32, #tpu.memory_space<hbm>> -> memref<1x1x128xi32, #tpu.memory_space<hbm>>
        %dma_wait3A_67 = tpu.memref_squeeze %dma_wait3A_66 : memref<1x1x128xi32, #tpu.memory_space<hbm>> -> memref<1x128xi32, #tpu.memory_space<hbm>>
        %dma_wait3A_68 = arith.constant 0 : i32
        %dma_wait3A_69 = arith.constant 0 : i32
        %dma_wait3A_70 = tpu.memref_slice %arg4[%add3A_41, %dma_wait3A_68, %dma_wait3A_69] : memref<2528x1x128xi32, #tpu.memory_space<hbm>> -> memref<1x1x128xi32, #tpu.memory_space<hbm>>
        %dma_wait3A_71 = tpu.memref_squeeze %dma_wait3A_70 : memref<1x1x128xi32, #tpu.memory_space<hbm>> -> memref<1x128xi32, #tpu.memory_space<hbm>>
        tpu.wait_dma2 semaphore(%run_scoped3A_55 : memref<!tpu.dma_semaphore, #tpu.memory_space<semaphore_mem>>) src(%dma_wait3A_71 : memref<1x128xi32, #tpu.memory_space<hbm>>) dst(%arg7 : memref<1x128xi32, #tpu.memory_space<vmem>>)
        tpu.yield
      }) : () -> ()
      "tpu.region"() ({
        %run_scoped3A_55 = tpu.sem_alloc : memref<!tpu.dma_semaphore, #tpu.memory_space<semaphore_mem>>
        %dma_start3A_56 = arith.constant 0 : i32
        %dma_start3A_57 = arith.constant 0 : i32
        %dma_start3A_58 = tpu.memref_slice %arg3[%add3A_41, %dma_start3A_56, %dma_start3A_57] : memref<2528x1x128xi32, #tpu.memory_space<hbm>> -> memref<1x1x128xi32, #tpu.memory_space<hbm>>
        %dma_start3A_59 = tpu.memref_squeeze %dma_start3A_58 : memref<1x1x128xi32, #tpu.memory_space<hbm>> -> memref<1x128xi32, #tpu.memory_space<hbm>>
        %dma_start3A_60 = arith.constant 0 : i32
        %dma_start3A_61 = arith.constant 0 : i32
        %dma_start3A_62 = tpu.memref_slice %arg3[%add3A_41, %dma_start3A_60, %dma_start3A_61] : memref<2528x1x128xi32, #tpu.memory_space<hbm>> -> memref<1x1x128xi32, #tpu.memory_space<hbm>>
        %dma_start3A_63 = tpu.memref_squeeze %dma_start3A_62 : memref<1x1x128xi32, #tpu.memory_space<hbm>> -> memref<1x128xi32, #tpu.memory_space<hbm>>
        tpu.enqueue_dma source(%dma_start3A_63 : memref<1x128xi32, #tpu.memory_space<hbm>>) target(%arg6 : memref<1x128xi32, #tpu.memory_space<vmem>>) target_semaphore(%run_scoped3A_55 : memref<!tpu.dma_semaphore, #tpu.memory_space<semaphore_mem>>)
        %dma_wait3A_64 = arith.constant 0 : i32
        %dma_wait3A_65 = arith.constant 0 : i32
        %dma_wait3A_66 = tpu.memref_slice %arg3[%add3A_41, %dma_wait3A_64, %dma_wait3A_65] : memref<2528x1x128xi32, #tpu.memory_space<hbm>> -> memref<1x1x128xi32, #tpu.memory_space<hbm>>
        %dma_wait3A_67 = tpu.memref_squeeze %dma_wait3A_66 : memref<1x1x128xi32, #tpu.memory_space<hbm>> -> memref<1x128xi32, #tpu.memory_space<hbm>>
        %dma_wait3A_68 = arith.constant 0 : i32
        %dma_wait3A_69 = arith.constant 0 : i32
        %dma_wait3A_70 = tpu.memref_slice %arg3[%add3A_41, %dma_wait3A_68, %dma_wait3A_69] : memref<2528x1x128xi32, #tpu.memory_space<hbm>> -> memref<1x1x128xi32, #tpu.memory_space<hbm>>
        %dma_wait3A_71 = tpu.memref_squeeze %dma_wait3A_70 : memref<1x1x128xi32, #tpu.memory_space<hbm>> -> memref<1x128xi32, #tpu.memory_space<hbm>>
        tpu.wait_dma2 semaphore(%run_scoped3A_55 : memref<!tpu.dma_semaphore, #tpu.memory_space<semaphore_mem>>) src(%dma_wait3A_71 : memref<1x128xi32, #tpu.memory_space<hbm>>) dst(%arg6 : memref<1x128xi32, #tpu.memory_space<vmem>>)
        tpu.yield
      }) : () -> ()
      %dma_start3A = arith.constant 0 : i32
      %dma_start3A_42 = arith.constant 0 : i32
      %dma_start3A_43 = tpu.memref_slice %arg6[%dma_start3A, %dma_start3A_42] : memref<1x128xi32, #tpu.memory_space<vmem>> -> memref<1x128xi32, #tpu.memory_space<vmem>>
      %dma_start3A_44 = tpu.memref_squeeze %dma_start3A_43 : memref<1x128xi32, #tpu.memory_space<vmem>> -> memref<128xi32, #tpu.memory_space<vmem>>
      %dma_start3A_45 = arith.constant 0 : i32
      %dma_start3A_46 = arith.constant 0 : i32
      %dma_start3A_47 = tpu.memref_slice %arg2[%dma_start3A_45, %dma_start3A_46] : memref<10000x128xf32, #tpu.memory_space<hbm>> -> memref<10000x128xf32, #tpu.memory_space<hbm>>
      tpu.enqueue_indirect_dma source(%dma_start3A_47 : memref<10000x128xf32, #tpu.memory_space<hbm>>) target(%arg10 : memref<128x128xf32, #tpu.memory_space<vmem>>) offsets(%dma_start3A_44 : memref<128xi32, #tpu.memory_space<vmem>>) semaphore(%arg13 : memref<!tpu.dma_semaphore, #tpu.memory_space<semaphore_mem>>)
      %dma_wait3A = arith.constant 0 : i32
      %dma_wait3A_48 = arith.constant 0 : i32
      %dma_wait3A_49 = tpu.memref_slice %arg6[%dma_wait3A, %dma_wait3A_48] : memref<1x128xi32, #tpu.memory_space<vmem>> -> memref<1x128xi32, #tpu.memory_space<vmem>>
      %dma_wait3A_50 = tpu.memref_squeeze %dma_wait3A_49 : memref<1x128xi32, #tpu.memory_space<vmem>> -> memref<128xi32, #tpu.memory_space<vmem>>
      %dma_wait3A_51 = arith.constant 0 : i32
      %dma_wait3A_52 = arith.constant 0 : i32
      %dma_wait3A_53 = tpu.memref_slice %arg2[%dma_wait3A_51, %dma_wait3A_52] : memref<10000x128xf32, #tpu.memory_space<hbm>> -> memref<10000x128xf32, #tpu.memory_space<hbm>>
      tpu.wait_indirect_dma semaphore(%arg13 : memref<!tpu.dma_semaphore, #tpu.memory_space<semaphore_mem>>) src(%dma_wait3A_53 : memref<10000x128xf32, #tpu.memory_space<hbm>>) dst(%arg10 : memref<128x128xf32, #tpu.memory_space<vmem>>)
      %run_scoped3A = arith.constant 0 : i32
      "tpu.region"() ({
        %run_scoped3A_55 = tpu.sem_alloc : memref<!tpu.dma_semaphore, #tpu.memory_space<semaphore_mem>>
        %dma_start3A_56 = arith.constant 0 : i32
        %dma_start3A_57 = tpu.memref_slice %arg7[%run_scoped3A, %dma_start3A_56] : memref<1x128xi32, #tpu.memory_space<vmem>> -> memref<1x128xi32, #tpu.memory_space<vmem>>
        %dma_start3A_58 = tpu.memref_squeeze %dma_start3A_57 : memref<1x128xi32, #tpu.memory_space<vmem>> -> memref<128xi32, #tpu.memory_space<vmem>>
        %dma_start3A_59 = arith.constant 0 : i32
        %dma_start3A_60 = arith.constant 0 : i32
        %dma_start3A_61 = tpu.memref_slice %arg12[%dma_start3A_59, %dma_start3A_60] : memref<10240x128xf32, #tpu.memory_space<vmem_shared>> -> memref<10240x128xf32, #tpu.memory_space<vmem_shared>>
        tpu.enqueue_indirect_dma source(%arg10 : memref<128x128xf32, #tpu.memory_space<vmem>>) target(%dma_start3A_61 : memref<10240x128xf32, #tpu.memory_space<vmem_shared>>) offsets(%dma_start3A_58 : memref<128xi32, #tpu.memory_space<vmem>>) semaphore(%run_scoped3A_55 : memref<!tpu.dma_semaphore, #tpu.memory_space<semaphore_mem>>) {add = true}
        %dma_wait3A_62 = arith.constant 0 : i32
        %dma_wait3A_63 = tpu.memref_slice %arg7[%run_scoped3A, %dma_wait3A_62] : memref<1x128xi32, #tpu.memory_space<vmem>> -> memref<1x128xi32, #tpu.memory_space<vmem>>
        %dma_wait3A_64 = tpu.memref_squeeze %dma_wait3A_63 : memref<1x128xi32, #tpu.memory_space<vmem>> -> memref<128xi32, #tpu.memory_space<vmem>>
        %dma_wait3A_65 = arith.constant 0 : i32
        %dma_wait3A_66 = arith.constant 0 : i32
        %dma_wait3A_67 = tpu.memref_slice %arg12[%dma_wait3A_65, %dma_wait3A_66] : memref<10240x128xf32, #tpu.memory_space<vmem_shared>> -> memref<10240x128xf32, #tpu.memory_space<vmem_shared>>
        tpu.wait_indirect_dma semaphore(%run_scoped3A_55 : memref<!tpu.dma_semaphore, #tpu.memory_space<semaphore_mem>>) src(%arg10 : memref<128x128xf32, #tpu.memory_space<vmem>>) dst(%dma_wait3A_67 : memref<10240x128xf32, #tpu.memory_space<vmem_shared>>)
        tpu.yield
      }) : () -> ()
      %while3A_54 = arith.constant 0 : i32
      scf.yield %while3A_54 : i32
    }
    %barrier3A_34 = arith.constant 0 : index
    tpu.barrier barrier_id(%barrier3A_34)
    %mul3A_35 = arith.constant 640 : i32
    %mul3A_36 = arith.muli %arg1, %mul3A_35 : i32
    %mul3A_37 = arith.constant 640 : i32
    %mul3A_38 = arith.muli %arg1, %mul3A_37 : i32
    "tpu.region"() ({
      %run_scoped3A = tpu.sem_alloc : memref<!tpu.dma_semaphore, #tpu.memory_space<semaphore_mem>>
      %dma_start3A = arith.constant 0 : i32
      %dma_start3A_39 = tpu.memref_slice %arg5[%arg0, %mul3A_38, %dma_start3A] : memref<2x10240x128xf32, #tpu.memory_space<hbm>> -> memref<1x640x128xf32, #tpu.memory_space<hbm>>
      %dma_start3A_40 = tpu.memref_squeeze %dma_start3A_39 : memref<1x640x128xf32, #tpu.memory_space<hbm>> -> memref<640x128xf32, #tpu.memory_space<hbm>>
      %dma_start3A_41 = arith.constant 0 : i32
      %dma_start3A_42 = tpu.memref_slice %arg12[%mul3A_36, %dma_start3A_41] : memref<10240x128xf32, #tpu.memory_space<vmem_shared>> -> memref<640x128xf32, #tpu.memory_space<vmem_shared>>
      tpu.enqueue_dma source(%dma_start3A_42 : memref<640x128xf32, #tpu.memory_space<vmem_shared>>) target(%dma_start3A_40 : memref<640x128xf32, #tpu.memory_space<hbm>>) target_semaphore(%run_scoped3A : memref<!tpu.dma_semaphore, #tpu.memory_space<semaphore_mem>>)
      %dma_wait3A = arith.constant 0 : i32
      %dma_wait3A_43 = tpu.memref_slice %arg5[%arg0, %mul3A_38, %dma_wait3A] : memref<2x10240x128xf32, #tpu.memory_space<hbm>> -> memref<1x640x128xf32, #tpu.memory_space<hbm>>
      %dma_wait3A_44 = tpu.memref_squeeze %dma_wait3A_43 : memref<1x640x128xf32, #tpu.memory_space<hbm>> -> memref<640x128xf32, #tpu.memory_space<hbm>>
      %dma_wait3A_45 = arith.constant 0 : i32
      %dma_wait3A_46 = tpu.memref_slice %arg12[%mul3A_36, %dma_wait3A_45] : memref<10240x128xf32, #tpu.memory_space<vmem_shared>> -> memref<640x128xf32, #tpu.memory_space<vmem_shared>>
      tpu.wait_dma2 semaphore(%run_scoped3A : memref<!tpu.dma_semaphore, #tpu.memory_space<semaphore_mem>>) src(%dma_wait3A_46 : memref<640x128xf32, #tpu.memory_space<vmem_shared>>) dst(%dma_wait3A_44 : memref<640x128xf32, #tpu.memory_space<hbm>>)
      tpu.yield
    }) : () -> ()
    return
  }
}

#map = affine_map<(d0, d1) -> (0, 0, 0)>
module attributes {stable_mosaic.version = 14 : i64} {
  func.func @_s_segsum(%arg0: i32, %arg1: i32, %arg2: memref<2528x128x128xf32, #tpu.memory_space<hbm>>, %arg3: memref<2528x1x128xi32, #tpu.memory_space<hbm>>, %arg4: memref<2528x1x128xi32, #tpu.memory_space<hbm>>, %arg5: memref<2x10240x128xf32, #tpu.memory_space<hbm>>, %arg6: memref<1x128xi32, #tpu.memory_space<vmem>>, %arg7: memref<1x128xi32, #tpu.memory_space<vmem>>, %arg8: memref<1x128xi32, #tpu.memory_space<vmem>>, %arg9: memref<1x128xi32, #tpu.memory_space<vmem>>, %arg10: memref<128x128xf32, #tpu.memory_space<vmem>>, %arg11: memref<128x128xf32, #tpu.memory_space<vmem>>, %arg12: memref<10240x128xf32, #tpu.memory_space<vmem_shared>>, %arg13: memref<!tpu.dma_semaphore, #tpu.memory_space<semaphore_mem>>, %arg14: memref<!tpu.dma_semaphore, #tpu.memory_space<semaphore_mem>>) attributes {dimension_semantics = [#tpu.dimension_semantics<core_parallel>, #tpu.dimension_semantics<subcore_parallel>], iteration_bounds = array<i64: 2, 16>, scalar_prefetch = 0 : i64, scratch_operands = 9 : i64, tpu.core_type = #tpu.core_type<sc_vector_subcore>, window_params = [{transform_indices = #map}, {transform_indices = #map}, {transform_indices = #map}, {transform_indices = #map}]} {
    %eq3A = arith.constant 0 : i32
    %eq3A_0 = arith.cmpi eq, %arg0, %eq3A : i32
    %jit3A = arith.constant 104 : i32
    %jit3A_1 = arith.constant 54 : i32
    %select_n3A = arith.select %eq3A_0, %jit3A, %jit3A_1 : i32
    %eq3A_2 = arith.constant 0 : i32
    %eq3A_3 = arith.cmpi eq, %arg0, %eq3A_2 : i32
    %mul3A = arith.constant 104 : i32
    %mul3A_4 = arith.muli %arg1, %mul3A : i32
    %mul3A_5 = arith.constant 54 : i32
    %mul3A_6 = arith.muli %arg1, %mul3A_5 : i32
    %add3A = arith.constant 1664 : i32
    %add3A_7 = arith.addi %add3A, %mul3A_6 : i32
    %select_n3A_8 = arith.select %eq3A_3, %mul3A_4, %add3A_7 : i32
    %broadcast_in_dim3A = arith.constant 0.000000e+00 : f32
    %broadcast_in_dim3A_9 = vector.broadcast %broadcast_in_dim3A : f32 to vector<16xf32>
    %scan3A = arith.constant 0 : i32
    %scan3A_10 = arith.constant 0 : i32
    %scan3A_11 = arith.constant 128 : i32
    %scan3A_12 = arith.addi %scan3A_10, %scan3A_11 : i32
    %scan3A_13 = arith.constant 1 : i32
    %scan3A_14 = scf.for %scan3A_39 = %scan3A_10 to %scan3A_12 step %scan3A_13 iter_args(%scan3A_40 = %scan3A) -> (i32)  : i32 {
      %swap3A = arith.index_cast %scan3A_39 : i32 to index
      %swap3A_41 = arith.constant 0 : index
      %swap3A_42 = tpu.vector_load %arg10[%swap3A, %swap3A_41] {strides = array<i32>} : memref<128x128xf32, #tpu.memory_space<vmem>>, vector<1x16xf32>,
      %swap3A_43 = vector.shape_cast %swap3A_42 : vector<1x16xf32> to vector<16xf32>
      %swap3A_44 = vector.shape_cast %broadcast_in_dim3A_9 : vector<16xf32> to vector<1x16xf32>
      tpu.vector_store %arg10[%swap3A, %swap3A_41], %swap3A_44 {strides = array<i32>} : memref<128x128xf32, #tpu.memory_space<vmem>>, vector<1x16xf32>,
      %swap3A_45 = arith.index_cast %scan3A_39 : i32 to index
      %swap3A_46 = arith.constant 16 : index
      %swap3A_47 = tpu.vector_load %arg10[%swap3A_45, %swap3A_46] {strides = array<i32>} : memref<128x128xf32, #tpu.memory_space<vmem>>, vector<1x16xf32>,
      %swap3A_48 = vector.shape_cast %swap3A_47 : vector<1x16xf32> to vector<16xf32>
      %swap3A_49 = vector.shape_cast %broadcast_in_dim3A_9 : vector<16xf32> to vector<1x16xf32>
      tpu.vector_store %arg10[%swap3A_45, %swap3A_46], %swap3A_49 {strides = array<i32>} : memref<128x128xf32, #tpu.memory_space<vmem>>, vector<1x16xf32>,
      %swap3A_50 = arith.index_cast %scan3A_39 : i32 to index
      %swap3A_51 = arith.constant 32 : index
      %swap3A_52 = tpu.vector_load %arg10[%swap3A_50, %swap3A_51] {strides = array<i32>} : memref<128x128xf32, #tpu.memory_space<vmem>>, vector<1x16xf32>,
      %swap3A_53 = vector.shape_cast %swap3A_52 : vector<1x16xf32> to vector<16xf32>
      %swap3A_54 = vector.shape_cast %broadcast_in_dim3A_9 : vector<16xf32> to vector<1x16xf32>
      tpu.vector_store %arg10[%swap3A_50, %swap3A_51], %swap3A_54 {strides = array<i32>} : memref<128x128xf32, #tpu.memory_space<vmem>>, vector<1x16xf32>,
      %swap3A_55 = arith.index_cast %scan3A_39 : i32 to index
      %swap3A_56 = arith.constant 48 : index
      %swap3A_57 = tpu.vector_load %arg10[%swap3A_55, %swap3A_56] {strides = array<i32>} : memref<128x128xf32, #tpu.memory_space<vmem>>, vector<1x16xf32>,
      %swap3A_58 = vector.shape_cast %swap3A_57 : vector<1x16xf32> to vector<16xf32>
      %swap3A_59 = vector.shape_cast %broadcast_in_dim3A_9 : vector<16xf32> to vector<1x16xf32>
      tpu.vector_store %arg10[%swap3A_55, %swap3A_56], %swap3A_59 {strides = array<i32>} : memref<128x128xf32, #tpu.memory_space<vmem>>, vector<1x16xf32>,
      %swap3A_60 = arith.index_cast %scan3A_39 : i32 to index
      %swap3A_61 = arith.constant 64 : index
      %swap3A_62 = tpu.vector_load %arg10[%swap3A_60, %swap3A_61] {strides = array<i32>} : memref<128x128xf32, #tpu.memory_space<vmem>>, vector<1x16xf32>,
      %swap3A_63 = vector.shape_cast %swap3A_62 : vector<1x16xf32> to vector<16xf32>
      %swap3A_64 = vector.shape_cast %broadcast_in_dim3A_9 : vector<16xf32> to vector<1x16xf32>
      tpu.vector_store %arg10[%swap3A_60, %swap3A_61], %swap3A_64 {strides = array<i32>} : memref<128x128xf32, #tpu.memory_space<vmem>>, vector<1x16xf32>,
      %swap3A_65 = arith.index_cast %scan3A_39 : i32 to index
      %swap3A_66 = arith.constant 80 : index
      %swap3A_67 = tpu.vector_load %arg10[%swap3A_65, %swap3A_66] {strides = array<i32>} : memref<128x128xf32, #tpu.memory_space<vmem>>, vector<1x16xf32>,
      %swap3A_68 = vector.shape_cast %swap3A_67 : vector<1x16xf32> to vector<16xf32>
      %swap3A_69 = vector.shape_cast %broadcast_in_dim3A_9 : vector<16xf32> to vector<1x16xf32>
      tpu.vector_store %arg10[%swap3A_65, %swap3A_66], %swap3A_69 {strides = array<i32>} : memref<128x128xf32, #tpu.memory_space<vmem>>, vector<1x16xf32>,
      %swap3A_70 = arith.index_cast %scan3A_39 : i32 to index
      %swap3A_71 = arith.constant 96 : index
      %swap3A_72 = tpu.vector_load %arg10[%swap3A_70, %swap3A_71] {strides = array<i32>} : memref<128x128xf32, #tpu.memory_space<vmem>>, vector<1x16xf32>,
      %swap3A_73 = vector.shape_cast %swap3A_72 : vector<1x16xf32> to vector<16xf32>
      %swap3A_74 = vector.shape_cast %broadcast_in_dim3A_9 : vector<16xf32> to vector<1x16xf32>
      tpu.vector_store %arg10[%swap3A_70, %swap3A_71], %swap3A_74 {strides = array<i32>} : memref<128x128xf32, #tpu.memory_space<vmem>>, vector<1x16xf32>,
      %swap3A_75 = arith.index_cast %scan3A_39 : i32 to index
      %swap3A_76 = arith.constant 112 : index
      %swap3A_77 = tpu.vector_load %arg10[%swap3A_75, %swap3A_76] {strides = array<i32>} : memref<128x128xf32, #tpu.memory_space<vmem>>, vector<1x16xf32>,
      %swap3A_78 = vector.shape_cast %swap3A_77 : vector<1x16xf32> to vector<16xf32>
      %swap3A_79 = vector.shape_cast %broadcast_in_dim3A_9 : vector<16xf32> to vector<1x16xf32>
      tpu.vector_store %arg10[%swap3A_75, %swap3A_76], %swap3A_79 {strides = array<i32>} : memref<128x128xf32, #tpu.memory_space<vmem>>, vector<1x16xf32>,
      %scan3A_80 = arith.constant 0 : i32
      scf.yield %scan3A_80 : i32
    }
    %scan3A_15 = arith.constant 128 : i32
    %scan3A_16 = arith.constant 0 : i32
    %scan3A_17 = arith.constant 0 : i32
    %scan3A_18 = arith.constant 5 : i32
    %scan3A_19 = arith.addi %scan3A_17, %scan3A_18 : i32
    %scan3A_20 = arith.constant 1 : i32
    %scan3A_21 = scf.for %scan3A_39 = %scan3A_17 to %scan3A_19 step %scan3A_20 iter_args(%scan3A_40 = %scan3A_16) -> (i32)  : i32 {
      %mul3A_41 = arith.constant 640 : i32
      %mul3A_42 = arith.muli %arg1, %mul3A_41 : i32
      %mul3A_43 = arith.constant 128 : i32
      %mul3A_44 = arith.muli %scan3A_39, %mul3A_43 : i32
      %add3A_45 = arith.addi %mul3A_42, %mul3A_44 : i32
      "tpu.region"() ({
        %run_scoped3A = tpu.sem_alloc : memref<!tpu.dma_semaphore, #tpu.memory_space<semaphore_mem>>
        %dma_start3A = arith.constant 0 : i32
        %dma_start3A_47 = tpu.memref_slice %arg12[%add3A_45, %dma_start3A] : memref<10240x128xf32, #tpu.memory_space<vmem_shared>> -> memref<128x128xf32, #tpu.memory_space<vmem_shared>>
        %dma_start3A_48 = arith.constant 0 : i32
        %dma_start3A_49 = tpu.memref_slice %arg12[%add3A_45, %dma_start3A_48] : memref<10240x128xf32, #tpu.memory_space<vmem_shared>> -> memref<128x128xf32, #tpu.memory_space<vmem_shared>>
        tpu.enqueue_dma source(%arg10 : memref<128x128xf32, #tpu.memory_space<vmem>>) target(%dma_start3A_49 : memref<128x128xf32, #tpu.memory_space<vmem_shared>>) target_semaphore(%run_scoped3A : memref<!tpu.dma_semaphore, #tpu.memory_space<semaphore_mem>>)
        %dma_wait3A = arith.constant 0 : i32
        %dma_wait3A_50 = tpu.memref_slice %arg12[%add3A_45, %dma_wait3A] : memref<10240x128xf32, #tpu.memory_space<vmem_shared>> -> memref<128x128xf32, #tpu.memory_space<vmem_shared>>
        %dma_wait3A_51 = arith.constant 0 : i32
        %dma_wait3A_52 = tpu.memref_slice %arg12[%add3A_45, %dma_wait3A_51] : memref<10240x128xf32, #tpu.memory_space<vmem_shared>> -> memref<128x128xf32, #tpu.memory_space<vmem_shared>>
        tpu.wait_dma2 semaphore(%run_scoped3A : memref<!tpu.dma_semaphore, #tpu.memory_space<semaphore_mem>>) src(%arg10 : memref<128x128xf32, #tpu.memory_space<vmem>>) dst(%dma_wait3A_52 : memref<128x128xf32, #tpu.memory_space<vmem_shared>>)
        tpu.yield
      }) : () -> ()
      %scan3A_46 = arith.constant 0 : i32
      scf.yield %scan3A_46 : i32
    }
    %scan3A_22 = arith.constant 5 : i32
    %barrier3A = arith.constant 0 : index
    tpu.barrier barrier_id(%barrier3A)
    %while3A = arith.constant 0 : i32
    %while3A_23 = arith.constant 0 : i32
    %while3A_24 = arith.subi %select_n3A, %while3A : i32
    %while3A_25 = arith.addi %while3A, %while3A_24 : i32
    %while3A_26 = arith.constant 1 : i32
    %while3A_27 = arith.divsi %while3A_24, %while3A_26 : i32
    %while3A_28 = arith.muli %while3A_27, %while3A_26 : i32
    %while3A_29 = arith.addi %while3A, %while3A_28 : i32
    %while3A_30 = arith.constant 1 : i32
    %while3A_31 = scf.for %while3A_39 = %while3A to %while3A_29 step %while3A_30 iter_args(%while3A_40 = %while3A_23) -> (i32)  : i32 {
      %add3A_41 = arith.addi %select_n3A_8, %while3A_39 : i32
      "tpu.region"() ({
        %run_scoped3A_43 = tpu.sem_alloc : memref<!tpu.dma_semaphore, #tpu.memory_space<semaphore_mem>>
        %dma_start3A = arith.constant 0 : i32
        %dma_start3A_44 = arith.constant 0 : i32
        %dma_start3A_45 = tpu.memref_slice %arg4[%add3A_41, %dma_start3A, %dma_start3A_44] : memref<2528x1x128xi32, #tpu.memory_space<hbm>> -> memref<1x1x128xi32, #tpu.memory_space<hbm>>
        %dma_start3A_46 = tpu.memref_squeeze %dma_start3A_45 : memref<1x1x128xi32, #tpu.memory_space<hbm>> -> memref<1x128xi32, #tpu.memory_space<hbm>>
        %dma_start3A_47 = arith.constant 0 : i32
        %dma_start3A_48 = arith.constant 0 : i32
        %dma_start3A_49 = tpu.memref_slice %arg4[%add3A_41, %dma_start3A_47, %dma_start3A_48] : memref<2528x1x128xi32, #tpu.memory_space<hbm>> -> memref<1x1x128xi32, #tpu.memory_space<hbm>>
        %dma_start3A_50 = tpu.memref_squeeze %dma_start3A_49 : memref<1x1x128xi32, #tpu.memory_space<hbm>> -> memref<1x128xi32, #tpu.memory_space<hbm>>
        tpu.enqueue_dma source(%dma_start3A_50 : memref<1x128xi32, #tpu.memory_space<hbm>>) target(%arg7 : memref<1x128xi32, #tpu.memory_space<vmem>>) target_semaphore(%run_scoped3A_43 : memref<!tpu.dma_semaphore, #tpu.memory_space<semaphore_mem>>)
        %dma_wait3A = arith.constant 0 : i32
        %dma_wait3A_51 = arith.constant 0 : i32
        %dma_wait3A_52 = tpu.memref_slice %arg4[%add3A_41, %dma_wait3A, %dma_wait3A_51] : memref<2528x1x128xi32, #tpu.memory_space<hbm>> -> memref<1x1x128xi32, #tpu.memory_space<hbm>>
        %dma_wait3A_53 = tpu.memref_squeeze %dma_wait3A_52 : memref<1x1x128xi32, #tpu.memory_space<hbm>> -> memref<1x128xi32, #tpu.memory_space<hbm>>
        %dma_wait3A_54 = arith.constant 0 : i32
        %dma_wait3A_55 = arith.constant 0 : i32
        %dma_wait3A_56 = tpu.memref_slice %arg4[%add3A_41, %dma_wait3A_54, %dma_wait3A_55] : memref<2528x1x128xi32, #tpu.memory_space<hbm>> -> memref<1x1x128xi32, #tpu.memory_space<hbm>>
        %dma_wait3A_57 = tpu.memref_squeeze %dma_wait3A_56 : memref<1x1x128xi32, #tpu.memory_space<hbm>> -> memref<1x128xi32, #tpu.memory_space<hbm>>
        tpu.wait_dma2 semaphore(%run_scoped3A_43 : memref<!tpu.dma_semaphore, #tpu.memory_space<semaphore_mem>>) src(%dma_wait3A_57 : memref<1x128xi32, #tpu.memory_space<hbm>>) dst(%arg7 : memref<1x128xi32, #tpu.memory_space<vmem>>)
        tpu.yield
      }) : () -> ()
      "tpu.region"() ({
        %run_scoped3A_43 = tpu.sem_alloc : memref<!tpu.dma_semaphore, #tpu.memory_space<semaphore_mem>>
        %dma_start3A = arith.constant 0 : i32
        %dma_start3A_44 = arith.constant 0 : i32
        %dma_start3A_45 = tpu.memref_slice %arg2[%add3A_41, %dma_start3A, %dma_start3A_44] : memref<2528x128x128xf32, #tpu.memory_space<hbm>> -> memref<1x128x128xf32, #tpu.memory_space<hbm>>
        %dma_start3A_46 = tpu.memref_squeeze %dma_start3A_45 : memref<1x128x128xf32, #tpu.memory_space<hbm>> -> memref<128x128xf32, #tpu.memory_space<hbm>>
        %dma_start3A_47 = arith.constant 0 : i32
        %dma_start3A_48 = arith.constant 0 : i32
        %dma_start3A_49 = tpu.memref_slice %arg2[%add3A_41, %dma_start3A_47, %dma_start3A_48] : memref<2528x128x128xf32, #tpu.memory_space<hbm>> -> memref<1x128x128xf32, #tpu.memory_space<hbm>>
        %dma_start3A_50 = tpu.memref_squeeze %dma_start3A_49 : memref<1x128x128xf32, #tpu.memory_space<hbm>> -> memref<128x128xf32, #tpu.memory_space<hbm>>
        tpu.enqueue_dma source(%dma_start3A_50 : memref<128x128xf32, #tpu.memory_space<hbm>>) target(%arg10 : memref<128x128xf32, #tpu.memory_space<vmem>>) target_semaphore(%run_scoped3A_43 : memref<!tpu.dma_semaphore, #tpu.memory_space<semaphore_mem>>)
        %dma_wait3A = arith.constant 0 : i32
        %dma_wait3A_51 = arith.constant 0 : i32
        %dma_wait3A_52 = tpu.memref_slice %arg2[%add3A_41, %dma_wait3A, %dma_wait3A_51] : memref<2528x128x128xf32, #tpu.memory_space<hbm>> -> memref<1x128x128xf32, #tpu.memory_space<hbm>>
        %dma_wait3A_53 = tpu.memref_squeeze %dma_wait3A_52 : memref<1x128x128xf32, #tpu.memory_space<hbm>> -> memref<128x128xf32, #tpu.memory_space<hbm>>
        %dma_wait3A_54 = arith.constant 0 : i32
        %dma_wait3A_55 = arith.constant 0 : i32
        %dma_wait3A_56 = tpu.memref_slice %arg2[%add3A_41, %dma_wait3A_54, %dma_wait3A_55] : memref<2528x128x128xf32, #tpu.memory_space<hbm>> -> memref<1x128x128xf32, #tpu.memory_space<hbm>>
        %dma_wait3A_57 = tpu.memref_squeeze %dma_wait3A_56 : memref<1x128x128xf32, #tpu.memory_space<hbm>> -> memref<128x128xf32, #tpu.memory_space<hbm>>
        tpu.wait_dma2 semaphore(%run_scoped3A_43 : memref<!tpu.dma_semaphore, #tpu.memory_space<semaphore_mem>>) src(%dma_wait3A_57 : memref<128x128xf32, #tpu.memory_space<hbm>>) dst(%arg10 : memref<128x128xf32, #tpu.memory_space<vmem>>)
        tpu.yield
      }) : () -> ()
      %run_scoped3A = arith.constant 0 : i32
      "tpu.region"() ({
        %run_scoped3A_43 = tpu.sem_alloc : memref<!tpu.dma_semaphore, #tpu.memory_space<semaphore_mem>>
        %dma_start3A = arith.constant 0 : i32
        %dma_start3A_44 = tpu.memref_slice %arg7[%run_scoped3A, %dma_start3A] : memref<1x128xi32, #tpu.memory_space<vmem>> -> memref<1x128xi32, #tpu.memory_space<vmem>>
        %dma_start3A_45 = tpu.memref_squeeze %dma_start3A_44 : memref<1x128xi32, #tpu.memory_space<vmem>> -> memref<128xi32, #tpu.memory_space<vmem>>
        %dma_start3A_46 = arith.constant 0 : i32
        %dma_start3A_47 = arith.constant 0 : i32
        %dma_start3A_48 = tpu.memref_slice %arg12[%dma_start3A_46, %dma_start3A_47] : memref<10240x128xf32, #tpu.memory_space<vmem_shared>> -> memref<10240x128xf32, #tpu.memory_space<vmem_shared>>
        tpu.enqueue_indirect_dma source(%arg10 : memref<128x128xf32, #tpu.memory_space<vmem>>) target(%dma_start3A_48 : memref<10240x128xf32, #tpu.memory_space<vmem_shared>>) offsets(%dma_start3A_45 : memref<128xi32, #tpu.memory_space<vmem>>) semaphore(%run_scoped3A_43 : memref<!tpu.dma_semaphore, #tpu.memory_space<semaphore_mem>>) {add = true}
        %dma_wait3A = arith.constant 0 : i32
        %dma_wait3A_49 = tpu.memref_slice %arg7[%run_scoped3A, %dma_wait3A] : memref<1x128xi32, #tpu.memory_space<vmem>> -> memref<1x128xi32, #tpu.memory_space<vmem>>
        %dma_wait3A_50 = tpu.memref_squeeze %dma_wait3A_49 : memref<1x128xi32, #tpu.memory_space<vmem>> -> memref<128xi32, #tpu.memory_space<vmem>>
        %dma_wait3A_51 = arith.constant 0 : i32
        %dma_wait3A_52 = arith.constant 0 : i32
        %dma_wait3A_53 = tpu.memref_slice %arg12[%dma_wait3A_51, %dma_wait3A_52] : memref<10240x128xf32, #tpu.memory_space<vmem_shared>> -> memref<10240x128xf32, #tpu.memory_space<vmem_shared>>
        tpu.wait_indirect_dma semaphore(%run_scoped3A_43 : memref<!tpu.dma_semaphore, #tpu.memory_space<semaphore_mem>>) src(%arg10 : memref<128x128xf32, #tpu.memory_space<vmem>>) dst(%dma_wait3A_53 : memref<10240x128xf32, #tpu.memory_space<vmem_shared>>)
        tpu.yield
      }) : () -> ()
      %while3A_42 = arith.constant 0 : i32
      scf.yield %while3A_42 : i32
    }
    %while3A_32 = arith.constant 1 : i32
    %while3A_33 = scf.for %while3A_39 = %while3A_29 to %while3A_25 step %while3A_32 iter_args(%while3A_40 = %while3A_31) -> (i32)  : i32 {
      %add3A_41 = arith.addi %select_n3A_8, %while3A_39 : i32
      "tpu.region"() ({
        %run_scoped3A_43 = tpu.sem_alloc : memref<!tpu.dma_semaphore, #tpu.memory_space<semaphore_mem>>
        %dma_start3A = arith.constant 0 : i32
        %dma_start3A_44 = arith.constant 0 : i32
        %dma_start3A_45 = tpu.memref_slice %arg4[%add3A_41, %dma_start3A, %dma_start3A_44] : memref<2528x1x128xi32, #tpu.memory_space<hbm>> -> memref<1x1x128xi32, #tpu.memory_space<hbm>>
        %dma_start3A_46 = tpu.memref_squeeze %dma_start3A_45 : memref<1x1x128xi32, #tpu.memory_space<hbm>> -> memref<1x128xi32, #tpu.memory_space<hbm>>
        %dma_start3A_47 = arith.constant 0 : i32
        %dma_start3A_48 = arith.constant 0 : i32
        %dma_start3A_49 = tpu.memref_slice %arg4[%add3A_41, %dma_start3A_47, %dma_start3A_48] : memref<2528x1x128xi32, #tpu.memory_space<hbm>> -> memref<1x1x128xi32, #tpu.memory_space<hbm>>
        %dma_start3A_50 = tpu.memref_squeeze %dma_start3A_49 : memref<1x1x128xi32, #tpu.memory_space<hbm>> -> memref<1x128xi32, #tpu.memory_space<hbm>>
        tpu.enqueue_dma source(%dma_start3A_50 : memref<1x128xi32, #tpu.memory_space<hbm>>) target(%arg7 : memref<1x128xi32, #tpu.memory_space<vmem>>) target_semaphore(%run_scoped3A_43 : memref<!tpu.dma_semaphore, #tpu.memory_space<semaphore_mem>>)
        %dma_wait3A = arith.constant 0 : i32
        %dma_wait3A_51 = arith.constant 0 : i32
        %dma_wait3A_52 = tpu.memref_slice %arg4[%add3A_41, %dma_wait3A, %dma_wait3A_51] : memref<2528x1x128xi32, #tpu.memory_space<hbm>> -> memref<1x1x128xi32, #tpu.memory_space<hbm>>
        %dma_wait3A_53 = tpu.memref_squeeze %dma_wait3A_52 : memref<1x1x128xi32, #tpu.memory_space<hbm>> -> memref<1x128xi32, #tpu.memory_space<hbm>>
        %dma_wait3A_54 = arith.constant 0 : i32
        %dma_wait3A_55 = arith.constant 0 : i32
        %dma_wait3A_56 = tpu.memref_slice %arg4[%add3A_41, %dma_wait3A_54, %dma_wait3A_55] : memref<2528x1x128xi32, #tpu.memory_space<hbm>> -> memref<1x1x128xi32, #tpu.memory_space<hbm>>
        %dma_wait3A_57 = tpu.memref_squeeze %dma_wait3A_56 : memref<1x1x128xi32, #tpu.memory_space<hbm>> -> memref<1x128xi32, #tpu.memory_space<hbm>>
        tpu.wait_dma2 semaphore(%run_scoped3A_43 : memref<!tpu.dma_semaphore, #tpu.memory_space<semaphore_mem>>) src(%dma_wait3A_57 : memref<1x128xi32, #tpu.memory_space<hbm>>) dst(%arg7 : memref<1x128xi32, #tpu.memory_space<vmem>>)
        tpu.yield
      }) : () -> ()
      "tpu.region"() ({
        %run_scoped3A_43 = tpu.sem_alloc : memref<!tpu.dma_semaphore, #tpu.memory_space<semaphore_mem>>
        %dma_start3A = arith.constant 0 : i32
        %dma_start3A_44 = arith.constant 0 : i32
        %dma_start3A_45 = tpu.memref_slice %arg2[%add3A_41, %dma_start3A, %dma_start3A_44] : memref<2528x128x128xf32, #tpu.memory_space<hbm>> -> memref<1x128x128xf32, #tpu.memory_space<hbm>>
        %dma_start3A_46 = tpu.memref_squeeze %dma_start3A_45 : memref<1x128x128xf32, #tpu.memory_space<hbm>> -> memref<128x128xf32, #tpu.memory_space<hbm>>
        %dma_start3A_47 = arith.constant 0 : i32
        %dma_start3A_48 = arith.constant 0 : i32
        %dma_start3A_49 = tpu.memref_slice %arg2[%add3A_41, %dma_start3A_47, %dma_start3A_48] : memref<2528x128x128xf32, #tpu.memory_space<hbm>> -> memref<1x128x128xf32, #tpu.memory_space<hbm>>
        %dma_start3A_50 = tpu.memref_squeeze %dma_start3A_49 : memref<1x128x128xf32, #tpu.memory_space<hbm>> -> memref<128x128xf32, #tpu.memory_space<hbm>>
        tpu.enqueue_dma source(%dma_start3A_50 : memref<128x128xf32, #tpu.memory_space<hbm>>) target(%arg10 : memref<128x128xf32, #tpu.memory_space<vmem>>) target_semaphore(%run_scoped3A_43 : memref<!tpu.dma_semaphore, #tpu.memory_space<semaphore_mem>>)
        %dma_wait3A = arith.constant 0 : i32
        %dma_wait3A_51 = arith.constant 0 : i32
        %dma_wait3A_52 = tpu.memref_slice %arg2[%add3A_41, %dma_wait3A, %dma_wait3A_51] : memref<2528x128x128xf32, #tpu.memory_space<hbm>> -> memref<1x128x128xf32, #tpu.memory_space<hbm>>
        %dma_wait3A_53 = tpu.memref_squeeze %dma_wait3A_52 : memref<1x128x128xf32, #tpu.memory_space<hbm>> -> memref<128x128xf32, #tpu.memory_space<hbm>>
        %dma_wait3A_54 = arith.constant 0 : i32
        %dma_wait3A_55 = arith.constant 0 : i32
        %dma_wait3A_56 = tpu.memref_slice %arg2[%add3A_41, %dma_wait3A_54, %dma_wait3A_55] : memref<2528x128x128xf32, #tpu.memory_space<hbm>> -> memref<1x128x128xf32, #tpu.memory_space<hbm>>
        %dma_wait3A_57 = tpu.memref_squeeze %dma_wait3A_56 : memref<1x128x128xf32, #tpu.memory_space<hbm>> -> memref<128x128xf32, #tpu.memory_space<hbm>>
        tpu.wait_dma2 semaphore(%run_scoped3A_43 : memref<!tpu.dma_semaphore, #tpu.memory_space<semaphore_mem>>) src(%dma_wait3A_57 : memref<128x128xf32, #tpu.memory_space<hbm>>) dst(%arg10 : memref<128x128xf32, #tpu.memory_space<vmem>>)
        tpu.yield
      }) : () -> ()
      %run_scoped3A = arith.constant 0 : i32
      "tpu.region"() ({
        %run_scoped3A_43 = tpu.sem_alloc : memref<!tpu.dma_semaphore, #tpu.memory_space<semaphore_mem>>
        %dma_start3A = arith.constant 0 : i32
        %dma_start3A_44 = tpu.memref_slice %arg7[%run_scoped3A, %dma_start3A] : memref<1x128xi32, #tpu.memory_space<vmem>> -> memref<1x128xi32, #tpu.memory_space<vmem>>
        %dma_start3A_45 = tpu.memref_squeeze %dma_start3A_44 : memref<1x128xi32, #tpu.memory_space<vmem>> -> memref<128xi32, #tpu.memory_space<vmem>>
        %dma_start3A_46 = arith.constant 0 : i32
        %dma_start3A_47 = arith.constant 0 : i32
        %dma_start3A_48 = tpu.memref_slice %arg12[%dma_start3A_46, %dma_start3A_47] : memref<10240x128xf32, #tpu.memory_space<vmem_shared>> -> memref<10240x128xf32, #tpu.memory_space<vmem_shared>>
        tpu.enqueue_indirect_dma source(%arg10 : memref<128x128xf32, #tpu.memory_space<vmem>>) target(%dma_start3A_48 : memref<10240x128xf32, #tpu.memory_space<vmem_shared>>) offsets(%dma_start3A_45 : memref<128xi32, #tpu.memory_space<vmem>>) semaphore(%run_scoped3A_43 : memref<!tpu.dma_semaphore, #tpu.memory_space<semaphore_mem>>) {add = true}
        %dma_wait3A = arith.constant 0 : i32
        %dma_wait3A_49 = tpu.memref_slice %arg7[%run_scoped3A, %dma_wait3A] : memref<1x128xi32, #tpu.memory_space<vmem>> -> memref<1x128xi32, #tpu.memory_space<vmem>>
        %dma_wait3A_50 = tpu.memref_squeeze %dma_wait3A_49 : memref<1x128xi32, #tpu.memory_space<vmem>> -> memref<128xi32, #tpu.memory_space<vmem>>
        %dma_wait3A_51 = arith.constant 0 : i32
        %dma_wait3A_52 = arith.constant 0 : i32
        %dma_wait3A_53 = tpu.memref_slice %arg12[%dma_wait3A_51, %dma_wait3A_52] : memref<10240x128xf32, #tpu.memory_space<vmem_shared>> -> memref<10240x128xf32, #tpu.memory_space<vmem_shared>>
        tpu.wait_indirect_dma semaphore(%run_scoped3A_43 : memref<!tpu.dma_semaphore, #tpu.memory_space<semaphore_mem>>) src(%arg10 : memref<128x128xf32, #tpu.memory_space<vmem>>) dst(%dma_wait3A_53 : memref<10240x128xf32, #tpu.memory_space<vmem_shared>>)
        tpu.yield
      }) : () -> ()
      %while3A_42 = arith.constant 0 : i32
      scf.yield %while3A_42 : i32
    }
    %barrier3A_34 = arith.constant 0 : index
    tpu.barrier barrier_id(%barrier3A_34)
    %mul3A_35 = arith.constant 640 : i32
    %mul3A_36 = arith.muli %arg1, %mul3A_35 : i32
    %mul3A_37 = arith.constant 640 : i32
    %mul3A_38 = arith.muli %arg1, %mul3A_37 : i32
    "tpu.region"() ({
      %run_scoped3A = tpu.sem_alloc : memref<!tpu.dma_semaphore, #tpu.memory_space<semaphore_mem>>
      %dma_start3A = arith.constant 0 : i32
      %dma_start3A_39 = tpu.memref_slice %arg5[%arg0, %mul3A_38, %dma_start3A] : memref<2x10240x128xf32, #tpu.memory_space<hbm>> -> memref<1x640x128xf32, #tpu.memory_space<hbm>>
      %dma_start3A_40 = tpu.memref_squeeze %dma_start3A_39 : memref<1x640x128xf32, #tpu.memory_space<hbm>> -> memref<640x128xf32, #tpu.memory_space<hbm>>
      %dma_start3A_41 = arith.constant 0 : i32
      %dma_start3A_42 = tpu.memref_slice %arg12[%mul3A_36, %dma_start3A_41] : memref<10240x128xf32, #tpu.memory_space<vmem_shared>> -> memref<640x128xf32, #tpu.memory_space<vmem_shared>>
      tpu.enqueue_dma source(%dma_start3A_42 : memref<640x128xf32, #tpu.memory_space<vmem_shared>>) target(%dma_start3A_40 : memref<640x128xf32, #tpu.memory_space<hbm>>) target_semaphore(%run_scoped3A : memref<!tpu.dma_semaphore, #tpu.memory_space<semaphore_mem>>)
      %dma_wait3A = arith.constant 0 : i32
      %dma_wait3A_43 = tpu.memref_slice %arg5[%arg0, %mul3A_38, %dma_wait3A] : memref<2x10240x128xf32, #tpu.memory_space<hbm>> -> memref<1x640x128xf32, #tpu.memory_space<hbm>>
      %dma_wait3A_44 = tpu.memref_squeeze %dma_wait3A_43 : memref<1x640x128xf32, #tpu.memory_space<hbm>> -> memref<640x128xf32, #tpu.memory_space<hbm>>
      %dma_wait3A_45 = arith.constant 0 : i32
      %dma_wait3A_46 = tpu.memref_slice %arg12[%mul3A_36, %dma_wait3A_45] : memref<10240x128xf32, #tpu.memory_space<vmem_shared>> -> memref<640x128xf32, #tpu.memory_space<vmem_shared>>
      tpu.wait_dma2 semaphore(%run_scoped3A : memref<!tpu.dma_semaphore, #tpu.memory_space<semaphore_mem>>) src(%dma_wait3A_46 : memref<640x128xf32, #tpu.memory_space<vmem_shared>>) dst(%dma_wait3A_44 : memref<640x128xf32, #tpu.memory_space<hbm>>)
      tpu.yield
    }) : () -> ()
    return
  }
}

#map = affine_map<(d0, d1) -> (0, 0)>
#map1 = affine_map<(d0, d1) -> (0, 0, 0)>
module attributes {stable_mosaic.version = 14 : i64} {
  func.func @_p_segsum(%arg0: i32, %arg1: i32, %arg2: memref<10000x128xf32, #tpu.memory_space<hbm>>, %arg3: memref<2528x1x128xi32, #tpu.memory_space<hbm>>, %arg4: memref<2528x1x128xi32, #tpu.memory_space<hbm>>, %arg5: memref<2x10240x128xf32, #tpu.memory_space<hbm>>, %arg6: memref<1x128xi32, #tpu.memory_space<vmem>>, %arg7: memref<1x128xi32, #tpu.memory_space<vmem>>, %arg8: memref<1x128xi32, #tpu.memory_space<vmem>>, %arg9: memref<1x128xi32, #tpu.memory_space<vmem>>, %arg10: memref<128x128xf32, #tpu.memory_space<vmem>>, %arg11: memref<128x128xf32, #tpu.memory_space<vmem>>, %arg12: memref<10240x128xf32, #tpu.memory_space<vmem_shared>>, %arg13: memref<!tpu.dma_semaphore, #tpu.memory_space<semaphore_mem>>, %arg14: memref<!tpu.dma_semaphore, #tpu.memory_space<semaphore_mem>>) attributes {dimension_semantics = [#tpu.dimension_semantics<core_parallel>, #tpu.dimension_semantics<subcore_parallel>], iteration_bounds = array<i64: 2, 16>, scalar_prefetch = 0 : i64, scratch_operands = 9 : i64, tpu.core_type = #tpu.core_type<sc_vector_subcore>, window_params = [{transform_indices = #map}, {transform_indices = #map1}, {transform_indices = #map1}, {transform_indices = #map1}]} {
    %eq3A = arith.constant 0 : i32
    %eq3A_0 = arith.cmpi eq, %arg0, %eq3A : i32
    %jit3A = arith.constant 104 : i32
    %jit3A_1 = arith.constant 54 : i32
    %select_n3A = arith.select %eq3A_0, %jit3A, %jit3A_1 : i32
    %eq3A_2 = arith.constant 0 : i32
    %eq3A_3 = arith.cmpi eq, %arg0, %eq3A_2 : i32
    %mul3A = arith.constant 104 : i32
    %mul3A_4 = arith.muli %arg1, %mul3A : i32
    %mul3A_5 = arith.constant 54 : i32
    %mul3A_6 = arith.muli %arg1, %mul3A_5 : i32
    %add3A = arith.constant 1664 : i32
    %add3A_7 = arith.addi %add3A, %mul3A_6 : i32
    %select_n3A_8 = arith.select %eq3A_3, %mul3A_4, %add3A_7 : i32
    %broadcast_in_dim3A = arith.constant 0.000000e+00 : f32
    %broadcast_in_dim3A_9 = vector.broadcast %broadcast_in_dim3A : f32 to vector<16xf32>
    %scan3A = arith.constant 0 : i32
    %scan3A_10 = arith.constant 0 : i32
    %scan3A_11 = arith.constant 128 : i32
    %scan3A_12 = arith.addi %scan3A_10, %scan3A_11 : i32
    %scan3A_13 = arith.constant 1 : i32
    %scan3A_14 = scf.for %scan3A_39 = %scan3A_10 to %scan3A_12 step %scan3A_13 iter_args(%scan3A_40 = %scan3A) -> (i32)  : i32 {
      %swap3A = arith.index_cast %scan3A_39 : i32 to index
      %swap3A_41 = arith.constant 0 : index
      %swap3A_42 = tpu.vector_load %arg10[%swap3A, %swap3A_41] {strides = array<i32>} : memref<128x128xf32, #tpu.memory_space<vmem>>, vector<1x16xf32>,
      %swap3A_43 = vector.shape_cast %swap3A_42 : vector<1x16xf32> to vector<16xf32>
      %swap3A_44 = vector.shape_cast %broadcast_in_dim3A_9 : vector<16xf32> to vector<1x16xf32>
      tpu.vector_store %arg10[%swap3A, %swap3A_41], %swap3A_44 {strides = array<i32>} : memref<128x128xf32, #tpu.memory_space<vmem>>, vector<1x16xf32>,
      %swap3A_45 = arith.index_cast %scan3A_39 : i32 to index
      %swap3A_46 = arith.constant 16 : index
      %swap3A_47 = tpu.vector_load %arg10[%swap3A_45, %swap3A_46] {strides = array<i32>} : memref<128x128xf32, #tpu.memory_space<vmem>>, vector<1x16xf32>,
      %swap3A_48 = vector.shape_cast %swap3A_47 : vector<1x16xf32> to vector<16xf32>
      %swap3A_49 = vector.shape_cast %broadcast_in_dim3A_9 : vector<16xf32> to vector<1x16xf32>
      tpu.vector_store %arg10[%swap3A_45, %swap3A_46], %swap3A_49 {strides = array<i32>} : memref<128x128xf32, #tpu.memory_space<vmem>>, vector<1x16xf32>,
      %swap3A_50 = arith.index_cast %scan3A_39 : i32 to index
      %swap3A_51 = arith.constant 32 : index
      %swap3A_52 = tpu.vector_load %arg10[%swap3A_50, %swap3A_51] {strides = array<i32>} : memref<128x128xf32, #tpu.memory_space<vmem>>, vector<1x16xf32>,
      %swap3A_53 = vector.shape_cast %swap3A_52 : vector<1x16xf32> to vector<16xf32>
      %swap3A_54 = vector.shape_cast %broadcast_in_dim3A_9 : vector<16xf32> to vector<1x16xf32>
      tpu.vector_store %arg10[%swap3A_50, %swap3A_51], %swap3A_54 {strides = array<i32>} : memref<128x128xf32, #tpu.memory_space<vmem>>, vector<1x16xf32>,
      %swap3A_55 = arith.index_cast %scan3A_39 : i32 to index
      %swap3A_56 = arith.constant 48 : index
      %swap3A_57 = tpu.vector_load %arg10[%swap3A_55, %swap3A_56] {strides = array<i32>} : memref<128x128xf32, #tpu.memory_space<vmem>>, vector<1x16xf32>,
      %swap3A_58 = vector.shape_cast %swap3A_57 : vector<1x16xf32> to vector<16xf32>
      %swap3A_59 = vector.shape_cast %broadcast_in_dim3A_9 : vector<16xf32> to vector<1x16xf32>
      tpu.vector_store %arg10[%swap3A_55, %swap3A_56], %swap3A_59 {strides = array<i32>} : memref<128x128xf32, #tpu.memory_space<vmem>>, vector<1x16xf32>,
      %swap3A_60 = arith.index_cast %scan3A_39 : i32 to index
      %swap3A_61 = arith.constant 64 : index
      %swap3A_62 = tpu.vector_load %arg10[%swap3A_60, %swap3A_61] {strides = array<i32>} : memref<128x128xf32, #tpu.memory_space<vmem>>, vector<1x16xf32>,
      %swap3A_63 = vector.shape_cast %swap3A_62 : vector<1x16xf32> to vector<16xf32>
      %swap3A_64 = vector.shape_cast %broadcast_in_dim3A_9 : vector<16xf32> to vector<1x16xf32>
      tpu.vector_store %arg10[%swap3A_60, %swap3A_61], %swap3A_64 {strides = array<i32>} : memref<128x128xf32, #tpu.memory_space<vmem>>, vector<1x16xf32>,
      %swap3A_65 = arith.index_cast %scan3A_39 : i32 to index
      %swap3A_66 = arith.constant 80 : index
      %swap3A_67 = tpu.vector_load %arg10[%swap3A_65, %swap3A_66] {strides = array<i32>} : memref<128x128xf32, #tpu.memory_space<vmem>>, vector<1x16xf32>,
      %swap3A_68 = vector.shape_cast %swap3A_67 : vector<1x16xf32> to vector<16xf32>
      %swap3A_69 = vector.shape_cast %broadcast_in_dim3A_9 : vector<16xf32> to vector<1x16xf32>
      tpu.vector_store %arg10[%swap3A_65, %swap3A_66], %swap3A_69 {strides = array<i32>} : memref<128x128xf32, #tpu.memory_space<vmem>>, vector<1x16xf32>,
      %swap3A_70 = arith.index_cast %scan3A_39 : i32 to index
      %swap3A_71 = arith.constant 96 : index
      %swap3A_72 = tpu.vector_load %arg10[%swap3A_70, %swap3A_71] {strides = array<i32>} : memref<128x128xf32, #tpu.memory_space<vmem>>, vector<1x16xf32>,
      %swap3A_73 = vector.shape_cast %swap3A_72 : vector<1x16xf32> to vector<16xf32>
      %swap3A_74 = vector.shape_cast %broadcast_in_dim3A_9 : vector<16xf32> to vector<1x16xf32>
      tpu.vector_store %arg10[%swap3A_70, %swap3A_71], %swap3A_74 {strides = array<i32>} : memref<128x128xf32, #tpu.memory_space<vmem>>, vector<1x16xf32>,
      %swap3A_75 = arith.index_cast %scan3A_39 : i32 to index
      %swap3A_76 = arith.constant 112 : index
      %swap3A_77 = tpu.vector_load %arg10[%swap3A_75, %swap3A_76] {strides = array<i32>} : memref<128x128xf32, #tpu.memory_space<vmem>>, vector<1x16xf32>,
      %swap3A_78 = vector.shape_cast %swap3A_77 : vector<1x16xf32> to vector<16xf32>
      %swap3A_79 = vector.shape_cast %broadcast_in_dim3A_9 : vector<16xf32> to vector<1x16xf32>
      tpu.vector_store %arg10[%swap3A_75, %swap3A_76], %swap3A_79 {strides = array<i32>} : memref<128x128xf32, #tpu.memory_space<vmem>>, vector<1x16xf32>,
      %scan3A_80 = arith.constant 0 : i32
      scf.yield %scan3A_80 : i32
    }
    %scan3A_15 = arith.constant 128 : i32
    %scan3A_16 = arith.constant 0 : i32
    %scan3A_17 = arith.constant 0 : i32
    %scan3A_18 = arith.constant 5 : i32
    %scan3A_19 = arith.addi %scan3A_17, %scan3A_18 : i32
    %scan3A_20 = arith.constant 1 : i32
    %scan3A_21 = scf.for %scan3A_39 = %scan3A_17 to %scan3A_19 step %scan3A_20 iter_args(%scan3A_40 = %scan3A_16) -> (i32)  : i32 {
      %mul3A_41 = arith.constant 640 : i32
      %mul3A_42 = arith.muli %arg1, %mul3A_41 : i32
      %mul3A_43 = arith.constant 128 : i32
      %mul3A_44 = arith.muli %scan3A_39, %mul3A_43 : i32
      %add3A_45 = arith.addi %mul3A_42, %mul3A_44 : i32
      "tpu.region"() ({
        %run_scoped3A = tpu.sem_alloc : memref<!tpu.dma_semaphore, #tpu.memory_space<semaphore_mem>>
        %dma_start3A = arith.constant 0 : i32
        %dma_start3A_47 = tpu.memref_slice %arg12[%add3A_45, %dma_start3A] : memref<10240x128xf32, #tpu.memory_space<vmem_shared>> -> memref<128x128xf32, #tpu.memory_space<vmem_shared>>
        %dma_start3A_48 = arith.constant 0 : i32
        %dma_start3A_49 = tpu.memref_slice %arg12[%add3A_45, %dma_start3A_48] : memref<10240x128xf32, #tpu.memory_space<vmem_shared>> -> memref<128x128xf32, #tpu.memory_space<vmem_shared>>
        tpu.enqueue_dma source(%arg10 : memref<128x128xf32, #tpu.memory_space<vmem>>) target(%dma_start3A_49 : memref<128x128xf32, #tpu.memory_space<vmem_shared>>) target_semaphore(%run_scoped3A : memref<!tpu.dma_semaphore, #tpu.memory_space<semaphore_mem>>)
        %dma_wait3A = arith.constant 0 : i32
        %dma_wait3A_50 = tpu.memref_slice %arg12[%add3A_45, %dma_wait3A] : memref<10240x128xf32, #tpu.memory_space<vmem_shared>> -> memref<128x128xf32, #tpu.memory_space<vmem_shared>>
        %dma_wait3A_51 = arith.constant 0 : i32
        %dma_wait3A_52 = tpu.memref_slice %arg12[%add3A_45, %dma_wait3A_51] : memref<10240x128xf32, #tpu.memory_space<vmem_shared>> -> memref<128x128xf32, #tpu.memory_space<vmem_shared>>
        tpu.wait_dma2 semaphore(%run_scoped3A : memref<!tpu.dma_semaphore, #tpu.memory_space<semaphore_mem>>) src(%arg10 : memref<128x128xf32, #tpu.memory_space<vmem>>) dst(%dma_wait3A_52 : memref<128x128xf32, #tpu.memory_space<vmem_shared>>)
        tpu.yield
      }) : () -> ()
      %scan3A_46 = arith.constant 0 : i32
      scf.yield %scan3A_46 : i32
    }
    %scan3A_22 = arith.constant 5 : i32
    %barrier3A = arith.constant 0 : index
    tpu.barrier barrier_id(%barrier3A)
    %while3A = arith.constant 0 : i32
    %while3A_23 = arith.constant 0 : i32
    %while3A_24 = arith.subi %select_n3A, %while3A : i32
    %while3A_25 = arith.addi %while3A, %while3A_24 : i32
    %while3A_26 = arith.constant 1 : i32
    %while3A_27 = arith.divsi %while3A_24, %while3A_26 : i32
    %while3A_28 = arith.muli %while3A_27, %while3A_26 : i32
    %while3A_29 = arith.addi %while3A, %while3A_28 : i32
    %while3A_30 = arith.constant 1 : i32
    %while3A_31 = scf.for %while3A_39 = %while3A to %while3A_29 step %while3A_30 iter_args(%while3A_40 = %while3A_23) -> (i32)  : i32 {
      %add3A_41 = arith.addi %select_n3A_8, %while3A_39 : i32
      "tpu.region"() ({
        %run_scoped3A_55 = tpu.sem_alloc : memref<!tpu.dma_semaphore, #tpu.memory_space<semaphore_mem>>
        %dma_start3A_56 = arith.constant 0 : i32
        %dma_start3A_57 = arith.constant 0 : i32
        %dma_start3A_58 = tpu.memref_slice %arg4[%add3A_41, %dma_start3A_56, %dma_start3A_57] : memref<2528x1x128xi32, #tpu.memory_space<hbm>> -> memref<1x1x128xi32, #tpu.memory_space<hbm>>
        %dma_start3A_59 = tpu.memref_squeeze %dma_start3A_58 : memref<1x1x128xi32, #tpu.memory_space<hbm>> -> memref<1x128xi32, #tpu.memory_space<hbm>>
        %dma_start3A_60 = arith.constant 0 : i32
        %dma_start3A_61 = arith.constant 0 : i32
        %dma_start3A_62 = tpu.memref_slice %arg4[%add3A_41, %dma_start3A_60, %dma_start3A_61] : memref<2528x1x128xi32, #tpu.memory_space<hbm>> -> memref<1x1x128xi32, #tpu.memory_space<hbm>>
        %dma_start3A_63 = tpu.memref_squeeze %dma_start3A_62 : memref<1x1x128xi32, #tpu.memory_space<hbm>> -> memref<1x128xi32, #tpu.memory_space<hbm>>
        tpu.enqueue_dma source(%dma_start3A_63 : memref<1x128xi32, #tpu.memory_space<hbm>>) target(%arg7 : memref<1x128xi32, #tpu.memory_space<vmem>>) target_semaphore(%run_scoped3A_55 : memref<!tpu.dma_semaphore, #tpu.memory_space<semaphore_mem>>)
        %dma_wait3A_64 = arith.constant 0 : i32
        %dma_wait3A_65 = arith.constant 0 : i32
        %dma_wait3A_66 = tpu.memref_slice %arg4[%add3A_41, %dma_wait3A_64, %dma_wait3A_65] : memref<2528x1x128xi32, #tpu.memory_space<hbm>> -> memref<1x1x128xi32, #tpu.memory_space<hbm>>
        %dma_wait3A_67 = tpu.memref_squeeze %dma_wait3A_66 : memref<1x1x128xi32, #tpu.memory_space<hbm>> -> memref<1x128xi32, #tpu.memory_space<hbm>>
        %dma_wait3A_68 = arith.constant 0 : i32
        %dma_wait3A_69 = arith.constant 0 : i32
        %dma_wait3A_70 = tpu.memref_slice %arg4[%add3A_41, %dma_wait3A_68, %dma_wait3A_69] : memref<2528x1x128xi32, #tpu.memory_space<hbm>> -> memref<1x1x128xi32, #tpu.memory_space<hbm>>
        %dma_wait3A_71 = tpu.memref_squeeze %dma_wait3A_70 : memref<1x1x128xi32, #tpu.memory_space<hbm>> -> memref<1x128xi32, #tpu.memory_space<hbm>>
        tpu.wait_dma2 semaphore(%run_scoped3A_55 : memref<!tpu.dma_semaphore, #tpu.memory_space<semaphore_mem>>) src(%dma_wait3A_71 : memref<1x128xi32, #tpu.memory_space<hbm>>) dst(%arg7 : memref<1x128xi32, #tpu.memory_space<vmem>>)
        tpu.yield
      }) : () -> ()
      "tpu.region"() ({
        %run_scoped3A_55 = tpu.sem_alloc : memref<!tpu.dma_semaphore, #tpu.memory_space<semaphore_mem>>
        %dma_start3A_56 = arith.constant 0 : i32
        %dma_start3A_57 = arith.constant 0 : i32
        %dma_start3A_58 = tpu.memref_slice %arg3[%add3A_41, %dma_start3A_56, %dma_start3A_57] : memref<2528x1x128xi32, #tpu.memory_space<hbm>> -> memref<1x1x128xi32, #tpu.memory_space<hbm>>
        %dma_start3A_59 = tpu.memref_squeeze %dma_start3A_58 : memref<1x1x128xi32, #tpu.memory_space<hbm>> -> memref<1x128xi32, #tpu.memory_space<hbm>>
        %dma_start3A_60 = arith.constant 0 : i32
        %dma_start3A_61 = arith.constant 0 : i32
        %dma_start3A_62 = tpu.memref_slice %arg3[%add3A_41, %dma_start3A_60, %dma_start3A_61] : memref<2528x1x128xi32, #tpu.memory_space<hbm>> -> memref<1x1x128xi32, #tpu.memory_space<hbm>>
        %dma_start3A_63 = tpu.memref_squeeze %dma_start3A_62 : memref<1x1x128xi32, #tpu.memory_space<hbm>> -> memref<1x128xi32, #tpu.memory_space<hbm>>
        tpu.enqueue_dma source(%dma_start3A_63 : memref<1x128xi32, #tpu.memory_space<hbm>>) target(%arg6 : memref<1x128xi32, #tpu.memory_space<vmem>>) target_semaphore(%run_scoped3A_55 : memref<!tpu.dma_semaphore, #tpu.memory_space<semaphore_mem>>)
        %dma_wait3A_64 = arith.constant 0 : i32
        %dma_wait3A_65 = arith.constant 0 : i32
        %dma_wait3A_66 = tpu.memref_slice %arg3[%add3A_41, %dma_wait3A_64, %dma_wait3A_65] : memref<2528x1x128xi32, #tpu.memory_space<hbm>> -> memref<1x1x128xi32, #tpu.memory_space<hbm>>
        %dma_wait3A_67 = tpu.memref_squeeze %dma_wait3A_66 : memref<1x1x128xi32, #tpu.memory_space<hbm>> -> memref<1x128xi32, #tpu.memory_space<hbm>>
        %dma_wait3A_68 = arith.constant 0 : i32
        %dma_wait3A_69 = arith.constant 0 : i32
        %dma_wait3A_70 = tpu.memref_slice %arg3[%add3A_41, %dma_wait3A_68, %dma_wait3A_69] : memref<2528x1x128xi32, #tpu.memory_space<hbm>> -> memref<1x1x128xi32, #tpu.memory_space<hbm>>
        %dma_wait3A_71 = tpu.memref_squeeze %dma_wait3A_70 : memref<1x1x128xi32, #tpu.memory_space<hbm>> -> memref<1x128xi32, #tpu.memory_space<hbm>>
        tpu.wait_dma2 semaphore(%run_scoped3A_55 : memref<!tpu.dma_semaphore, #tpu.memory_space<semaphore_mem>>) src(%dma_wait3A_71 : memref<1x128xi32, #tpu.memory_space<hbm>>) dst(%arg6 : memref<1x128xi32, #tpu.memory_space<vmem>>)
        tpu.yield
      }) : () -> ()
      %dma_start3A = arith.constant 0 : i32
      %dma_start3A_42 = arith.constant 0 : i32
      %dma_start3A_43 = tpu.memref_slice %arg6[%dma_start3A, %dma_start3A_42] : memref<1x128xi32, #tpu.memory_space<vmem>> -> memref<1x128xi32, #tpu.memory_space<vmem>>
      %dma_start3A_44 = tpu.memref_squeeze %dma_start3A_43 : memref<1x128xi32, #tpu.memory_space<vmem>> -> memref<128xi32, #tpu.memory_space<vmem>>
      %dma_start3A_45 = arith.constant 0 : i32
      %dma_start3A_46 = arith.constant 0 : i32
      %dma_start3A_47 = tpu.memref_slice %arg2[%dma_start3A_45, %dma_start3A_46] : memref<10000x128xf32, #tpu.memory_space<hbm>> -> memref<10000x128xf32, #tpu.memory_space<hbm>>
      tpu.enqueue_indirect_dma source(%dma_start3A_47 : memref<10000x128xf32, #tpu.memory_space<hbm>>) target(%arg10 : memref<128x128xf32, #tpu.memory_space<vmem>>) offsets(%dma_start3A_44 : memref<128xi32, #tpu.memory_space<vmem>>) semaphore(%arg13 : memref<!tpu.dma_semaphore, #tpu.memory_space<semaphore_mem>>)
      %dma_wait3A = arith.constant 0 : i32
      %dma_wait3A_48 = arith.constant 0 : i32
      %dma_wait3A_49 = tpu.memref_slice %arg6[%dma_wait3A, %dma_wait3A_48] : memref<1x128xi32, #tpu.memory_space<vmem>> -> memref<1x128xi32, #tpu.memory_space<vmem>>
      %dma_wait3A_50 = tpu.memref_squeeze %dma_wait3A_49 : memref<1x128xi32, #tpu.memory_space<vmem>> -> memref<128xi32, #tpu.memory_space<vmem>>
      %dma_wait3A_51 = arith.constant 0 : i32
      %dma_wait3A_52 = arith.constant 0 : i32
      %dma_wait3A_53 = tpu.memref_slice %arg2[%dma_wait3A_51, %dma_wait3A_52] : memref<10000x128xf32, #tpu.memory_space<hbm>> -> memref<10000x128xf32, #tpu.memory_space<hbm>>
      tpu.wait_indirect_dma semaphore(%arg13 : memref<!tpu.dma_semaphore, #tpu.memory_space<semaphore_mem>>) src(%dma_wait3A_53 : memref<10000x128xf32, #tpu.memory_space<hbm>>) dst(%arg10 : memref<128x128xf32, #tpu.memory_space<vmem>>)
      %run_scoped3A = arith.constant 0 : i32
      "tpu.region"() ({
        %run_scoped3A_55 = tpu.sem_alloc : memref<!tpu.dma_semaphore, #tpu.memory_space<semaphore_mem>>
        %dma_start3A_56 = arith.constant 0 : i32
        %dma_start3A_57 = tpu.memref_slice %arg7[%run_scoped3A, %dma_start3A_56] : memref<1x128xi32, #tpu.memory_space<vmem>> -> memref<1x128xi32, #tpu.memory_space<vmem>>
        %dma_start3A_58 = tpu.memref_squeeze %dma_start3A_57 : memref<1x128xi32, #tpu.memory_space<vmem>> -> memref<128xi32, #tpu.memory_space<vmem>>
        %dma_start3A_59 = arith.constant 0 : i32
        %dma_start3A_60 = arith.constant 0 : i32
        %dma_start3A_61 = tpu.memref_slice %arg12[%dma_start3A_59, %dma_start3A_60] : memref<10240x128xf32, #tpu.memory_space<vmem_shared>> -> memref<10240x128xf32, #tpu.memory_space<vmem_shared>>
        tpu.enqueue_indirect_dma source(%arg10 : memref<128x128xf32, #tpu.memory_space<vmem>>) target(%dma_start3A_61 : memref<10240x128xf32, #tpu.memory_space<vmem_shared>>) offsets(%dma_start3A_58 : memref<128xi32, #tpu.memory_space<vmem>>) semaphore(%run_scoped3A_55 : memref<!tpu.dma_semaphore, #tpu.memory_space<semaphore_mem>>) {add = true}
        %dma_wait3A_62 = arith.constant 0 : i32
        %dma_wait3A_63 = tpu.memref_slice %arg7[%run_scoped3A, %dma_wait3A_62] : memref<1x128xi32, #tpu.memory_space<vmem>> -> memref<1x128xi32, #tpu.memory_space<vmem>>
        %dma_wait3A_64 = tpu.memref_squeeze %dma_wait3A_63 : memref<1x128xi32, #tpu.memory_space<vmem>> -> memref<128xi32, #tpu.memory_space<vmem>>
        %dma_wait3A_65 = arith.constant 0 : i32
        %dma_wait3A_66 = arith.constant 0 : i32
        %dma_wait3A_67 = tpu.memref_slice %arg12[%dma_wait3A_65, %dma_wait3A_66] : memref<10240x128xf32, #tpu.memory_space<vmem_shared>> -> memref<10240x128xf32, #tpu.memory_space<vmem_shared>>
        tpu.wait_indirect_dma semaphore(%run_scoped3A_55 : memref<!tpu.dma_semaphore, #tpu.memory_space<semaphore_mem>>) src(%arg10 : memref<128x128xf32, #tpu.memory_space<vmem>>) dst(%dma_wait3A_67 : memref<10240x128xf32, #tpu.memory_space<vmem_shared>>)
        tpu.yield
      }) : () -> ()
      %while3A_54 = arith.constant 0 : i32
      scf.yield %while3A_54 : i32
    }
    %while3A_32 = arith.constant 1 : i32
    %while3A_33 = scf.for %while3A_39 = %while3A_29 to %while3A_25 step %while3A_32 iter_args(%while3A_40 = %while3A_31) -> (i32)  : i32 {
      %add3A_41 = arith.addi %select_n3A_8, %while3A_39 : i32
      "tpu.region"() ({
        %run_scoped3A_55 = tpu.sem_alloc : memref<!tpu.dma_semaphore, #tpu.memory_space<semaphore_mem>>
        %dma_start3A_56 = arith.constant 0 : i32
        %dma_start3A_57 = arith.constant 0 : i32
        %dma_start3A_58 = tpu.memref_slice %arg4[%add3A_41, %dma_start3A_56, %dma_start3A_57] : memref<2528x1x128xi32, #tpu.memory_space<hbm>> -> memref<1x1x128xi32, #tpu.memory_space<hbm>>
        %dma_start3A_59 = tpu.memref_squeeze %dma_start3A_58 : memref<1x1x128xi32, #tpu.memory_space<hbm>> -> memref<1x128xi32, #tpu.memory_space<hbm>>
        %dma_start3A_60 = arith.constant 0 : i32
        %dma_start3A_61 = arith.constant 0 : i32
        %dma_start3A_62 = tpu.memref_slice %arg4[%add3A_41, %dma_start3A_60, %dma_start3A_61] : memref<2528x1x128xi32, #tpu.memory_space<hbm>> -> memref<1x1x128xi32, #tpu.memory_space<hbm>>
        %dma_start3A_63 = tpu.memref_squeeze %dma_start3A_62 : memref<1x1x128xi32, #tpu.memory_space<hbm>> -> memref<1x128xi32, #tpu.memory_space<hbm>>
        tpu.enqueue_dma source(%dma_start3A_63 : memref<1x128xi32, #tpu.memory_space<hbm>>) target(%arg7 : memref<1x128xi32, #tpu.memory_space<vmem>>) target_semaphore(%run_scoped3A_55 : memref<!tpu.dma_semaphore, #tpu.memory_space<semaphore_mem>>)
        %dma_wait3A_64 = arith.constant 0 : i32
        %dma_wait3A_65 = arith.constant 0 : i32
        %dma_wait3A_66 = tpu.memref_slice %arg4[%add3A_41, %dma_wait3A_64, %dma_wait3A_65] : memref<2528x1x128xi32, #tpu.memory_space<hbm>> -> memref<1x1x128xi32, #tpu.memory_space<hbm>>
        %dma_wait3A_67 = tpu.memref_squeeze %dma_wait3A_66 : memref<1x1x128xi32, #tpu.memory_space<hbm>> -> memref<1x128xi32, #tpu.memory_space<hbm>>
        %dma_wait3A_68 = arith.constant 0 : i32
        %dma_wait3A_69 = arith.constant 0 : i32
        %dma_wait3A_70 = tpu.memref_slice %arg4[%add3A_41, %dma_wait3A_68, %dma_wait3A_69] : memref<2528x1x128xi32, #tpu.memory_space<hbm>> -> memref<1x1x128xi32, #tpu.memory_space<hbm>>
        %dma_wait3A_71 = tpu.memref_squeeze %dma_wait3A_70 : memref<1x1x128xi32, #tpu.memory_space<hbm>> -> memref<1x128xi32, #tpu.memory_space<hbm>>
        tpu.wait_dma2 semaphore(%run_scoped3A_55 : memref<!tpu.dma_semaphore, #tpu.memory_space<semaphore_mem>>) src(%dma_wait3A_71 : memref<1x128xi32, #tpu.memory_space<hbm>>) dst(%arg7 : memref<1x128xi32, #tpu.memory_space<vmem>>)
        tpu.yield
      }) : () -> ()
      "tpu.region"() ({
        %run_scoped3A_55 = tpu.sem_alloc : memref<!tpu.dma_semaphore, #tpu.memory_space<semaphore_mem>>
        %dma_start3A_56 = arith.constant 0 : i32
        %dma_start3A_57 = arith.constant 0 : i32
        %dma_start3A_58 = tpu.memref_slice %arg3[%add3A_41, %dma_start3A_56, %dma_start3A_57] : memref<2528x1x128xi32, #tpu.memory_space<hbm>> -> memref<1x1x128xi32, #tpu.memory_space<hbm>>
        %dma_start3A_59 = tpu.memref_squeeze %dma_start3A_58 : memref<1x1x128xi32, #tpu.memory_space<hbm>> -> memref<1x128xi32, #tpu.memory_space<hbm>>
        %dma_start3A_60 = arith.constant 0 : i32
        %dma_start3A_61 = arith.constant 0 : i32
        %dma_start3A_62 = tpu.memref_slice %arg3[%add3A_41, %dma_start3A_60, %dma_start3A_61] : memref<2528x1x128xi32, #tpu.memory_space<hbm>> -> memref<1x1x128xi32, #tpu.memory_space<hbm>>
        %dma_start3A_63 = tpu.memref_squeeze %dma_start3A_62 : memref<1x1x128xi32, #tpu.memory_space<hbm>> -> memref<1x128xi32, #tpu.memory_space<hbm>>
        tpu.enqueue_dma source(%dma_start3A_63 : memref<1x128xi32, #tpu.memory_space<hbm>>) target(%arg6 : memref<1x128xi32, #tpu.memory_space<vmem>>) target_semaphore(%run_scoped3A_55 : memref<!tpu.dma_semaphore, #tpu.memory_space<semaphore_mem>>)
        %dma_wait3A_64 = arith.constant 0 : i32
        %dma_wait3A_65 = arith.constant 0 : i32
        %dma_wait3A_66 = tpu.memref_slice %arg3[%add3A_41, %dma_wait3A_64, %dma_wait3A_65] : memref<2528x1x128xi32, #tpu.memory_space<hbm>> -> memref<1x1x128xi32, #tpu.memory_space<hbm>>
        %dma_wait3A_67 = tpu.memref_squeeze %dma_wait3A_66 : memref<1x1x128xi32, #tpu.memory_space<hbm>> -> memref<1x128xi32, #tpu.memory_space<hbm>>
        %dma_wait3A_68 = arith.constant 0 : i32
        %dma_wait3A_69 = arith.constant 0 : i32
        %dma_wait3A_70 = tpu.memref_slice %arg3[%add3A_41, %dma_wait3A_68, %dma_wait3A_69] : memref<2528x1x128xi32, #tpu.memory_space<hbm>> -> memref<1x1x128xi32, #tpu.memory_space<hbm>>
        %dma_wait3A_71 = tpu.memref_squeeze %dma_wait3A_70 : memref<1x1x128xi32, #tpu.memory_space<hbm>> -> memref<1x128xi32, #tpu.memory_space<hbm>>
        tpu.wait_dma2 semaphore(%run_scoped3A_55 : memref<!tpu.dma_semaphore, #tpu.memory_space<semaphore_mem>>) src(%dma_wait3A_71 : memref<1x128xi32, #tpu.memory_space<hbm>>) dst(%arg6 : memref<1x128xi32, #tpu.memory_space<vmem>>)
        tpu.yield
      }) : () -> ()
      %dma_start3A = arith.constant 0 : i32
      %dma_start3A_42 = arith.constant 0 : i32
      %dma_start3A_43 = tpu.memref_slice %arg6[%dma_start3A, %dma_start3A_42] : memref<1x128xi32, #tpu.memory_space<vmem>> -> memref<1x128xi32, #tpu.memory_space<vmem>>
      %dma_start3A_44 = tpu.memref_squeeze %dma_start3A_43 : memref<1x128xi32, #tpu.memory_space<vmem>> -> memref<128xi32, #tpu.memory_space<vmem>>
      %dma_start3A_45 = arith.constant 0 : i32
      %dma_start3A_46 = arith.constant 0 : i32
      %dma_start3A_47 = tpu.memref_slice %arg2[%dma_start3A_45, %dma_start3A_46] : memref<10000x128xf32, #tpu.memory_space<hbm>> -> memref<10000x128xf32, #tpu.memory_space<hbm>>
      tpu.enqueue_indirect_dma source(%dma_start3A_47 : memref<10000x128xf32, #tpu.memory_space<hbm>>) target(%arg10 : memref<128x128xf32, #tpu.memory_space<vmem>>) offsets(%dma_start3A_44 : memref<128xi32, #tpu.memory_space<vmem>>) semaphore(%arg13 : memref<!tpu.dma_semaphore, #tpu.memory_space<semaphore_mem>>)
      %dma_wait3A = arith.constant 0 : i32
      %dma_wait3A_48 = arith.constant 0 : i32
      %dma_wait3A_49 = tpu.memref_slice %arg6[%dma_wait3A, %dma_wait3A_48] : memref<1x128xi32, #tpu.memory_space<vmem>> -> memref<1x128xi32, #tpu.memory_space<vmem>>
      %dma_wait3A_50 = tpu.memref_squeeze %dma_wait3A_49 : memref<1x128xi32, #tpu.memory_space<vmem>> -> memref<128xi32, #tpu.memory_space<vmem>>
      %dma_wait3A_51 = arith.constant 0 : i32
      %dma_wait3A_52 = arith.constant 0 : i32
      %dma_wait3A_53 = tpu.memref_slice %arg2[%dma_wait3A_51, %dma_wait3A_52] : memref<10000x128xf32, #tpu.memory_space<hbm>> -> memref<10000x128xf32, #tpu.memory_space<hbm>>
      tpu.wait_indirect_dma semaphore(%arg13 : memref<!tpu.dma_semaphore, #tpu.memory_space<semaphore_mem>>) src(%dma_wait3A_53 : memref<10000x128xf32, #tpu.memory_space<hbm>>) dst(%arg10 : memref<128x128xf32, #tpu.memory_space<vmem>>)
      %run_scoped3A = arith.constant 0 : i32
      "tpu.region"() ({
        %run_scoped3A_55 = tpu.sem_alloc : memref<!tpu.dma_semaphore, #tpu.memory_space<semaphore_mem>>
        %dma_start3A_56 = arith.constant 0 : i32
        %dma_start3A_57 = tpu.memref_slice %arg7[%run_scoped3A, %dma_start3A_56] : memref<1x128xi32, #tpu.memory_space<vmem>> -> memref<1x128xi32, #tpu.memory_space<vmem>>
        %dma_start3A_58 = tpu.memref_squeeze %dma_start3A_57 : memref<1x128xi32, #tpu.memory_space<vmem>> -> memref<128xi32, #tpu.memory_space<vmem>>
        %dma_start3A_59 = arith.constant 0 : i32
        %dma_start3A_60 = arith.constant 0 : i32
        %dma_start3A_61 = tpu.memref_slice %arg12[%dma_start3A_59, %dma_start3A_60] : memref<10240x128xf32, #tpu.memory_space<vmem_shared>> -> memref<10240x128xf32, #tpu.memory_space<vmem_shared>>
        tpu.enqueue_indirect_dma source(%arg10 : memref<128x128xf32, #tpu.memory_space<vmem>>) target(%dma_start3A_61 : memref<10240x128xf32, #tpu.memory_space<vmem_shared>>) offsets(%dma_start3A_58 : memref<128xi32, #tpu.memory_space<vmem>>) semaphore(%run_scoped3A_55 : memref<!tpu.dma_semaphore, #tpu.memory_space<semaphore_mem>>) {add = true}
        %dma_wait3A_62 = arith.constant 0 : i32
        %dma_wait3A_63 = tpu.memref_slice %arg7[%run_scoped3A, %dma_wait3A_62] : memref<1x128xi32, #tpu.memory_space<vmem>> -> memref<1x128xi32, #tpu.memory_space<vmem>>
        %dma_wait3A_64 = tpu.memref_squeeze %dma_wait3A_63 : memref<1x128xi32, #tpu.memory_space<vmem>> -> memref<128xi32, #tpu.memory_space<vmem>>
        %dma_wait3A_65 = arith.constant 0 : i32
        %dma_wait3A_66 = arith.constant 0 : i32
        %dma_wait3A_67 = tpu.memref_slice %arg12[%dma_wait3A_65, %dma_wait3A_66] : memref<10240x128xf32, #tpu.memory_space<vmem_shared>> -> memref<10240x128xf32, #tpu.memory_space<vmem_shared>>
        tpu.wait_indirect_dma semaphore(%run_scoped3A_55 : memref<!tpu.dma_semaphore, #tpu.memory_space<semaphore_mem>>) src(%arg10 : memref<128x128xf32, #tpu.memory_space<vmem>>) dst(%dma_wait3A_67 : memref<10240x128xf32, #tpu.memory_space<vmem_shared>>)
        tpu.yield
      }) : () -> ()
      %while3A_54 = arith.constant 0 : i32
      scf.yield %while3A_54 : i32
    }
    %barrier3A_34 = arith.constant 0 : index
    tpu.barrier barrier_id(%barrier3A_34)
    %mul3A_35 = arith.constant 640 : i32
    %mul3A_36 = arith.muli %arg1, %mul3A_35 : i32
    %mul3A_37 = arith.constant 640 : i32
    %mul3A_38 = arith.muli %arg1, %mul3A_37 : i32
    "tpu.region"() ({
      %run_scoped3A = tpu.sem_alloc : memref<!tpu.dma_semaphore, #tpu.memory_space<semaphore_mem>>
      %dma_start3A = arith.constant 0 : i32
      %dma_start3A_39 = tpu.memref_slice %arg5[%arg0, %mul3A_38, %dma_start3A] : memref<2x10240x128xf32, #tpu.memory_space<hbm>> -> memref<1x640x128xf32, #tpu.memory_space<hbm>>
      %dma_start3A_40 = tpu.memref_squeeze %dma_start3A_39 : memref<1x640x128xf32, #tpu.memory_space<hbm>> -> memref<640x128xf32, #tpu.memory_space<hbm>>
      %dma_start3A_41 = arith.constant 0 : i32
      %dma_start3A_42 = tpu.memref_slice %arg12[%mul3A_36, %dma_start3A_41] : memref<10240x128xf32, #tpu.memory_space<vmem_shared>> -> memref<640x128xf32, #tpu.memory_space<vmem_shared>>
      tpu.enqueue_dma source(%dma_start3A_42 : memref<640x128xf32, #tpu.memory_space<vmem_shared>>) target(%dma_start3A_40 : memref<640x128xf32, #tpu.memory_space<hbm>>) target_semaphore(%run_scoped3A : memref<!tpu.dma_semaphore, #tpu.memory_space<semaphore_mem>>)
      %dma_wait3A = arith.constant 0 : i32
      %dma_wait3A_43 = tpu.memref_slice %arg5[%arg0, %mul3A_38, %dma_wait3A] : memref<2x10240x128xf32, #tpu.memory_space<hbm>> -> memref<1x640x128xf32, #tpu.memory_space<hbm>>
      %dma_wait3A_44 = tpu.memref_squeeze %dma_wait3A_43 : memref<1x640x128xf32, #tpu.memory_space<hbm>> -> memref<640x128xf32, #tpu.memory_space<hbm>>
      %dma_wait3A_45 = arith.constant 0 : i32
      %dma_wait3A_46 = tpu.memref_slice %arg12[%mul3A_36, %dma_wait3A_45] : memref<10240x128xf32, #tpu.memory_space<vmem_shared>> -> memref<640x128xf32, #tpu.memory_space<vmem_shared>>
      tpu.wait_dma2 semaphore(%run_scoped3A : memref<!tpu.dma_semaphore, #tpu.memory_space<semaphore_mem>>) src(%dma_wait3A_46 : memref<640x128xf32, #tpu.memory_space<vmem_shared>>) dst(%dma_wait3A_44 : memref<640x128xf32, #tpu.memory_space<hbm>>)
      tpu.yield
    }) : () -> ()
    return
  }
}

#map = affine_map<(d0, d1) -> (0, 0)>
#map1 = affine_map<(d0, d1) -> (0, 0, 0)>
module attributes {stable_mosaic.version = 14 : i64} {
  func.func @_p_segsum(%arg0: i32, %arg1: i32, %arg2: memref<10000x128xf32, #tpu.memory_space<hbm>>, %arg3: memref<2528x1x128xi32, #tpu.memory_space<hbm>>, %arg4: memref<2528x1x128xi32, #tpu.memory_space<hbm>>, %arg5: memref<2x10240x128xf32, #tpu.memory_space<hbm>>, %arg6: memref<1x128xi32, #tpu.memory_space<vmem>>, %arg7: memref<1x128xi32, #tpu.memory_space<vmem>>, %arg8: memref<1x128xi32, #tpu.memory_space<vmem>>, %arg9: memref<1x128xi32, #tpu.memory_space<vmem>>, %arg10: memref<128x128xf32, #tpu.memory_space<vmem>>, %arg11: memref<128x128xf32, #tpu.memory_space<vmem>>, %arg12: memref<10240x128xf32, #tpu.memory_space<vmem_shared>>, %arg13: memref<!tpu.dma_semaphore, #tpu.memory_space<semaphore_mem>>, %arg14: memref<!tpu.dma_semaphore, #tpu.memory_space<semaphore_mem>>) attributes {dimension_semantics = [#tpu.dimension_semantics<core_parallel>, #tpu.dimension_semantics<subcore_parallel>], iteration_bounds = array<i64: 2, 16>, scalar_prefetch = 0 : i64, scratch_operands = 9 : i64, tpu.core_type = #tpu.core_type<sc_vector_subcore>, window_params = [{transform_indices = #map}, {transform_indices = #map1}, {transform_indices = #map1}, {transform_indices = #map1}]} {
    %eq3A = arith.constant 0 : i32
    %eq3A_0 = arith.cmpi eq, %arg0, %eq3A : i32
    %jit3A = arith.constant 104 : i32
    %jit3A_1 = arith.constant 54 : i32
    %select_n3A = arith.select %eq3A_0, %jit3A, %jit3A_1 : i32
    %eq3A_2 = arith.constant 0 : i32
    %eq3A_3 = arith.cmpi eq, %arg0, %eq3A_2 : i32
    %mul3A = arith.constant 104 : i32
    %mul3A_4 = arith.muli %arg1, %mul3A : i32
    %mul3A_5 = arith.constant 54 : i32
    %mul3A_6 = arith.muli %arg1, %mul3A_5 : i32
    %add3A = arith.constant 1664 : i32
    %add3A_7 = arith.addi %add3A, %mul3A_6 : i32
    %select_n3A_8 = arith.select %eq3A_3, %mul3A_4, %add3A_7 : i32
    %broadcast_in_dim3A = arith.constant 0.000000e+00 : f32
    %broadcast_in_dim3A_9 = vector.broadcast %broadcast_in_dim3A : f32 to vector<16xf32>
    %scan3A = arith.constant 0 : i32
    %scan3A_10 = arith.constant 0 : i32
    %scan3A_11 = arith.constant 128 : i32
    %scan3A_12 = arith.addi %scan3A_10, %scan3A_11 : i32
    %scan3A_13 = arith.constant 1 : i32
    %scan3A_14 = scf.for %scan3A_39 = %scan3A_10 to %scan3A_12 step %scan3A_13 iter_args(%scan3A_40 = %scan3A) -> (i32)  : i32 {
      %swap3A = arith.index_cast %scan3A_39 : i32 to index
      %swap3A_41 = arith.constant 0 : index
      %swap3A_42 = tpu.vector_load %arg10[%swap3A, %swap3A_41] {strides = array<i32>} : memref<128x128xf32, #tpu.memory_space<vmem>>, vector<1x16xf32>,
      %swap3A_43 = vector.shape_cast %swap3A_42 : vector<1x16xf32> to vector<16xf32>
      %swap3A_44 = vector.shape_cast %broadcast_in_dim3A_9 : vector<16xf32> to vector<1x16xf32>
      tpu.vector_store %arg10[%swap3A, %swap3A_41], %swap3A_44 {strides = array<i32>} : memref<128x128xf32, #tpu.memory_space<vmem>>, vector<1x16xf32>,
      %swap3A_45 = arith.index_cast %scan3A_39 : i32 to index
      %swap3A_46 = arith.constant 16 : index
      %swap3A_47 = tpu.vector_load %arg10[%swap3A_45, %swap3A_46] {strides = array<i32>} : memref<128x128xf32, #tpu.memory_space<vmem>>, vector<1x16xf32>,
      %swap3A_48 = vector.shape_cast %swap3A_47 : vector<1x16xf32> to vector<16xf32>
      %swap3A_49 = vector.shape_cast %broadcast_in_dim3A_9 : vector<16xf32> to vector<1x16xf32>
      tpu.vector_store %arg10[%swap3A_45, %swap3A_46], %swap3A_49 {strides = array<i32>} : memref<128x128xf32, #tpu.memory_space<vmem>>, vector<1x16xf32>,
      %swap3A_50 = arith.index_cast %scan3A_39 : i32 to index
      %swap3A_51 = arith.constant 32 : index
      %swap3A_52 = tpu.vector_load %arg10[%swap3A_50, %swap3A_51] {strides = array<i32>} : memref<128x128xf32, #tpu.memory_space<vmem>>, vector<1x16xf32>,
      %swap3A_53 = vector.shape_cast %swap3A_52 : vector<1x16xf32> to vector<16xf32>
      %swap3A_54 = vector.shape_cast %broadcast_in_dim3A_9 : vector<16xf32> to vector<1x16xf32>
      tpu.vector_store %arg10[%swap3A_50, %swap3A_51], %swap3A_54 {strides = array<i32>} : memref<128x128xf32, #tpu.memory_space<vmem>>, vector<1x16xf32>,
      %swap3A_55 = arith.index_cast %scan3A_39 : i32 to index
      %swap3A_56 = arith.constant 48 : index
      %swap3A_57 = tpu.vector_load %arg10[%swap3A_55, %swap3A_56] {strides = array<i32>} : memref<128x128xf32, #tpu.memory_space<vmem>>, vector<1x16xf32>,
      %swap3A_58 = vector.shape_cast %swap3A_57 : vector<1x16xf32> to vector<16xf32>
      %swap3A_59 = vector.shape_cast %broadcast_in_dim3A_9 : vector<16xf32> to vector<1x16xf32>
      tpu.vector_store %arg10[%swap3A_55, %swap3A_56], %swap3A_59 {strides = array<i32>} : memref<128x128xf32, #tpu.memory_space<vmem>>, vector<1x16xf32>,
      %swap3A_60 = arith.index_cast %scan3A_39 : i32 to index
      %swap3A_61 = arith.constant 64 : index
      %swap3A_62 = tpu.vector_load %arg10[%swap3A_60, %swap3A_61] {strides = array<i32>} : memref<128x128xf32, #tpu.memory_space<vmem>>, vector<1x16xf32>,
      %swap3A_63 = vector.shape_cast %swap3A_62 : vector<1x16xf32> to vector<16xf32>
      %swap3A_64 = vector.shape_cast %broadcast_in_dim3A_9 : vector<16xf32> to vector<1x16xf32>
      tpu.vector_store %arg10[%swap3A_60, %swap3A_61], %swap3A_64 {strides = array<i32>} : memref<128x128xf32, #tpu.memory_space<vmem>>, vector<1x16xf32>,
      %swap3A_65 = arith.index_cast %scan3A_39 : i32 to index
      %swap3A_66 = arith.constant 80 : index
      %swap3A_67 = tpu.vector_load %arg10[%swap3A_65, %swap3A_66] {strides = array<i32>} : memref<128x128xf32, #tpu.memory_space<vmem>>, vector<1x16xf32>,
      %swap3A_68 = vector.shape_cast %swap3A_67 : vector<1x16xf32> to vector<16xf32>
      %swap3A_69 = vector.shape_cast %broadcast_in_dim3A_9 : vector<16xf32> to vector<1x16xf32>
      tpu.vector_store %arg10[%swap3A_65, %swap3A_66], %swap3A_69 {strides = array<i32>} : memref<128x128xf32, #tpu.memory_space<vmem>>, vector<1x16xf32>,
      %swap3A_70 = arith.index_cast %scan3A_39 : i32 to index
      %swap3A_71 = arith.constant 96 : index
      %swap3A_72 = tpu.vector_load %arg10[%swap3A_70, %swap3A_71] {strides = array<i32>} : memref<128x128xf32, #tpu.memory_space<vmem>>, vector<1x16xf32>,
      %swap3A_73 = vector.shape_cast %swap3A_72 : vector<1x16xf32> to vector<16xf32>
      %swap3A_74 = vector.shape_cast %broadcast_in_dim3A_9 : vector<16xf32> to vector<1x16xf32>
      tpu.vector_store %arg10[%swap3A_70, %swap3A_71], %swap3A_74 {strides = array<i32>} : memref<128x128xf32, #tpu.memory_space<vmem>>, vector<1x16xf32>,
      %swap3A_75 = arith.index_cast %scan3A_39 : i32 to index
      %swap3A_76 = arith.constant 112 : index
      %swap3A_77 = tpu.vector_load %arg10[%swap3A_75, %swap3A_76] {strides = array<i32>} : memref<128x128xf32, #tpu.memory_space<vmem>>, vector<1x16xf32>,
      %swap3A_78 = vector.shape_cast %swap3A_77 : vector<1x16xf32> to vector<16xf32>
      %swap3A_79 = vector.shape_cast %broadcast_in_dim3A_9 : vector<16xf32> to vector<1x16xf32>
      tpu.vector_store %arg10[%swap3A_75, %swap3A_76], %swap3A_79 {strides = array<i32>} : memref<128x128xf32, #tpu.memory_space<vmem>>, vector<1x16xf32>,
      %scan3A_80 = arith.constant 0 : i32
      scf.yield %scan3A_80 : i32
    }
    %scan3A_15 = arith.constant 128 : i32
    %scan3A_16 = arith.constant 0 : i32
    %scan3A_17 = arith.constant 0 : i32
    %scan3A_18 = arith.constant 5 : i32
    %scan3A_19 = arith.addi %scan3A_17, %scan3A_18 : i32
    %scan3A_20 = arith.constant 1 : i32
    %scan3A_21 = scf.for %scan3A_39 = %scan3A_17 to %scan3A_19 step %scan3A_20 iter_args(%scan3A_40 = %scan3A_16) -> (i32)  : i32 {
      %mul3A_41 = arith.constant 640 : i32
      %mul3A_42 = arith.muli %arg1, %mul3A_41 : i32
      %mul3A_43 = arith.constant 128 : i32
      %mul3A_44 = arith.muli %scan3A_39, %mul3A_43 : i32
      %add3A_45 = arith.addi %mul3A_42, %mul3A_44 : i32
      "tpu.region"() ({
        %run_scoped3A = tpu.sem_alloc : memref<!tpu.dma_semaphore, #tpu.memory_space<semaphore_mem>>
        %dma_start3A = arith.constant 0 : i32
        %dma_start3A_47 = tpu.memref_slice %arg12[%add3A_45, %dma_start3A] : memref<10240x128xf32, #tpu.memory_space<vmem_shared>> -> memref<128x128xf32, #tpu.memory_space<vmem_shared>>
        %dma_start3A_48 = arith.constant 0 : i32
        %dma_start3A_49 = tpu.memref_slice %arg12[%add3A_45, %dma_start3A_48] : memref<10240x128xf32, #tpu.memory_space<vmem_shared>> -> memref<128x128xf32, #tpu.memory_space<vmem_shared>>
        tpu.enqueue_dma source(%arg10 : memref<128x128xf32, #tpu.memory_space<vmem>>) target(%dma_start3A_49 : memref<128x128xf32, #tpu.memory_space<vmem_shared>>) target_semaphore(%run_scoped3A : memref<!tpu.dma_semaphore, #tpu.memory_space<semaphore_mem>>)
        %dma_wait3A = arith.constant 0 : i32
        %dma_wait3A_50 = tpu.memref_slice %arg12[%add3A_45, %dma_wait3A] : memref<10240x128xf32, #tpu.memory_space<vmem_shared>> -> memref<128x128xf32, #tpu.memory_space<vmem_shared>>
        %dma_wait3A_51 = arith.constant 0 : i32
        %dma_wait3A_52 = tpu.memref_slice %arg12[%add3A_45, %dma_wait3A_51] : memref<10240x128xf32, #tpu.memory_space<vmem_shared>> -> memref<128x128xf32, #tpu.memory_space<vmem_shared>>
        tpu.wait_dma2 semaphore(%run_scoped3A : memref<!tpu.dma_semaphore, #tpu.memory_space<semaphore_mem>>) src(%arg10 : memref<128x128xf32, #tpu.memory_space<vmem>>) dst(%dma_wait3A_52 : memref<128x128xf32, #tpu.memory_space<vmem_shared>>)
        tpu.yield
      }) : () -> ()
      %scan3A_46 = arith.constant 0 : i32
      scf.yield %scan3A_46 : i32
    }
    %scan3A_22 = arith.constant 5 : i32
    %barrier3A = arith.constant 0 : index
    tpu.barrier barrier_id(%barrier3A)
    %while3A = arith.constant 0 : i32
    %while3A_23 = arith.constant 0 : i32
    %while3A_24 = arith.subi %select_n3A, %while3A : i32
    %while3A_25 = arith.addi %while3A, %while3A_24 : i32
    %while3A_26 = arith.constant 1 : i32
    %while3A_27 = arith.divsi %while3A_24, %while3A_26 : i32
    %while3A_28 = arith.muli %while3A_27, %while3A_26 : i32
    %while3A_29 = arith.addi %while3A, %while3A_28 : i32
    %while3A_30 = arith.constant 1 : i32
    %while3A_31 = scf.for %while3A_39 = %while3A to %while3A_29 step %while3A_30 iter_args(%while3A_40 = %while3A_23) -> (i32)  : i32 {
      %add3A_41 = arith.addi %select_n3A_8, %while3A_39 : i32
      "tpu.region"() ({
        %run_scoped3A_55 = tpu.sem_alloc : memref<!tpu.dma_semaphore, #tpu.memory_space<semaphore_mem>>
        %dma_start3A_56 = arith.constant 0 : i32
        %dma_start3A_57 = arith.constant 0 : i32
        %dma_start3A_58 = tpu.memref_slice %arg4[%add3A_41, %dma_start3A_56, %dma_start3A_57] : memref<2528x1x128xi32, #tpu.memory_space<hbm>> -> memref<1x1x128xi32, #tpu.memory_space<hbm>>
        %dma_start3A_59 = tpu.memref_squeeze %dma_start3A_58 : memref<1x1x128xi32, #tpu.memory_space<hbm>> -> memref<1x128xi32, #tpu.memory_space<hbm>>
        %dma_start3A_60 = arith.constant 0 : i32
        %dma_start3A_61 = arith.constant 0 : i32
        %dma_start3A_62 = tpu.memref_slice %arg4[%add3A_41, %dma_start3A_60, %dma_start3A_61] : memref<2528x1x128xi32, #tpu.memory_space<hbm>> -> memref<1x1x128xi32, #tpu.memory_space<hbm>>
        %dma_start3A_63 = tpu.memref_squeeze %dma_start3A_62 : memref<1x1x128xi32, #tpu.memory_space<hbm>> -> memref<1x128xi32, #tpu.memory_space<hbm>>
        tpu.enqueue_dma source(%dma_start3A_63 : memref<1x128xi32, #tpu.memory_space<hbm>>) target(%arg7 : memref<1x128xi32, #tpu.memory_space<vmem>>) target_semaphore(%run_scoped3A_55 : memref<!tpu.dma_semaphore, #tpu.memory_space<semaphore_mem>>)
        %dma_wait3A_64 = arith.constant 0 : i32
        %dma_wait3A_65 = arith.constant 0 : i32
        %dma_wait3A_66 = tpu.memref_slice %arg4[%add3A_41, %dma_wait3A_64, %dma_wait3A_65] : memref<2528x1x128xi32, #tpu.memory_space<hbm>> -> memref<1x1x128xi32, #tpu.memory_space<hbm>>
        %dma_wait3A_67 = tpu.memref_squeeze %dma_wait3A_66 : memref<1x1x128xi32, #tpu.memory_space<hbm>> -> memref<1x128xi32, #tpu.memory_space<hbm>>
        %dma_wait3A_68 = arith.constant 0 : i32
        %dma_wait3A_69 = arith.constant 0 : i32
        %dma_wait3A_70 = tpu.memref_slice %arg4[%add3A_41, %dma_wait3A_68, %dma_wait3A_69] : memref<2528x1x128xi32, #tpu.memory_space<hbm>> -> memref<1x1x128xi32, #tpu.memory_space<hbm>>
        %dma_wait3A_71 = tpu.memref_squeeze %dma_wait3A_70 : memref<1x1x128xi32, #tpu.memory_space<hbm>> -> memref<1x128xi32, #tpu.memory_space<hbm>>
        tpu.wait_dma2 semaphore(%run_scoped3A_55 : memref<!tpu.dma_semaphore, #tpu.memory_space<semaphore_mem>>) src(%dma_wait3A_71 : memref<1x128xi32, #tpu.memory_space<hbm>>) dst(%arg7 : memref<1x128xi32, #tpu.memory_space<vmem>>)
        tpu.yield
      }) : () -> ()
      "tpu.region"() ({
        %run_scoped3A_55 = tpu.sem_alloc : memref<!tpu.dma_semaphore, #tpu.memory_space<semaphore_mem>>
        %dma_start3A_56 = arith.constant 0 : i32
        %dma_start3A_57 = arith.constant 0 : i32
        %dma_start3A_58 = tpu.memref_slice %arg3[%add3A_41, %dma_start3A_56, %dma_start3A_57] : memref<2528x1x128xi32, #tpu.memory_space<hbm>> -> memref<1x1x128xi32, #tpu.memory_space<hbm>>
        %dma_start3A_59 = tpu.memref_squeeze %dma_start3A_58 : memref<1x1x128xi32, #tpu.memory_space<hbm>> -> memref<1x128xi32, #tpu.memory_space<hbm>>
        %dma_start3A_60 = arith.constant 0 : i32
        %dma_start3A_61 = arith.constant 0 : i32
        %dma_start3A_62 = tpu.memref_slice %arg3[%add3A_41, %dma_start3A_60, %dma_start3A_61] : memref<2528x1x128xi32, #tpu.memory_space<hbm>> -> memref<1x1x128xi32, #tpu.memory_space<hbm>>
        %dma_start3A_63 = tpu.memref_squeeze %dma_start3A_62 : memref<1x1x128xi32, #tpu.memory_space<hbm>> -> memref<1x128xi32, #tpu.memory_space<hbm>>
        tpu.enqueue_dma source(%dma_start3A_63 : memref<1x128xi32, #tpu.memory_space<hbm>>) target(%arg6 : memref<1x128xi32, #tpu.memory_space<vmem>>) target_semaphore(%run_scoped3A_55 : memref<!tpu.dma_semaphore, #tpu.memory_space<semaphore_mem>>)
        %dma_wait3A_64 = arith.constant 0 : i32
        %dma_wait3A_65 = arith.constant 0 : i32
        %dma_wait3A_66 = tpu.memref_slice %arg3[%add3A_41, %dma_wait3A_64, %dma_wait3A_65] : memref<2528x1x128xi32, #tpu.memory_space<hbm>> -> memref<1x1x128xi32, #tpu.memory_space<hbm>>
        %dma_wait3A_67 = tpu.memref_squeeze %dma_wait3A_66 : memref<1x1x128xi32, #tpu.memory_space<hbm>> -> memref<1x128xi32, #tpu.memory_space<hbm>>
        %dma_wait3A_68 = arith.constant 0 : i32
        %dma_wait3A_69 = arith.constant 0 : i32
        %dma_wait3A_70 = tpu.memref_slice %arg3[%add3A_41, %dma_wait3A_68, %dma_wait3A_69] : memref<2528x1x128xi32, #tpu.memory_space<hbm>> -> memref<1x1x128xi32, #tpu.memory_space<hbm>>
        %dma_wait3A_71 = tpu.memref_squeeze %dma_wait3A_70 : memref<1x1x128xi32, #tpu.memory_space<hbm>> -> memref<1x128xi32, #tpu.memory_space<hbm>>
        tpu.wait_dma2 semaphore(%run_scoped3A_55 : memref<!tpu.dma_semaphore, #tpu.memory_space<semaphore_mem>>) src(%dma_wait3A_71 : memref<1x128xi32, #tpu.memory_space<hbm>>) dst(%arg6 : memref<1x128xi32, #tpu.memory_space<vmem>>)
        tpu.yield
      }) : () -> ()
      %dma_start3A = arith.constant 0 : i32
      %dma_start3A_42 = arith.constant 0 : i32
      %dma_start3A_43 = tpu.memref_slice %arg6[%dma_start3A, %dma_start3A_42] : memref<1x128xi32, #tpu.memory_space<vmem>> -> memref<1x128xi32, #tpu.memory_space<vmem>>
      %dma_start3A_44 = tpu.memref_squeeze %dma_start3A_43 : memref<1x128xi32, #tpu.memory_space<vmem>> -> memref<128xi32, #tpu.memory_space<vmem>>
      %dma_start3A_45 = arith.constant 0 : i32
      %dma_start3A_46 = arith.constant 0 : i32
      %dma_start3A_47 = tpu.memref_slice %arg2[%dma_start3A_45, %dma_start3A_46] : memref<10000x128xf32, #tpu.memory_space<hbm>> -> memref<10000x128xf32, #tpu.memory_space<hbm>>
      tpu.enqueue_indirect_dma source(%dma_start3A_47 : memref<10000x128xf32, #tpu.memory_space<hbm>>) target(%arg10 : memref<128x128xf32, #tpu.memory_space<vmem>>) offsets(%dma_start3A_44 : memref<128xi32, #tpu.memory_space<vmem>>) semaphore(%arg13 : memref<!tpu.dma_semaphore, #tpu.memory_space<semaphore_mem>>)
      %dma_wait3A = arith.constant 0 : i32
      %dma_wait3A_48 = arith.constant 0 : i32
      %dma_wait3A_49 = tpu.memref_slice %arg6[%dma_wait3A, %dma_wait3A_48] : memref<1x128xi32, #tpu.memory_space<vmem>> -> memref<1x128xi32, #tpu.memory_space<vmem>>
      %dma_wait3A_50 = tpu.memref_squeeze %dma_wait3A_49 : memref<1x128xi32, #tpu.memory_space<vmem>> -> memref<128xi32, #tpu.memory_space<vmem>>
      %dma_wait3A_51 = arith.constant 0 : i32
      %dma_wait3A_52 = arith.constant 0 : i32
      %dma_wait3A_53 = tpu.memref_slice %arg2[%dma_wait3A_51, %dma_wait3A_52] : memref<10000x128xf32, #tpu.memory_space<hbm>> -> memref<10000x128xf32, #tpu.memory_space<hbm>>
      tpu.wait_indirect_dma semaphore(%arg13 : memref<!tpu.dma_semaphore, #tpu.memory_space<semaphore_mem>>) src(%dma_wait3A_53 : memref<10000x128xf32, #tpu.memory_space<hbm>>) dst(%arg10 : memref<128x128xf32, #tpu.memory_space<vmem>>)
      %run_scoped3A = arith.constant 0 : i32
      "tpu.region"() ({
        %run_scoped3A_55 = tpu.sem_alloc : memref<!tpu.dma_semaphore, #tpu.memory_space<semaphore_mem>>
        %dma_start3A_56 = arith.constant 0 : i32
        %dma_start3A_57 = tpu.memref_slice %arg7[%run_scoped3A, %dma_start3A_56] : memref<1x128xi32, #tpu.memory_space<vmem>> -> memref<1x128xi32, #tpu.memory_space<vmem>>
        %dma_start3A_58 = tpu.memref_squeeze %dma_start3A_57 : memref<1x128xi32, #tpu.memory_space<vmem>> -> memref<128xi32, #tpu.memory_space<vmem>>
        %dma_start3A_59 = arith.constant 0 : i32
        %dma_start3A_60 = arith.constant 0 : i32
        %dma_start3A_61 = tpu.memref_slice %arg12[%dma_start3A_59, %dma_start3A_60] : memref<10240x128xf32, #tpu.memory_space<vmem_shared>> -> memref<10240x128xf32, #tpu.memory_space<vmem_shared>>
        tpu.enqueue_indirect_dma source(%arg10 : memref<128x128xf32, #tpu.memory_space<vmem>>) target(%dma_start3A_61 : memref<10240x128xf32, #tpu.memory_space<vmem_shared>>) offsets(%dma_start3A_58 : memref<128xi32, #tpu.memory_space<vmem>>) semaphore(%run_scoped3A_55 : memref<!tpu.dma_semaphore, #tpu.memory_space<semaphore_mem>>) {add = true}
        %dma_wait3A_62 = arith.constant 0 : i32
        %dma_wait3A_63 = tpu.memref_slice %arg7[%run_scoped3A, %dma_wait3A_62] : memref<1x128xi32, #tpu.memory_space<vmem>> -> memref<1x128xi32, #tpu.memory_space<vmem>>
        %dma_wait3A_64 = tpu.memref_squeeze %dma_wait3A_63 : memref<1x128xi32, #tpu.memory_space<vmem>> -> memref<128xi32, #tpu.memory_space<vmem>>
        %dma_wait3A_65 = arith.constant 0 : i32
        %dma_wait3A_66 = arith.constant 0 : i32
        %dma_wait3A_67 = tpu.memref_slice %arg12[%dma_wait3A_65, %dma_wait3A_66] : memref<10240x128xf32, #tpu.memory_space<vmem_shared>> -> memref<10240x128xf32, #tpu.memory_space<vmem_shared>>
        tpu.wait_indirect_dma semaphore(%run_scoped3A_55 : memref<!tpu.dma_semaphore, #tpu.memory_space<semaphore_mem>>) src(%arg10 : memref<128x128xf32, #tpu.memory_space<vmem>>) dst(%dma_wait3A_67 : memref<10240x128xf32, #tpu.memory_space<vmem_shared>>)
        tpu.yield
      }) : () -> ()
      %while3A_54 = arith.constant 0 : i32
      scf.yield %while3A_54 : i32
    }
    %while3A_32 = arith.constant 1 : i32
    %while3A_33 = scf.for %while3A_39 = %while3A_29 to %while3A_25 step %while3A_32 iter_args(%while3A_40 = %while3A_31) -> (i32)  : i32 {
      %add3A_41 = arith.addi %select_n3A_8, %while3A_39 : i32
      "tpu.region"() ({
        %run_scoped3A_55 = tpu.sem_alloc : memref<!tpu.dma_semaphore, #tpu.memory_space<semaphore_mem>>
        %dma_start3A_56 = arith.constant 0 : i32
        %dma_start3A_57 = arith.constant 0 : i32
        %dma_start3A_58 = tpu.memref_slice %arg4[%add3A_41, %dma_start3A_56, %dma_start3A_57] : memref<2528x1x128xi32, #tpu.memory_space<hbm>> -> memref<1x1x128xi32, #tpu.memory_space<hbm>>
        %dma_start3A_59 = tpu.memref_squeeze %dma_start3A_58 : memref<1x1x128xi32, #tpu.memory_space<hbm>> -> memref<1x128xi32, #tpu.memory_space<hbm>>
        %dma_start3A_60 = arith.constant 0 : i32
        %dma_start3A_61 = arith.constant 0 : i32
        %dma_start3A_62 = tpu.memref_slice %arg4[%add3A_41, %dma_start3A_60, %dma_start3A_61] : memref<2528x1x128xi32, #tpu.memory_space<hbm>> -> memref<1x1x128xi32, #tpu.memory_space<hbm>>
        %dma_start3A_63 = tpu.memref_squeeze %dma_start3A_62 : memref<1x1x128xi32, #tpu.memory_space<hbm>> -> memref<1x128xi32, #tpu.memory_space<hbm>>
        tpu.enqueue_dma source(%dma_start3A_63 : memref<1x128xi32, #tpu.memory_space<hbm>>) target(%arg7 : memref<1x128xi32, #tpu.memory_space<vmem>>) target_semaphore(%run_scoped3A_55 : memref<!tpu.dma_semaphore, #tpu.memory_space<semaphore_mem>>)
        %dma_wait3A_64 = arith.constant 0 : i32
        %dma_wait3A_65 = arith.constant 0 : i32
        %dma_wait3A_66 = tpu.memref_slice %arg4[%add3A_41, %dma_wait3A_64, %dma_wait3A_65] : memref<2528x1x128xi32, #tpu.memory_space<hbm>> -> memref<1x1x128xi32, #tpu.memory_space<hbm>>
        %dma_wait3A_67 = tpu.memref_squeeze %dma_wait3A_66 : memref<1x1x128xi32, #tpu.memory_space<hbm>> -> memref<1x128xi32, #tpu.memory_space<hbm>>
        %dma_wait3A_68 = arith.constant 0 : i32
        %dma_wait3A_69 = arith.constant 0 : i32
        %dma_wait3A_70 = tpu.memref_slice %arg4[%add3A_41, %dma_wait3A_68, %dma_wait3A_69] : memref<2528x1x128xi32, #tpu.memory_space<hbm>> -> memref<1x1x128xi32, #tpu.memory_space<hbm>>
        %dma_wait3A_71 = tpu.memref_squeeze %dma_wait3A_70 : memref<1x1x128xi32, #tpu.memory_space<hbm>> -> memref<1x128xi32, #tpu.memory_space<hbm>>
        tpu.wait_dma2 semaphore(%run_scoped3A_55 : memref<!tpu.dma_semaphore, #tpu.memory_space<semaphore_mem>>) src(%dma_wait3A_71 : memref<1x128xi32, #tpu.memory_space<hbm>>) dst(%arg7 : memref<1x128xi32, #tpu.memory_space<vmem>>)
        tpu.yield
      }) : () -> ()
      "tpu.region"() ({
        %run_scoped3A_55 = tpu.sem_alloc : memref<!tpu.dma_semaphore, #tpu.memory_space<semaphore_mem>>
        %dma_start3A_56 = arith.constant 0 : i32
        %dma_start3A_57 = arith.constant 0 : i32
        %dma_start3A_58 = tpu.memref_slice %arg3[%add3A_41, %dma_start3A_56, %dma_start3A_57] : memref<2528x1x128xi32, #tpu.memory_space<hbm>> -> memref<1x1x128xi32, #tpu.memory_space<hbm>>
        %dma_start3A_59 = tpu.memref_squeeze %dma_start3A_58 : memref<1x1x128xi32, #tpu.memory_space<hbm>> -> memref<1x128xi32, #tpu.memory_space<hbm>>
        %dma_start3A_60 = arith.constant 0 : i32
        %dma_start3A_61 = arith.constant 0 : i32
        %dma_start3A_62 = tpu.memref_slice %arg3[%add3A_41, %dma_start3A_60, %dma_start3A_61] : memref<2528x1x128xi32, #tpu.memory_space<hbm>> -> memref<1x1x128xi32, #tpu.memory_space<hbm>>
        %dma_start3A_63 = tpu.memref_squeeze %dma_start3A_62 : memref<1x1x128xi32, #tpu.memory_space<hbm>> -> memref<1x128xi32, #tpu.memory_space<hbm>>
        tpu.enqueue_dma source(%dma_start3A_63 : memref<1x128xi32, #tpu.memory_space<hbm>>) target(%arg6 : memref<1x128xi32, #tpu.memory_space<vmem>>) target_semaphore(%run_scoped3A_55 : memref<!tpu.dma_semaphore, #tpu.memory_space<semaphore_mem>>)
        %dma_wait3A_64 = arith.constant 0 : i32
        %dma_wait3A_65 = arith.constant 0 : i32
        %dma_wait3A_66 = tpu.memref_slice %arg3[%add3A_41, %dma_wait3A_64, %dma_wait3A_65] : memref<2528x1x128xi32, #tpu.memory_space<hbm>> -> memref<1x1x128xi32, #tpu.memory_space<hbm>>
        %dma_wait3A_67 = tpu.memref_squeeze %dma_wait3A_66 : memref<1x1x128xi32, #tpu.memory_space<hbm>> -> memref<1x128xi32, #tpu.memory_space<hbm>>
        %dma_wait3A_68 = arith.constant 0 : i32
        %dma_wait3A_69 = arith.constant 0 : i32
        %dma_wait3A_70 = tpu.memref_slice %arg3[%add3A_41, %dma_wait3A_68, %dma_wait3A_69] : memref<2528x1x128xi32, #tpu.memory_space<hbm>> -> memref<1x1x128xi32, #tpu.memory_space<hbm>>
        %dma_wait3A_71 = tpu.memref_squeeze %dma_wait3A_70 : memref<1x1x128xi32, #tpu.memory_space<hbm>> -> memref<1x128xi32, #tpu.memory_space<hbm>>
        tpu.wait_dma2 semaphore(%run_scoped3A_55 : memref<!tpu.dma_semaphore, #tpu.memory_space<semaphore_mem>>) src(%dma_wait3A_71 : memref<1x128xi32, #tpu.memory_space<hbm>>) dst(%arg6 : memref<1x128xi32, #tpu.memory_space<vmem>>)
        tpu.yield
      }) : () -> ()
      %dma_start3A = arith.constant 0 : i32
      %dma_start3A_42 = arith.constant 0 : i32
      %dma_start3A_43 = tpu.memref_slice %arg6[%dma_start3A, %dma_start3A_42] : memref<1x128xi32, #tpu.memory_space<vmem>> -> memref<1x128xi32, #tpu.memory_space<vmem>>
      %dma_start3A_44 = tpu.memref_squeeze %dma_start3A_43 : memref<1x128xi32, #tpu.memory_space<vmem>> -> memref<128xi32, #tpu.memory_space<vmem>>
      %dma_start3A_45 = arith.constant 0 : i32
      %dma_start3A_46 = arith.constant 0 : i32
      %dma_start3A_47 = tpu.memref_slice %arg2[%dma_start3A_45, %dma_start3A_46] : memref<10000x128xf32, #tpu.memory_space<hbm>> -> memref<10000x128xf32, #tpu.memory_space<hbm>>
      tpu.enqueue_indirect_dma source(%dma_start3A_47 : memref<10000x128xf32, #tpu.memory_space<hbm>>) target(%arg10 : memref<128x128xf32, #tpu.memory_space<vmem>>) offsets(%dma_start3A_44 : memref<128xi32, #tpu.memory_space<vmem>>) semaphore(%arg13 : memref<!tpu.dma_semaphore, #tpu.memory_space<semaphore_mem>>)
      %dma_wait3A = arith.constant 0 : i32
      %dma_wait3A_48 = arith.constant 0 : i32
      %dma_wait3A_49 = tpu.memref_slice %arg6[%dma_wait3A, %dma_wait3A_48] : memref<1x128xi32, #tpu.memory_space<vmem>> -> memref<1x128xi32, #tpu.memory_space<vmem>>
      %dma_wait3A_50 = tpu.memref_squeeze %dma_wait3A_49 : memref<1x128xi32, #tpu.memory_space<vmem>> -> memref<128xi32, #tpu.memory_space<vmem>>
      %dma_wait3A_51 = arith.constant 0 : i32
      %dma_wait3A_52 = arith.constant 0 : i32
      %dma_wait3A_53 = tpu.memref_slice %arg2[%dma_wait3A_51, %dma_wait3A_52] : memref<10000x128xf32, #tpu.memory_space<hbm>> -> memref<10000x128xf32, #tpu.memory_space<hbm>>
      tpu.wait_indirect_dma semaphore(%arg13 : memref<!tpu.dma_semaphore, #tpu.memory_space<semaphore_mem>>) src(%dma_wait3A_53 : memref<10000x128xf32, #tpu.memory_space<hbm>>) dst(%arg10 : memref<128x128xf32, #tpu.memory_space<vmem>>)
      %run_scoped3A = arith.constant 0 : i32
      "tpu.region"() ({
        %run_scoped3A_55 = tpu.sem_alloc : memref<!tpu.dma_semaphore, #tpu.memory_space<semaphore_mem>>
        %dma_start3A_56 = arith.constant 0 : i32
        %dma_start3A_57 = tpu.memref_slice %arg7[%run_scoped3A, %dma_start3A_56] : memref<1x128xi32, #tpu.memory_space<vmem>> -> memref<1x128xi32, #tpu.memory_space<vmem>>
        %dma_start3A_58 = tpu.memref_squeeze %dma_start3A_57 : memref<1x128xi32, #tpu.memory_space<vmem>> -> memref<128xi32, #tpu.memory_space<vmem>>
        %dma_start3A_59 = arith.constant 0 : i32
        %dma_start3A_60 = arith.constant 0 : i32
        %dma_start3A_61 = tpu.memref_slice %arg12[%dma_start3A_59, %dma_start3A_60] : memref<10240x128xf32, #tpu.memory_space<vmem_shared>> -> memref<10240x128xf32, #tpu.memory_space<vmem_shared>>
        tpu.enqueue_indirect_dma source(%arg10 : memref<128x128xf32, #tpu.memory_space<vmem>>) target(%dma_start3A_61 : memref<10240x128xf32, #tpu.memory_space<vmem_shared>>) offsets(%dma_start3A_58 : memref<128xi32, #tpu.memory_space<vmem>>) semaphore(%run_scoped3A_55 : memref<!tpu.dma_semaphore, #tpu.memory_space<semaphore_mem>>) {add = true}
        %dma_wait3A_62 = arith.constant 0 : i32
        %dma_wait3A_63 = tpu.memref_slice %arg7[%run_scoped3A, %dma_wait3A_62] : memref<1x128xi32, #tpu.memory_space<vmem>> -> memref<1x128xi32, #tpu.memory_space<vmem>>
        %dma_wait3A_64 = tpu.memref_squeeze %dma_wait3A_63 : memref<1x128xi32, #tpu.memory_space<vmem>> -> memref<128xi32, #tpu.memory_space<vmem>>
        %dma_wait3A_65 = arith.constant 0 : i32
        %dma_wait3A_66 = arith.constant 0 : i32
        %dma_wait3A_67 = tpu.memref_slice %arg12[%dma_wait3A_65, %dma_wait3A_66] : memref<10240x128xf32, #tpu.memory_space<vmem_shared>> -> memref<10240x128xf32, #tpu.memory_space<vmem_shared>>
        tpu.wait_indirect_dma semaphore(%run_scoped3A_55 : memref<!tpu.dma_semaphore, #tpu.memory_space<semaphore_mem>>) src(%arg10 : memref<128x128xf32, #tpu.memory_space<vmem>>) dst(%dma_wait3A_67 : memref<10240x128xf32, #tpu.memory_space<vmem_shared>>)
        tpu.yield
      }) : () -> ()
      %while3A_54 = arith.constant 0 : i32
      scf.yield %while3A_54 : i32
    }
    %barrier3A_34 = arith.constant 0 : index
    tpu.barrier barrier_id(%barrier3A_34)
    %mul3A_35 = arith.constant 640 : i32
    %mul3A_36 = arith.muli %arg1, %mul3A_35 : i32
    %mul3A_37 = arith.constant 640 : i32
    %mul3A_38 = arith.muli %arg1, %mul3A_37 : i32
    "tpu.region"() ({
      %run_scoped3A = tpu.sem_alloc : memref<!tpu.dma_semaphore, #tpu.memory_space<semaphore_mem>>
      %dma_start3A = arith.constant 0 : i32
      %dma_start3A_39 = tpu.memref_slice %arg5[%arg0, %mul3A_38, %dma_start3A] : memref<2x10240x128xf32, #tpu.memory_space<hbm>> -> memref<1x640x128xf32, #tpu.memory_space<hbm>>
      %dma_start3A_40 = tpu.memref_squeeze %dma_start3A_39 : memref<1x640x128xf32, #tpu.memory_space<hbm>> -> memref<640x128xf32, #tpu.memory_space<hbm>>
      %dma_start3A_41 = arith.constant 0 : i32
      %dma_start3A_42 = tpu.memref_slice %arg12[%mul3A_36, %dma_start3A_41] : memref<10240x128xf32, #tpu.memory_space<vmem_shared>> -> memref<640x128xf32, #tpu.memory_space<vmem_shared>>
      tpu.enqueue_dma source(%dma_start3A_42 : memref<640x128xf32, #tpu.memory_space<vmem_shared>>) target(%dma_start3A_40 : memref<640x128xf32, #tpu.memory_space<hbm>>) target_semaphore(%run_scoped3A : memref<!tpu.dma_semaphore, #tpu.memory_space<semaphore_mem>>)
      %dma_wait3A = arith.constant 0 : i32
      %dma_wait3A_43 = tpu.memref_slice %arg5[%arg0, %mul3A_38, %dma_wait3A] : memref<2x10240x128xf32, #tpu.memory_space<hbm>> -> memref<1x640x128xf32, #tpu.memory_space<hbm>>
      %dma_wait3A_44 = tpu.memref_squeeze %dma_wait3A_43 : memref<1x640x128xf32, #tpu.memory_space<hbm>> -> memref<640x128xf32, #tpu.memory_space<hbm>>
      %dma_wait3A_45 = arith.constant 0 : i32
      %dma_wait3A_46 = tpu.memref_slice %arg12[%mul3A_36, %dma_wait3A_45] : memref<10240x128xf32, #tpu.memory_space<vmem_shared>> -> memref<640x128xf32, #tpu.memory_space<vmem_shared>>
      tpu.wait_dma2 semaphore(%run_scoped3A : memref<!tpu.dma_semaphore, #tpu.memory_space<semaphore_mem>>) src(%dma_wait3A_46 : memref<640x128xf32, #tpu.memory_space<vmem_shared>>) dst(%dma_wait3A_44 : memref<640x128xf32, #tpu.memory_space<hbm>>)
      tpu.yield
    }) : () -> ()
    return
  }
}

module attributes {stable_mosaic.version = 14 : i64} {
  func.func @_embed_tc(%arg0: memref<10000x128xf32, #tpu.memory_space<vmem>>, %arg1: memref<128x128xf32, #tpu.memory_space<vmem>>, %arg2: memref<1x128xf32, #tpu.memory_space<vmem>>, %arg3: memref<10000x128xf32, #tpu.memory_space<vmem>>) attributes {dimension_semantics = [], scalar_prefetch = 0 : i64, scratch_operands = 0 : i64, tpu.core_type = #tpu.core_type<tc>} {
    %get3A = arith.constant 0 : index
    %get3A_0 = arith.constant 0 : index
    %get3A_1 = vector.load %arg0[%get3A, %get3A_0] : memref<10000x128xf32, #tpu.memory_space<vmem>>, vector<10000x128xf32>
    %get3A_2 = arith.constant 0 : index
    %get3A_3 = arith.constant 0 : index
    %get3A_4 = vector.load %arg1[%get3A_2, %get3A_3] : memref<128x128xf32, #tpu.memory_space<vmem>>, vector<128x128xf32>
    %dot_general3A = arith.constant dense<0.000000e+00> : vector<10000x128xf32>
    %dot_general3A_5 = tpu.matmul %get3A_1, %get3A_4, %dot_general3A {dimension_numbers = #tpu.dot_dimension_numbers<[1], [0], [0], [1], [0, 0, 1, 1], [], []>, transpose_lhs_hint = false} : vector<10000x128xf32>, vector<128x128xf32>, vector<10000x128xf32> -> vector<10000x128xf32>
    %get3A_6 = arith.constant 0 : index
    %get3A_7 = arith.constant 0 : index
    %get3A_8 = vector.load %arg2[%get3A_6, %get3A_7] : memref<1x128xf32, #tpu.memory_space<vmem>>, vector<1x128xf32>
    %add3A = vector.broadcast %get3A_8 : vector<1x128xf32> to vector<10000x128xf32>
    %add3A_9 = arith.addf %dot_general3A_5, %add3A : vector<10000x128xf32>
    %swap3A = arith.constant 0 : index
    %swap3A_10 = arith.constant 0 : index
    %swap3A_11 = vector.load %arg3[%swap3A, %swap3A_10] : memref<10000x128xf32, #tpu.memory_space<vmem>>, vector<10000x128xf32>
    tpu.vector_store %arg3[%swap3A, %swap3A_10], %add3A_9 {strides = array<i32>} : memref<10000x128xf32, #tpu.memory_space<vmem>>, vector<10000x128xf32>,
    return
  }
}

module attributes {stable_mosaic.version = 14 : i64} {
  func.func @_layer_tc(%arg0: memref<10000x128xf32, #tpu.memory_space<vmem>>, %arg1: memref<2x10240x128xf32, #tpu.memory_space<vmem>>, %arg2: memref<2x10240x128xf32, #tpu.memory_space<vmem>>, %arg3: memref<16x128xf32, #tpu.memory_space<vmem>>, %arg4: memref<128x128xf32, #tpu.memory_space<vmem>>, %arg5: memref<1x128xf32, #tpu.memory_space<vmem>>, %arg6: memref<1x128xf32, #tpu.memory_space<vmem>>, %arg7: memref<1x128xf32, #tpu.memory_space<vmem>>, %arg8: memref<10000x128xf32, #tpu.memory_space<vmem>>) attributes {dimension_semantics = [], scalar_prefetch = 0 : i64, scratch_operands = 0 : i64, tpu.core_type = #tpu.core_type<tc>} {
    %get3A = arith.constant 0 : index
    %get3A_0 = arith.constant 0 : index
    %get3A_1 = vector.load %arg0[%get3A, %get3A_0] : memref<10000x128xf32, #tpu.memory_space<vmem>>, vector<10000x128xf32>
    %get3A_2 = arith.constant 0 : index
    %get3A_3 = arith.constant 0 : index
    %get3A_4 = arith.constant 0 : index
    %get3A_5 = vector.load %arg2[%get3A_2, %get3A_3, %get3A_4] : memref<2x10240x128xf32, #tpu.memory_space<vmem>>, vector<1x10000x16xf32>
    %get3A_6 = vector.shape_cast %get3A_5 : vector<1x10000x16xf32> to vector<10000x16xf32>
    %get3A_7 = arith.constant 1 : index
    %get3A_8 = arith.constant 0 : index
    %get3A_9 = arith.constant 0 : index
    %get3A_10 = vector.load %arg2[%get3A_7, %get3A_8, %get3A_9] : memref<2x10240x128xf32, #tpu.memory_space<vmem>>, vector<1x10000x16xf32>
    %get3A_11 = vector.shape_cast %get3A_10 : vector<1x10000x16xf32> to vector<10000x16xf32>
    %add3A = arith.addf %get3A_6, %get3A_11 : vector<10000x16xf32>
    %get3A_12 = arith.constant 0 : index
    %get3A_13 = arith.constant 0 : index
    %get3A_14 = arith.constant 0 : index
    %get3A_15 = vector.load %arg1[%get3A_12, %get3A_13, %get3A_14] : memref<2x10240x128xf32, #tpu.memory_space<vmem>>, vector<1x10000x128xf32>
    %get3A_16 = vector.shape_cast %get3A_15 : vector<1x10000x128xf32> to vector<10000x128xf32>
    %get3A_17 = arith.constant 1 : index
    %get3A_18 = arith.constant 0 : index
    %get3A_19 = arith.constant 0 : index
    %get3A_20 = vector.load %arg1[%get3A_17, %get3A_18, %get3A_19] : memref<2x10240x128xf32, #tpu.memory_space<vmem>>, vector<1x10000x128xf32>
    %get3A_21 = vector.shape_cast %get3A_20 : vector<1x10000x128xf32> to vector<10000x128xf32>
    %add3A_22 = arith.addf %get3A_16, %get3A_21 : vector<10000x128xf32>
    %get3A_23 = arith.constant 0 : index
    %get3A_24 = arith.constant 0 : index
    %get3A_25 = vector.load %arg3[%get3A_23, %get3A_24] : memref<16x128xf32, #tpu.memory_space<vmem>>, vector<16x128xf32>
    %dot_general3A = arith.constant dense<0.000000e+00> : vector<10000x128xf32>
    %dot_general3A_26 = tpu.matmul %add3A, %get3A_25, %dot_general3A {dimension_numbers = #tpu.dot_dimension_numbers<[1], [0], [0], [1], [0, 0, 1, 1], [], []>, transpose_lhs_hint = false} : vector<10000x16xf32>, vector<16x128xf32>, vector<10000x128xf32> -> vector<10000x128xf32>
    %add3A_27 = arith.addf %add3A_22, %dot_general3A_26 : vector<10000x128xf32>
    %add3A_28 = arith.addf %get3A_1, %add3A_27 : vector<10000x128xf32>
    %get3A_29 = arith.constant 0 : index
    %get3A_30 = arith.constant 0 : index
    %get3A_31 = vector.load %arg4[%get3A_29, %get3A_30] : memref<128x128xf32, #tpu.memory_space<vmem>>, vector<128x128xf32>
    %dot_general3A_32 = arith.constant dense<0.000000e+00> : vector<10000x128xf32>
    %dot_general3A_33 = tpu.matmul %add3A_28, %get3A_31, %dot_general3A_32 {dimension_numbers = #tpu.dot_dimension_numbers<[1], [0], [0], [1], [0, 0, 1, 1], [], []>, transpose_lhs_hint = false} : vector<10000x128xf32>, vector<128x128xf32>, vector<10000x128xf32> -> vector<10000x128xf32>
    %get3A_34 = arith.constant 0 : index
    %get3A_35 = arith.constant 0 : index
    %get3A_36 = vector.load %arg5[%get3A_34, %get3A_35] : memref<1x128xf32, #tpu.memory_space<vmem>>, vector<1x128xf32>
    %add3A_37 = vector.broadcast %get3A_36 : vector<1x128xf32> to vector<10000x128xf32>
    %add3A_38 = arith.addf %dot_general3A_33, %add3A_37 : vector<10000x128xf32>
    %reduce_sum3A = arith.constant dense<0.000000e+00> : vector<128xf32>
    %reduce_sum3A_39 = vector.multi_reduction <add>, %add3A_38, %reduce_sum3A [0] : vector<10000x128xf32> to vector<128xf32>
    %broadcast_in_dim3A = vector.shape_cast %reduce_sum3A_39 : vector<128xf32> to vector<1x128xf32>
    %div3A = arith.constant 1.000000e+04 : f32
    %div3A_40 = vector.broadcast %div3A : f32 to vector<1x128xf32>
    %div3A_41 = arith.divf %broadcast_in_dim3A, %div3A_40 : vector<1x128xf32>
    %sub3A = vector.broadcast %div3A_41 : vector<1x128xf32> to vector<10000x128xf32>
    %sub3A_42 = arith.subf %add3A_38, %sub3A : vector<10000x128xf32>
    %sub3A_43 = vector.broadcast %div3A_41 : vector<1x128xf32> to vector<10000x128xf32>
    %sub3A_44 = arith.subf %add3A_38, %sub3A_43 : vector<10000x128xf32>
    %mul3A = arith.mulf %sub3A_42, %sub3A_44 : vector<10000x128xf32>
    %reduce_sum3A_45 = arith.constant dense<0.000000e+00> : vector<128xf32>
    %reduce_sum3A_46 = vector.multi_reduction <add>, %mul3A, %reduce_sum3A_45 [0] : vector<10000x128xf32> to vector<128xf32>
    %broadcast_in_dim3A_47 = vector.shape_cast %reduce_sum3A_46 : vector<128xf32> to vector<1x128xf32>
    %div3A_48 = arith.constant 1.000000e+04 : f32
    %div3A_49 = vector.broadcast %div3A_48 : f32 to vector<1x128xf32>
    %div3A_50 = arith.divf %broadcast_in_dim3A_47, %div3A_49 : vector<1x128xf32>
    %sub3A_51 = vector.broadcast %div3A_41 : vector<1x128xf32> to vector<10000x128xf32>
    %sub3A_52 = arith.subf %add3A_38, %sub3A_51 : vector<10000x128xf32>
    %add3A_53 = arith.constant 9.99999974E-6 : f32
    %add3A_54 = vector.broadcast %add3A_53 : f32 to vector<1x128xf32>
    %add3A_55 = arith.addf %div3A_50, %add3A_54 : vector<1x128xf32>
    %rsqrt3A = math.rsqrt %add3A_55 : vector<1x128xf32>
    %mul3A_56 = vector.broadcast %rsqrt3A : vector<1x128xf32> to vector<10000x128xf32>
    %mul3A_57 = arith.mulf %sub3A_52, %mul3A_56 : vector<10000x128xf32>
    %get3A_58 = arith.constant 0 : index
    %get3A_59 = arith.constant 0 : index
    %get3A_60 = vector.load %arg6[%get3A_58, %get3A_59] : memref<1x128xf32, #tpu.memory_space<vmem>>, vector<1x128xf32>
    %mul3A_61 = vector.broadcast %get3A_60 : vector<1x128xf32> to vector<10000x128xf32>
    %mul3A_62 = arith.mulf %mul3A_57, %mul3A_61 : vector<10000x128xf32>
    %get3A_63 = arith.constant 0 : index
    %get3A_64 = arith.constant 0 : index
    %get3A_65 = vector.load %arg7[%get3A_63, %get3A_64] : memref<1x128xf32, #tpu.memory_space<vmem>>, vector<1x128xf32>
    %add3A_66 = vector.broadcast %get3A_65 : vector<1x128xf32> to vector<10000x128xf32>
    %add3A_67 = arith.addf %mul3A_62, %add3A_66 : vector<10000x128xf32>
    %max3A = arith.constant 0.000000e+00 : f32
    %max3A_68 = vector.broadcast %max3A : f32 to vector<10000x128xf32>
    %max3A_69 = arith.maximumf %add3A_67, %max3A_68 : vector<10000x128xf32>
    %add3A_70 = arith.addf %max3A_69, %get3A_1 : vector<10000x128xf32>
    %swap3A = arith.constant 0 : index
    %swap3A_71 = arith.constant 0 : index
    %swap3A_72 = vector.load %arg8[%swap3A, %swap3A_71] : memref<10000x128xf32, #tpu.memory_space<vmem>>, vector<10000x128xf32>
    tpu.vector_store %arg8[%swap3A, %swap3A_71], %add3A_70 {strides = array<i32>} : memref<10000x128xf32, #tpu.memory_space<vmem>>, vector<10000x128xf32>,
    return
  }
}

module attributes {stable_mosaic.version = 14 : i64} {
  func.func @_pool_tc(%arg0: memref<10000x128xf32, #tpu.memory_space<vmem>>, %arg1: memref<1x10000xi32, #tpu.memory_space<vmem>>, %arg2: memref<128x10xf32, #tpu.memory_space<vmem>>, %arg3: memref<1x10xf32, #tpu.memory_space<vmem>>, %arg4: memref<64x10xf32, #tpu.memory_space<vmem>>) attributes {dimension_semantics = [], scalar_prefetch = 0 : i64, scratch_operands = 0 : i64, tpu.core_type = #tpu.core_type<tc>} {
    %get3A = arith.constant 0 : index
    %get3A_0 = arith.constant 0 : index
    %get3A_1 = vector.load %arg0[%get3A, %get3A_0] : memref<10000x128xf32, #tpu.memory_space<vmem>>, vector<10000x128xf32>
    %get3A_2 = arith.constant 0 : index
    %get3A_3 = arith.constant 0 : index
    %get3A_4 = vector.load %arg1[%get3A_2, %get3A_3] : memref<1x10000xi32, #tpu.memory_space<vmem>>, vector<1x10000xi32>
    %iota3A = tpu.iota {dimensions = array<i32: 0>} : vector<64x1xi32>
    %eq3A = vector.broadcast %get3A_4 : vector<1x10000xi32> to vector<64x10000xi32>
    %eq3A_5 = vector.broadcast %iota3A : vector<64x1xi32> to vector<64x10000xi32>
    %eq3A_6 = arith.cmpi eq, %eq3A, %eq3A_5 : vector<64x10000xi32>
    %convert_element_type3A = arith.extui %eq3A_6 : vector<64x10000xi1> to vector<64x10000xi32>
    %convert_element_type3A_7 = arith.sitofp %convert_element_type3A : vector<64x10000xi32> to vector<64x10000xf32>
    %dot_general3A = arith.constant dense<0.000000e+00> : vector<64x128xf32>
    %dot_general3A_8 = tpu.matmul %convert_element_type3A_7, %get3A_1, %dot_general3A {dimension_numbers = #tpu.dot_dimension_numbers<[1], [0], [0], [1], [0, 0, 1, 1], [], []>, transpose_lhs_hint = false} : vector<64x10000xf32>, vector<10000x128xf32>, vector<64x128xf32> -> vector<64x128xf32>
    %reduce_sum3A = arith.constant dense<0.000000e+00> : vector<64xf32>
    %reduce_sum3A_9 = vector.multi_reduction <add>, %convert_element_type3A_7, %reduce_sum3A [1] : vector<64x10000xf32> to vector<64xf32>
    %broadcast_in_dim3A = vector.shape_cast %reduce_sum3A_9 : vector<64xf32> to vector<64x1xf32>
    %max3A = arith.constant 1.000000e+00 : f32
    %max3A_10 = vector.broadcast %max3A : f32 to vector<64x1xf32>
    %max3A_11 = arith.maximumf %broadcast_in_dim3A, %max3A_10 : vector<64x1xf32>
    %div3A = vector.broadcast %max3A_11 : vector<64x1xf32> to vector<64x128xf32>
    %div3A_12 = arith.divf %dot_general3A_8, %div3A : vector<64x128xf32>
    %get3A_13 = arith.constant 0 : index
    %get3A_14 = arith.constant 0 : index
    %get3A_15 = vector.load %arg2[%get3A_13, %get3A_14] : memref<128x10xf32, #tpu.memory_space<vmem>>, vector<128x10xf32>
    %dot_general3A_16 = arith.constant dense<0.000000e+00> : vector<64x10xf32>
    %dot_general3A_17 = tpu.matmul %div3A_12, %get3A_15, %dot_general3A_16 {dimension_numbers = #tpu.dot_dimension_numbers<[1], [0], [0], [1], [0, 0, 1, 1], [], []>, transpose_lhs_hint = false} : vector<64x128xf32>, vector<128x10xf32>, vector<64x10xf32> -> vector<64x10xf32>
    %get3A_18 = arith.constant 0 : index
    %get3A_19 = arith.constant 0 : index
    %get3A_20 = vector.load %arg3[%get3A_18, %get3A_19] : memref<1x10xf32, #tpu.memory_space<vmem>>, vector<1x10xf32>
    %add3A = vector.broadcast %get3A_20 : vector<1x10xf32> to vector<64x10xf32>
    %add3A_21 = arith.addf %dot_general3A_17, %add3A : vector<64x10xf32>
    %swap3A = arith.constant 0 : index
    %swap3A_22 = arith.constant 0 : index
    %swap3A_23 = vector.load %arg4[%swap3A, %swap3A_22] : memref<64x10xf32, #tpu.memory_space<vmem>>, vector<64x10xf32>
    tpu.vector_store %arg4[%swap3A, %swap3A_22], %add3A_21 {strides = array<i32>} : memref<64x10xf32, #tpu.memory_space<vmem>>, vector<64x10xf32>,
    return
  }
}

</mosaic_0001>

<sc_bundles>
// kernel: kernel.13.cloned.1.call-start
scs
__scs_entry_jumppad:
0x0: {  	(pc) =	sbr.rel $0x88, $3  }
0x1: {  	(tag) =	ssettag $0x0;
	lr =	simm.s32 $0x1  }
0x2: {  	[smem:$0x3F94] =	sst lr;
	_ =	strace $0xD0000000  }
0x3: {  	_ = 	snop  }
0x4: {  	_ = 	snop  }
0x5: {  	_ = 	snop  }
0x6: {  	_ = 	snop  }
0x7: {  	_ = 	snop  }
__scs_overlays_trampoline_lowered:
0x8: {  	[smem:$0x3FA3] =	sst s0  }
0x9: {  	[smem:$0x3FA4] =	sst s1  }
0xa: {  	[smem:$0x3FA5] =	sst s2  }
0xb: {  	[smem:$0x3FA6] =	sst s3  }
0xc: {  	[smem:$0x3FA7] =	sst s4  }
0xd: {  	[smem:$0x3FA8] =	sst s5  }
0xe: {  	[smem:$0x3FA9] =	sst s6  }
0xf: {  	[smem:$0x3FAA] =	sst s7  }
0x10: {  	[smem:$0x3FAB] =	sst s8  }
0x11: {  	[smem:$0x3FAC] =	sst s9;
	s0 =	simm.s32 @!p0 $0x0  }
0x12: {  	s1 =	sld [smem:$0x3F92];
	s0 =	simm.s32 @p0 $0x1  }
0x13: {  	[smem:$0x3FAD] =	sst s0;
	s0 =	simm.s32 @!p1 $0x0  }
0x14: {  	s2 =	sld [smem:$0x3F91];
	s0 =	simm.s32 @p1 $0x1  }
0x15: {  	[smem:$0x3FAE] =	sst s0;
	s0 =	simm.s32 @!p2 $0x0  }
0x16: {  	s3 =	sld [smem:$0x3FDB];
	s0 =	simm.s32 @p2 $0x1  }
0x17: {  	s4 =	simm.s32 $0x1BF5;
	[smem:$0x3FB0] =	sst s0  }
0x18: {  	s0 =	sld [smem:$0x3F93];
	_ =	swait.ge [sflag:s4], $0x0  }
0x19: {  	s7 =	sld [smem:$0x3F94]  }
0x1a: {  	s8 =	sadd.s32 $0xFFFFE003, lr  }
0x1b: {  	s9 =	sadd.s32 $0xFFFFFEF7, lr;
	s5 =	simm.s32 $0xFFFFFFFF;
	p2 =	slt.u32 s8, $0xFFFFF086  }
0x1c: {  	p1 =	slt.u32 s9, $0xF7A;
	s5 =	simm.s32 @!p2 $0x0  }
0x1d: {  	s5 =	simm.s32 @p1 $0x1;
	p0 =	seq.s32 s7, s2  }
0x1e: {  	s7 =	smul.u32 @!p0 $0xF7A, s2;
	p2 =	seq.s32 @!p0 s5, $0x0  }
0x1f: {  	s9 =	smul.u32 $0xF7A, s1;
	s8 =	simm.s32 @!p0 $0x1BF5;
	p2 =	por !p2, p0  }
0x20: {  	[sflag:s8] =	ssyncset.s32 @!p0 $0xFFFFF086;
	s6 =	sadd.s32 @!p0 s3, s7;
	s7 =	simm.s32 @!p0 $0x108  }
0x21: {  	s3 =	sadd.s32 s3, s9;
	s6 =	sadd.s32 @!p0 $0x88, s6;
	s7 =	simm.s32 @p2 $0x1082  }
0x22: {  	[simem:s7], [sflag:s8] =	dma.local @!p0 [hbm:s6], $0xF7A  }
0x23: {  	s9 =	sor.u32 $0xD0000000, s2;
	s6 =	simm.s32 $0x108;
	_ =	swait.ge @!p0 [sflag:s8], $0x0  }
0x24: {  	s3 =	sadd.s32 $0x88, s3;
	s6 =	simm.s32 @!p1 $0x1082;
	[sflag:s4] =	ssyncset.s32 $0xFFFFF086  }
0x25: {  	[simem:s6], [sflag:s4] =	dma.local [hbm:s3], $0xF7A  }
0x26: {  	[smem:$0x3F94] =	sst s1;
	(tag) =	ssettag s2;
	_ =	strace s9  }
0x27: {  	s1 =	sld [smem:$0x3FA4]  }
0x28: {  	s2 =	sld [smem:$0x3FA5]  }
0x29: {  	s4 =	sld [smem:$0x3FA7]  }
0x2a: {  	p0 =	seq.s32 s5, $0x0;
	s5 =	sld [smem:$0x3FA8]  }
0x2b: {  	s6 =	sld [smem:$0x3FA9]  }
0x2c: {  	s7 =	sld [smem:$0x3FAA]  }
0x2d: {  	s3 =	simm.s32 $0x108;
	s8 =	sld [smem:$0x3FAB]  }
0x2e: {  	s3 =	simm.s32 @!p0 $0x1082;
	s9 =	sld [smem:$0x3FAC]  }
0x2f: {  	lr =	sadd.s32 s0, s3;
	s0 =	sld [smem:$0x3FA3]  }
0x30: {  	s3 =	sld [smem:$0x3FA6]  }
0x31: {  	[smem:$0x3FAF] =	sst s10  }
0x32: {  	s10 =	sld [smem:$0x3FAD];
	_ =	sdelay $0x3  }
0x33: {  	p0 =	seq.s32 s10, $0x1;
	s10 =	sld [smem:$0x3FAF];
	_ =	sdelay $0x3  }
0x34: {  	[smem:$0x3FAF] =	sst s10  }
0x35: {  	s10 =	sld [smem:$0x3FAE];
	_ =	sdelay $0x3  }
0x36: {  	p1 =	seq.s32 s10, $0x1;
	s10 =	sld [smem:$0x3FAF];
	_ =	sdelay $0x3  }
0x37: {  	[smem:$0x3FAF] =	sst s10  }
0x38: {  	s10 =	sld [smem:$0x3FB0]  }
0x39: {  	_ = 	snop;
	(pc) =	sbr.ind lr, $3  }
0x3a: {  	_ = 	snop  }
0x3b: {  	_ = 	snop  }
0x3c: {  	p2 =	seq.s32 s10, $0x1;
	s10 =	sld [smem:$0x3FAF]  }
0x3d: {  	_ =	shalt  }
0x3e: {  	_ =	shalt  }
0x3f: {  	_ =	shalt  }
0x40: {  	_ =	shalt  }
0x41: {  	_ =	shalt  }
0x42: {  	_ =	shalt  }
0x43: {  	_ =	shalt  }
0x44: {  	_ =	shalt  }
0x45: {  	_ =	shalt  }
0x46: {  	_ =	shalt  }
0x47: {  	_ =	shalt  }
0x48: {  	_ =	shalt  }
0x49: {  	_ =	shalt  }
0x4a: {  	_ =	shalt  }
0x4b: {  	_ =	shalt  }
0x4c: {  	_ =	shalt  }
0x4d: {  	_ =	shalt  }
0x4e: {  	_ =	shalt  }
0x4f: {  	_ =	shalt  }
0x50: {  	_ =	shalt  }
0x51: {  	_ =	shalt  }
0x52: {  	_ =	shalt  }
0x53: {  	_ =	shalt  }
0x54: {  	_ =	shalt  }
0x55: {  	_ =	shalt  }
0x56: {  	_ =	shalt  }
0x57: {  	_ =	shalt  }
0x58: {  	_ =	shalt  }
0x59: {  	_ =	shalt  }
0x5a: {  	_ =	shalt  }
0x5b: {  	_ =	shalt  }
0x5c: {  	_ =	shalt  }
0x5d: {  	_ =	shalt  }
0x5e: {  	_ =	shalt  }
0x5f: {  	_ =	shalt  }
0x60: {  	_ =	shalt  }
0x61: {  	_ =	shalt  }
0x62: {  	_ =	shalt  }
0x63: {  	_ =	shalt  }
0x64: {  	_ =	shalt  }
0x65: {  	_ =	shalt  }
0x66: {  	_ =	shalt  }
0x67: {  	_ =	shalt  }
0x68: {  	_ =	shalt  }
0x69: {  	_ =	shalt  }
0x6a: {  	_ =	shalt  }
0x6b: {  	_ =	shalt  }
0x6c: {  	_ =	shalt  }
0x6d: {  	_ =	shalt  }
0x6e: {  	_ =	shalt  }
0x6f: {  	_ =	shalt  }
0x70: {  	_ =	shalt  }
0x71: {  	_ =	shalt  }
0x72: {  	_ =	shalt  }
0x73: {  	_ =	shalt  }
0x74: {  	_ =	shalt  }
0x75: {  	_ =	shalt  }
0x76: {  	_ =	shalt  }
0x77: {  	_ =	shalt  }
0x78: {  	_ =	shalt  }
0x79: {  	_ =	shalt  }
0x7a: {  	_ =	shalt  }
0x7b: {  	_ =	shalt  }
0x7c: {  	_ =	shalt  }
0x7d: {  	_ =	shalt  }
0x7e: {  	_ =	shalt  }
0x7f: {  	_ =	shalt  }
0x80: {  	_ =	shalt  }
0x81: {  	_ =	shalt  }
0x82: {  	_ =	shalt  }
0x83: {  	_ =	shalt  }
0x84: {  	_ =	shalt  }
0x85: {  	_ =	shalt  }
0x86: {  	_ =	shalt  }
0x87: {  	_ =	shalt  }
.Lfunc_end0:
.L_simem_size_0:
called_computation_lowered:
.L_overlay_start_0:
0x88: {  	s2 =	sld [smem:$0x3FD9]  }
0x89: {  	s3 =	sld [smem:$0x3FFE];
	_ =	sdelay $0x1  }
0x8a: {  	s1 =	srdreg.scid  }
0x8b: {  	s0 =	sand.u32 $0x1, s1  }
0x8c: {  	s16 =	sshll.u32 s0, $0xA;
	s2 =	sadd.s32 s3, s2  }
0x8d: {  	s2 =	sadd.s32 s2, s16  }
0x8e: {  	[smem:$0x3FBB] =	sst s2  }
0x8f: {  	_ = 	snop  }
0x90: {  	(tm) =	ssettm $0x1  }
0x91: {  	s17 =	sld [smem:$0x3FFB];
	_ =	sdelay $0x3  }
0x92: {  	_ =	strace s17  }
0x93: {  	s2 =	sld [smem:$0x3FFC];
	_ =	sdelay $0x3  }
0x94: {  	_ =	strace s2  }
0x95: {  	s2 =	sld [smem:$0x3FFD];
	_ =	sdelay $0x3  }
0x96: {  	_ =	strace s2  }
0x97: {  	_ =	strace $0x8FFFFFFF  }
0x98: {  	s18 =	sld [smem:$0x3FDB];
	_ =	sdelay $0x1  }
0x99: {  	s19 =	simm.s32 $_scs_section_size  }
0x9a: {  	s4 =	simm.s32 $_size__tile_overlayer_lowered;
	s5 =	simm.s32 $_tile_overlayer_lowered  }
0x9b: {  	s22 =	simm.s32 $0x1BFF;
	s21 =	sshll.u32 s5, $0x1;
	s2 =	sadd.s32 s19, s18  }
0x9c: {  	s6 =	simm.s32 $0x0;
	s20 =	sshll.u32 s4, $0x1;
	s4 =	sadd.s32 s21, s2  }
0x9d: {  	[timem:s6], [sflag:s22] =	dma.local [hbm:s4], s20  }
0x9e: {  	_ =	swait.ge [sflag:s22], s20  }
0x9f: {  	s3 =	ssub.s32 $0x0, s20;
	[sflag:s22] =	ssyncset.done $0x0  }
0xa0: {  	[sflag:s22] =	ssyncadd.s32 s3;
	_ =	sdelay $0x1  }
0xa1: {  	s23 =	simm.s32 $0x1B8B  }
0xa2: {  	_ =	swait.ge [sflag:s23], $0x1  }
0xa3: {  	[sflag:s23] =	ssyncset.done $0x0  }
0xa4: {  	s25 =	simm.s32 $0x1B8E;
	s24 =	sld [smem:$0x3FFE];
	[sflag:s23] =	ssyncadd.s32 $0xFFFFFFFF  }
0xa5: {  	s26 =	simm.s32 $execute0_lowered;
	[smem:$0x3FD2] =	sst s25  }
0xa6: {  	s4 =	sshll.u32 s26, $0x1;
	_ =	strace $0x80000046;
	[dreg:$0x1] =	wrdreg $0xFFFFFFFF  }
0xa7: {  	s28 =	simm.s32 $_size_execute0_lowered;
	s2 =	sadd.s32 s2, s4;
	[dreg:$0x0] =	wrdreg $0x0  }
0xa8: {  	s4 =	sshll.u32 s28, $0x1;
	[dreg:$0x2] =	wrdreg s2  }
0xa9: {  	[dreg:$0x3] =	wrdreg s4  }
0xaa: {  	[dreg:$0x4] =	wrdreg $0xC0  }
0xab: {  	_ =	task [dreg:s6], $0x5FFFF  }
0xac: {  	[dreg:$0x1] =	wrdreg $0xFFFFFFFF  }
0xad: {  	[dreg:$0x0] =	wrdreg $0x60  }
0xae: {  	[dreg:$0x2] =	wrdreg s24  }
0xaf: {  	[dreg:$0x3] =	wrdreg $0x40800  }
0xb0: {  	[dreg:$0x4] =	wrdreg $0x9  }
0xb1: {  	_ =	task.clear_ibuf [dreg:s6], $0x5FFFF;
	_ =	strace $0x90000046  }
0xb2: {  	s29 =	simm.s32 $0x9;
	_ =	strace $0x80000048  }
0xb3: {  	_ =	swait.ge [sflag:s29], $0x1  }
0xb4: {  	[sflag:s29] =	ssyncadd.s32 $0xFFFFFFFF  }
0xb5: {  	_ =	strace $0x90000048  }
0xb6: {  	_ =	sfence  }
0xb7: {  	s30 =	sld [smem:$0x0];
	_ =	sdelay $0x2  }
0xb8: {  	s31 =	sshll.u32 s1, $0xD;
	s1 =	sshrl.u32 s1, $0x2  }
0xb9: {  	s3 =	sand.u32 $0x4000, s31;
	s1 =	sadd.s32 s1, s30  }
0xba: {  	s0 =	sor.u32 s3, s0;
	s1 =	sshll.u32 s1, $0x11  }
0xbb: {  	s0 =	sor.u32 s1, s0  }
0xbc: {  	s0 =	sadd.s32 $0x8F2B, s0  }
0xbd: {  	[sflag:s0] =	ssyncadd.remote.s32 $0x1  }
0xbe: {  	_ =	sfence.sel $0xFFFF  }
0xbf: {  	[dreg:$0x0] =	wrdreg $0xFFFFFFFF;
	(pc) =	sbr.abs _section_cstart, $3  }
0xc0: {  	[dreg:$0x1] =	wrdreg $0xFFFFFFFF  }
0xc1: {  	_ =	task.clear_ibuf [dreg:s6], $0x2FFFF;
	_ =	strace $0x9FFFFFFF  }
0xc2: {  	(tm) =	ssettm $0x7FFFFFFF  }
0xc3: {  	_ =	shalt  }
tec
execute0_lowered:
.L_overlay_start_1:
0x0: {  	(tag) =	ssettag $0x1  }
0x1: {  	s4 =	rddreg [dreg:$0x0]  }
0x2: {  	s2 =	rddreg [dreg:$0x1];
	s1 =	stileid.u32  }
0x3: {  	s0 =	rddreg [dreg:$0x2];
	s3 =	simm.s32 $0x0;
	s6 =	smul.u32 $0x36, s1  }
0x4: {  	s5 =	srdreg.scid;
	s14 =	simm.s32 $0x80;
	s7 =	smul.u32 $0x68, s1  }
0x5: {  	s15 =	simm.s32 $0x1;
	s18 =	simm.s32 $0x0;
	s26 =	smul.u32 $0x14000, s1  }
0x6: {  	[smem:$0x7FF] =	sst s3;
	s5 =	sand.u32 $0x1, s5;
	s29 =	smul.u32 $0x50000, s1  }
0x7: {  	s16 =	sshll.u32 s1, $0x6;
	p0 =	seq.s32 s5, $0x0;
	s8 =	smul.u32 $0x140000, s5  }
0x8: {  	_ =	strace $0x80000047;
	s5 =	ssub.s32 $0x2, s5;
	s16 =	sor.u32 $0x1C01, s16  }
0x9: {  	s6 =	sadd.s32 $0x680, s6;
	s30 =	sshrl.u32 s5, $0x1;
	s31 =	sshrl.u32 s29, $0x2  }
0xa: {  	s6 =	smov.u32 @p0 s7;
	s28 =	sadd.s32 s26, s8;
	s8 =	ssub.s32 s5, s30  }
0xb: {  	s5 =	sadd.s32 s31, s2;
	s9 =	sshll.u32 s6, $0xB;
	s6 =	sshll.u32 s6, $0x4  }
0xc: {  	s7 =	smax.u32 s8, $0x1;
	s8 =	sadd.s32 $0x4000, s5;
	s10 =	sadd.s32 $0xC000, s5  }
0xd: {  	s11 =	sadd.s32 $0x10000, s5;
	s17 =	sshrl.u32 s5, $0x3;
	s12 =	sadd.s32 s9, s4  }
0xe: {  	s13 =	sadd.s32 s6, s4;
	s6 =	sshrl.u32 s28, $0x3;
	s9 =	sadd.s32 $0x8000, s5  }
0xf: {  	s6 =	sadd.s32 s6, s4;
	s4 =	simm.s32 $0x68;
	s12 =	sadd.s32 $0x4F9E00, s12  }
0x10: {  	v0 =	vimm.f32 $0.0e+00;
	s13 =	sadd.s32 $0x4F0000, s13;
	s4 =	simm.s32 @!p0 $0x36;
	s6 =	sadd.s32 $0x4200, s6  }
.LBB2_1:
0x11: {  	s19 =	simm.s32 $0x0;
	s20 =	simm.s32 $0x200  }
.LBB2_2:
0x12: {  	p0 =	sne.s32 s20, $0xFE00;
	[tilespmem:s19+$0xF0] =	vst v0  }
0x13: {  	[tilespmem:s19+$0x80] =	vst v0  }
0x14: {  	[tilespmem:s19+$0x90] =	vst v0  }
.Ltmp0:
0x15: {  	[tilespmem:s19+$0xA0] =	vst v0;
	(pc) =	sbr.rel @p0 .LBB2_2-.Ltmp0, $4  }
0x16: {  	[tilespmem:s19+$0xB0] =	vst v0  }
0x17: {  	[tilespmem:s19+$0xC0] =	vst v0  }
0x18: {  	[tilespmem:s19+$0xD0] =	vst v0  }
0x19: {  	[tilespmem:s19+$0xE0] =	vst v0;
	s19 =	sshra.s32 s20, $0x2;
	s20 =	sadd.s32 $0x200, s20  }
0x1a: {  	[tilespmem:s19+$0xF0] =	vst v0  }
0x1b: {  	[tilespmem:s19+$0x80] =	vst v0  }
0x1c: {  	[tilespmem:s19+$0x90] =	vst v0  }
0x1d: {  	[tilespmem:s19+$0xA0] =	vst v0  }
0x1e: {  	[tilespmem:s19+$0xB0] =	vst v0  }
0x1f: {  	[tilespmem:s19+$0xC0] =	vst v0  }
0x20: {  	[tilespmem:s19+$0xD0] =	vst v0  }
0x21: {  	[tilespmem:s19+$0xE0] =	vst v0  }
0x22: {  	[spmem:s5] =	stream.linear.scatter [tilespmem:s14], [sflag:$0x1], $0x4000, $0x38;
	[tilespmem:$0x18080] =	vst v63  }
0x23: {  	_ =	swait.ge [sflag:s15], $0x4000  }
0x24: {  	[sflag:s15] =	ssyncset.done $0x0  }
0x25: {  	[sflag:s15] =	ssyncadd.s32 $0xFFFFC000  }
0x26: {  	[spmem:s8] =	stream.linear.scatter [tilespmem:s14], [sflag:$0x1], $0x4000, $0x38;
	[tilespmem:$0x18080] =	vst v63  }
0x27: {  	_ =	swait.ge [sflag:s15], $0x4000  }
0x28: {  	[sflag:s15] =	ssyncset.done $0x0  }
0x29: {  	[sflag:s15] =	ssyncadd.s32 $0xFFFFC000  }
0x2a: {  	[spmem:s9] =	stream.linear.scatter [tilespmem:s14], [sflag:$0x1], $0x4000, $0x38;
	[tilespmem:$0x18080] =	vst v63  }
0x2b: {  	_ =	swait.ge [sflag:s15], $0x4000  }
0x2c: {  	[sflag:s15] =	ssyncset.done $0x0  }
0x2d: {  	[sflag:s15] =	ssyncadd.s32 $0xFFFFC000  }
0x2e: {  	[spmem:s10] =	stream.linear.scatter [tilespmem:s14], [sflag:$0x1], $0x4000, $0x38;
	[tilespmem:$0x18080] =	vst v63  }
0x2f: {  	_ =	swait.ge [sflag:s15], $0x4000  }
0x30: {  	[sflag:s15] =	ssyncset.done $0x0  }
0x31: {  	[sflag:s15] =	ssyncadd.s32 $0xFFFFC000  }
0x32: {  	[spmem:s11] =	stream.linear.scatter [tilespmem:s14], [sflag:$0x1], $0x4000, $0x38;
	[tilespmem:$0x18080] =	vst v63  }
0x33: {  	_ =	swait.ge [sflag:s15], $0x4000  }
0x34: {  	[sflag:s15] =	ssyncset.done $0x0  }
0x35: {  	[sflag:s15] =	ssyncadd.s32 $0xFFFFC000  }
0x36: {  	[bflag:$0x0] =	sbarrier.arrive $0xFFFF  }
0x37: {  	[tilespmem:s3], [sflag:$0x1] =	stream.linear.gather [hbm4b:s13+s3], $0x80, $0x38;
	[tilespmem:$0x18080] =	vst v63  }
0x38: {  	_ =	swait.ge [sflag:s15], $0x80  }
0x39: {  	[sflag:s15] =	ssyncset.done $0x0  }
0x3a: {  	[sflag:s15] =	ssyncadd.s32 $0xFFFFFF80  }
0x3b: {  	[tilespmem:s14], [sflag:$0x1] =	stream.linear.gather [hbm4b:s12+s3], $0x4000, $0x38;
	[tilespmem:$0x18080] =	vst v63  }
0x3c: {  	p0 =	sne.s32 s4, $0x1;
	_ =	swait.ge [sflag:s15], $0x4000  }
.Ltmp1:
0x3d: {  	[sflag:s15] =	ssyncset.done $0x0;
	(pc) =	sbr.rel @!p0 .LBB2_5-.Ltmp1, $4  }
0x3e: {  	[sflag:s15] =	ssyncadd.s32 $0xFFFFC000  }
0x3f: {  	[spmem:s2] =	stream.indirect.scatter.add.f32 [tilespmem:s14], [sflag:$0x1], $0x80, s3, s14, $0xb8;
	[tilespmem:$0x18080] =	vst v63  }
0x40: {  	s19 =	sadd.s32 $0xFFFFFFFF, s4;
	_ =	swait.ge [sflag:s15], $0x4000  }
0x41: {  	s20 =	smov.u32 s12;
	s21 =	smov.u32 s13;
	[sflag:s15] =	ssyncset.done $0x0  }
.LBB2_4:
0x42: {  	[sflag:s15] =	ssyncadd.s32 $0xFFFFC000;
	s20 =	sadd.s32 $0x800, s20;
	s21 =	sadd.s32 $0x10, s21  }
0x43: {  	[tilespmem:s3], [sflag:$0x1] =	stream.linear.gather [hbm4b:s21+s3], $0x80, $0x38;
	[tilespmem:$0x18080] =	vst v63  }
0x44: {  	p0 =	sne.s32 s19, $0x1;
	s19 =	sadd.s32 $0xFFFFFFFF, s19;
	_ =	swait.ge [sflag:s15], $0x80  }
0x45: {  	[sflag:s15] =	ssyncset.done $0x0  }
0x46: {  	[sflag:s15] =	ssyncadd.s32 $0xFFFFFF80  }
0x47: {  	[tilespmem:s14], [sflag:$0x1] =	stream.linear.gather [hbm4b:s20+s3], $0x4000, $0x38;
	[tilespmem:$0x18080] =	vst v63  }
0x48: {  	_ =	swait.ge [sflag:s15], $0x4000  }
.Ltmp2:
0x49: {  	[sflag:s15] =	ssyncset.done $0x0;
	(pc) =	sbr.rel @p0 .LBB2_4-.Ltmp2, $4  }
0x4a: {  	[sflag:s15] =	ssyncadd.s32 $0xFFFFC000  }
0x4b: {  	[spmem:s2] =	stream.indirect.scatter.add.f32 [tilespmem:s14], [sflag:$0x1], $0x80, s3, s14, $0xb8;
	[tilespmem:$0x18080] =	vst v63  }
0x4c: {  	_ =	swait.ge [sflag:s15], $0x4000  }
0x4d: {  	[sflag:s15] =	ssyncset.done $0x0  }
.LBB2_5:
0x4e: {  	s18 =	sadd.s32 $0x1, s18  }
0x4f: {  	[sflag:s15] =	ssyncadd.s32 $0xFFFFC000;
	p0 =	sne.s32 s18, s7  }
.Ltmp3:
0x50: {  	[bflag:$0x0] =	sbarrier.arrive $0xFFFF;
	(pc) =	sbr.rel @p0 .LBB2_1-.Ltmp3, $4  }
0x51: {  	[hbm:s6], [sflag:s16] =	dma.local [spmem:s17], $0x2800  }
0x52: {  	_ =	swait.ge [sflag:s15], $0x2800  }
0x53: {  	[sflag:s15] =	ssyncset.done $0x0  }
0x54: {  	[sflag:s15] =	ssyncadd.s32 $0xFFFFD800  }
0x55: {  	_ =	sfence.sel $0x180000  }
0x56: {  	[bflag:$0x0] =	sbarrier.arrive $0xFFFF  }
0x57: {  	p0 =	sne.s32 s1, $0x0;
	_ =	strace $0x90000047  }
0x58: {  	s0 =	sadd.s32 @!p0 $0x100000, s0;
	[bflag:$0x2] =	sbarrier.arrive $0xFFFF  }
0x59: {  	[sflag:s0] =	ssyncadd.tile.s32 @!p0 $0x1;
	_ =	shalt  }
.Lfunc_end2:
_tile_overlayer_lowered:
.L_overlay_start_2:
0x5a: {  	(tag) =	ssettag $0x2  }
0x5b: {  	s0 =	rddreg [dreg:$0x0];
	s2 =	stileid.u32  }
0x5c: {  	s1 =	rddreg [dreg:$0x1];
	p0 =	sne.s32 s2, $0x0  }
0x5d: {  	s3 =	rddreg [dreg:$0x2];
	[bflag:$0x3] =	sbarrier.arrive $0xFFFF;
	s2 =	simm.s32 @!p0 $0x1C01  }
0x5e: {  	[timem:s3], [sflag:s2] =	dma.local @!p0 [hbm:s0], s1  }
0x5f: {  	s0 =	simm.s32 @!p0 $0x1  }
0x60: {  	_ =	swait.ge @!p0 [sflag:s0], s1  }
0x61: {  	s1 =	ssub.s32 @!p0 $0x0, s1;
	[sflag:s0] =	ssyncset.done @!p0 $0x0  }
0x62: {  	[sflag:s0] =	ssyncadd.s32 @!p0 s1  }
0x63: {  	[bflag:$0x3] =	sbarrier.arrive $0xFFFF  }
0x64: {  	_ =	shalt  }

// kernel: kernel.16.cloned.1.call-start
scs
__scs_entry_jumppad:
0x0: {  	(pc) =	sbr.rel $0x88, $3  }
0x1: {  	(tag) =	ssettag $0x0;
	lr =	simm.s32 $0x1  }
0x2: {  	[smem:$0x3F94] =	sst lr;
	_ =	strace $0xD0000000  }
0x3: {  	_ = 	snop  }
0x4: {  	_ = 	snop  }
0x5: {  	_ = 	snop  }
0x6: {  	_ = 	snop  }
0x7: {  	_ = 	snop  }
__scs_overlays_trampoline_lowered:
0x8: {  	[smem:$0x3FA3] =	sst s0  }
0x9: {  	[smem:$0x3FA4] =	sst s1  }
0xa: {  	[smem:$0x3FA5] =	sst s2  }
0xb: {  	[smem:$0x3FA6] =	sst s3  }
0xc: {  	[smem:$0x3FA7] =	sst s4  }
0xd: {  	[smem:$0x3FA8] =	sst s5  }
0xe: {  	[smem:$0x3FA9] =	sst s6  }
0xf: {  	[smem:$0x3FAA] =	sst s7  }
0x10: {  	[smem:$0x3FAB] =	sst s8  }
0x11: {  	[smem:$0x3FAC] =	sst s9;
	s0 =	simm.s32 @!p0 $0x0  }
0x12: {  	s1 =	sld [smem:$0x3F92];
	s0 =	simm.s32 @p0 $0x1  }
0x13: {  	[smem:$0x3FAD] =	sst s0;
	s0 =	simm.s32 @!p1 $0x0  }
0x14: {  	s2 =	sld [smem:$0x3F91];
	s0 =	simm.s32 @p1 $0x1  }
0x15: {  	[smem:$0x3FAE] =	sst s0;
	s0 =	simm.s32 @!p2 $0x0  }
0x16: {  	s3 =	sld [smem:$0x3FDB];
	s0 =	simm.s32 @p2 $0x1  }
0x17: {  	s4 =	simm.s32 $0x1BF5;
	[smem:$0x3FB0] =	sst s0  }
0x18: {  	s0 =	sld [smem:$0x3F93];
	_ =	swait.ge [sflag:s4], $0x0  }
0x19: {  	s7 =	sld [smem:$0x3F94]  }
0x1a: {  	s8 =	sadd.s32 $0xFFFFE003, lr  }
0x1b: {  	s9 =	sadd.s32 $0xFFFFFEF7, lr;
	s5 =	simm.s32 $0xFFFFFFFF;
	p2 =	slt.u32 s8, $0xFFFFF086  }
0x1c: {  	p1 =	slt.u32 s9, $0xF7A;
	s5 =	simm.s32 @!p2 $0x0  }
0x1d: {  	s5 =	simm.s32 @p1 $0x1;
	p0 =	seq.s32 s7, s2  }
0x1e: {  	s7 =	smul.u32 @!p0 $0xF7A, s2;
	p2 =	seq.s32 @!p0 s5, $0x0  }
0x1f: {  	s9 =	smul.u32 $0xF7A, s1;
	s8 =	simm.s32 @!p0 $0x1BF5;
	p2 =	por !p2, p0  }
0x20: {  	[sflag:s8] =	ssyncset.s32 @!p0 $0xFFFFF086;
	s6 =	sadd.s32 @!p0 s3, s7;
	s7 =	simm.s32 @!p0 $0x108  }
0x21: {  	s3 =	sadd.s32 s3, s9;
	s6 =	sadd.s32 @!p0 $0x88, s6;
	s7 =	simm.s32 @p2 $0x1082  }
0x22: {  	[simem:s7], [sflag:s8] =	dma.local @!p0 [hbm:s6], $0xF7A  }
0x23: {  	s9 =	sor.u32 $0xD0000000, s2;
	s6 =	simm.s32 $0x108;
	_ =	swait.ge @!p0 [sflag:s8], $0x0  }
0x24: {  	s3 =	sadd.s32 $0x88, s3;
	s6 =	simm.s32 @!p1 $0x1082;
	[sflag:s4] =	ssyncset.s32 $0xFFFFF086  }
0x25: {  	[simem:s6], [sflag:s4] =	dma.local [hbm:s3], $0xF7A  }
0x26: {  	[smem:$0x3F94] =	sst s1;
	(tag) =	ssettag s2;
	_ =	strace s9  }
0x27: {  	s1 =	sld [smem:$0x3FA4]  }
0x28: {  	s2 =	sld [smem:$0x3FA5]  }
0x29: {  	s4 =	sld [smem:$0x3FA7]  }
0x2a: {  	p0 =	seq.s32 s5, $0x0;
	s5 =	sld [smem:$0x3FA8]  }
0x2b: {  	s6 =	sld [smem:$0x3FA9]  }
0x2c: {  	s7 =	sld [smem:$0x3FAA]  }
0x2d: {  	s3 =	simm.s32 $0x108;
	s8 =	sld [smem:$0x3FAB]  }
0x2e: {  	s3 =	simm.s32 @!p0 $0x1082;
	s9 =	sld [smem:$0x3FAC]  }
0x2f: {  	lr =	sadd.s32 s0, s3;
	s0 =	sld [smem:$0x3FA3]  }
0x30: {  	s3 =	sld [smem:$0x3FA6]  }
0x31: {  	[smem:$0x3FAF] =	sst s10  }
0x32: {  	s10 =	sld [smem:$0x3FAD];
	_ =	sdelay $0x3  }
0x33: {  	p0 =	seq.s32 s10, $0x1;
	s10 =	sld [smem:$0x3FAF];
	_ =	sdelay $0x3  }
0x34: {  	[smem:$0x3FAF] =	sst s10  }
0x35: {  	s10 =	sld [smem:$0x3FAE];
	_ =	sdelay $0x3  }
0x36: {  	p1 =	seq.s32 s10, $0x1;
	s10 =	sld [smem:$0x3FAF];
	_ =	sdelay $0x3  }
0x37: {  	[smem:$0x3FAF] =	sst s10  }
0x38: {  	s10 =	sld [smem:$0x3FB0]  }
0x39: {  	_ = 	snop;
	(pc) =	sbr.ind lr, $3  }
0x3a: {  	_ = 	snop  }
0x3b: {  	_ = 	snop  }
0x3c: {  	p2 =	seq.s32 s10, $0x1;
	s10 =	sld [smem:$0x3FAF]  }
0x3d: {  	_ =	shalt  }
0x3e: {  	_ =	shalt  }
0x3f: {  	_ =	shalt  }
0x40: {  	_ =	shalt  }
0x41: {  	_ =	shalt  }
0x42: {  	_ =	shalt  }
0x43: {  	_ =	shalt  }
0x44: {  	_ =	shalt  }
0x45: {  	_ =	shalt  }
0x46: {  	_ =	shalt  }
0x47: {  	_ =	shalt  }
0x48: {  	_ =	shalt  }
0x49: {  	_ =	shalt  }
0x4a: {  	_ =	shalt  }
0x4b: {  	_ =	shalt  }
0x4c: {  	_ =	shalt  }
0x4d: {  	_ =	shalt  }
0x4e: {  	_ =	shalt  }
0x4f: {  	_ =	shalt  }
0x50: {  	_ =	shalt  }
0x51: {  	_ =	shalt  }
0x52: {  	_ =	shalt  }
0x53: {  	_ =	shalt  }
0x54: {  	_ =	shalt  }
0x55: {  	_ =	shalt  }
0x56: {  	_ =	shalt  }
0x57: {  	_ =	shalt  }
0x58: {  	_ =	shalt  }
0x59: {  	_ =	shalt  }
0x5a: {  	_ =	shalt  }
0x5b: {  	_ =	shalt  }
0x5c: {  	_ =	shalt  }
0x5d: {  	_ =	shalt  }
0x5e: {  	_ =	shalt  }
0x5f: {  	_ =	shalt  }
0x60: {  	_ =	shalt  }
0x61: {  	_ =	shalt  }
0x62: {  	_ =	shalt  }
0x63: {  	_ =	shalt  }
0x64: {  	_ =	shalt  }
0x65: {  	_ =	shalt  }
0x66: {  	_ =	shalt  }
0x67: {  	_ =	shalt  }
0x68: {  	_ =	shalt  }
0x69: {  	_ =	shalt  }
0x6a: {  	_ =	shalt  }
0x6b: {  	_ =	shalt  }
0x6c: {  	_ =	shalt  }
0x6d: {  	_ =	shalt  }
0x6e: {  	_ =	shalt  }
0x6f: {  	_ =	shalt  }
0x70: {  	_ =	shalt  }
0x71: {  	_ =	shalt  }
0x72: {  	_ =	shalt  }
0x73: {  	_ =	shalt  }
0x74: {  	_ =	shalt  }
0x75: {  	_ =	shalt  }
0x76: {  	_ =	shalt  }
0x77: {  	_ =	shalt  }
0x78: {  	_ =	shalt  }
0x79: {  	_ =	shalt  }
0x7a: {  	_ =	shalt  }
0x7b: {  	_ =	shalt  }
0x7c: {  	_ =	shalt  }
0x7d: {  	_ =	shalt  }
0x7e: {  	_ =	shalt  }
0x7f: {  	_ =	shalt  }
0x80: {  	_ =	shalt  }
0x81: {  	_ =	shalt  }
0x82: {  	_ =	shalt  }
0x83: {  	_ =	shalt  }
0x84: {  	_ =	shalt  }
0x85: {  	_ =	shalt  }
0x86: {  	_ =	shalt  }
0x87: {  	_ =	shalt  }
.Lfunc_end0:
.L_simem_size_0:
called_computation.1_lowered:
.L_overlay_start_0:
0x88: {  	s2 =	sld [smem:$0x3FD9]  }
0x89: {  	s3 =	sld [smem:$0x3FFE];
	_ =	sdelay $0x1  }
0x8a: {  	s1 =	srdreg.scid  }
0x8b: {  	s0 =	sand.u32 $0x1, s1  }
0x8c: {  	s17 =	sshll.u32 s0, $0xA;
	s2 =	sadd.s32 s3, s2  }
0x8d: {  	s2 =	sadd.s32 s2, s17  }
0x8e: {  	[smem:$0x3FBB] =	sst s2  }
0x8f: {  	_ = 	snop  }
0x90: {  	(tm) =	ssettm $0x1  }
0x91: {  	s18 =	sld [smem:$0x3FFB];
	_ =	sdelay $0x3  }
0x92: {  	_ =	strace s18  }
0x93: {  	s2 =	sld [smem:$0x3FFC];
	_ =	sdelay $0x3  }
0x94: {  	_ =	strace s2  }
0x95: {  	s2 =	sld [smem:$0x3FFD];
	_ =	sdelay $0x3  }
0x96: {  	_ =	strace s2  }
0x97: {  	_ =	strace $0x8FFFFFFF  }
0x98: {  	s19 =	sld [smem:$0x3FDB];
	_ =	sdelay $0x1  }
0x99: {  	s20 =	simm.s32 $_scs_section_size  }
0x9a: {  	s4 =	simm.s32 $_size__tile_overlayer_lowered;
	s5 =	simm.s32 $_tile_overlayer_lowered  }
0x9b: {  	s6 =	simm.s32 $0x1BFF;
	s21 =	sshll.u32 s5, $0x1;
	s3 =	sadd.s32 s20, s19  }
0x9c: {  	s22 =	simm.s32 $0x0;
	s4 =	sshll.u32 s4, $0x1;
	s5 =	sadd.s32 s21, s3  }
0x9d: {  	[timem:s22], [sflag:s6] =	dma.local [hbm:s5], s4  }
0x9e: {  	_ =	swait.ge [sflag:s6], s4  }
0x9f: {  	s4 =	ssub.s32 $0x0, s4;
	[sflag:s6] =	ssyncset.done $0x0  }
0xa0: {  	[sflag:s6] =	ssyncadd.s32 s4;
	_ =	sdelay $0x1  }
0xa1: {  	s23 =	simm.s32 $0x1B8B  }
0xa2: {  	_ =	swait.ge [sflag:s23], $0x1  }
0xa3: {  	[sflag:s23] =	ssyncset.done $0x0  }
0xa4: {  	[sflag:s23] =	ssyncadd.s32 $0xFFFFFFFF  }
0xa5: {  	s4 =	sld [smem:$0x0]  }
0xa6: {  	s5 =	sand.u32 $0xFFFFFFFE, s1  }
0xa7: {  	p0 =	sne.s32 s1, s5  }
0xa8: {  	s5 =	sshll.u32 @p0 s5, $0xE  }
0xa9: {  	s5 =	sadd.s32 @p0 $0x11B8D, s5;
	s6 =	sshll.u32 @p0 s4, $0x11  }
0xaa: {  	s5 =	sor.u32 @p0 s6, s5  }
0xab: {  	[sflag:s5] =	ssyncadd.remote.s32 @p0 $0x1;
	_ =	sdelay $0x1  }
0xac: {  	s5 =	simm.s32 @p0 $0x1B8D  }
0xad: {  	_ =	swait.eq @p0 [sflag:s5], $0x1  }
0xae: {  	[sflag:s5] =	ssyncadd.s32 @p0 $0xFFFFFFFF  }
0xaf: {  	s6 =	sshll.u32 @!p0 s1, $0xE  }
0xb0: {  	s6 =	sor.u32 @!p0 $0x4000, s6;
	s5 =	simm.s32 @!p0 $0x1B8D  }
0xb1: {  	s4 =	sshll.u32 @!p0 s4, $0x11;
	s6 =	sadd.s32 @!p0 $0x11B8D, s6;
	_ =	swait.eq @!p0 [sflag:s5], $0x1  }
0xb2: {  	s4 =	sor.u32 @!p0 s4, s6;
	[sflag:s5] =	ssyncadd.s32 @!p0 $0xFFFFFFFF  }
0xb3: {  	s25 =	simm.s32 $0x1B8E;
	s24 =	sld [smem:$0x3FFE];
	[sflag:s4] =	ssyncadd.remote.s32 @!p0 $0x1  }
0xb4: {  	s26 =	simm.s32 $execute0_lowered;
	[smem:$0x3FD2] =	sst s25  }
0xb5: {  	s5 =	sshll.u32 s26, $0x1;
	_ =	strace $0x80000049;
	[dreg:$0x1] =	wrdreg $0xFFFFFFFF  }
0xb6: {  	s28 =	simm.s32 $_size_execute0_lowered;
	s3 =	sadd.s32 s3, s5;
	[dreg:$0x0] =	wrdreg $0x0  }
0xb7: {  	s5 =	sshll.u32 s28, $0x1;
	[dreg:$0x2] =	wrdreg s3  }
0xb8: {  	[dreg:$0x3] =	wrdreg s5  }
0xb9: {  	[dreg:$0x4] =	wrdreg $0xC0  }
0xba: {  	_ =	task [dreg:s22], $0x5FFFF  }
0xbb: {  	[dreg:$0x1] =	wrdreg $0xFFFFFFFF  }
0xbc: {  	[dreg:$0x0] =	wrdreg $0x60  }
0xbd: {  	[dreg:$0x2] =	wrdreg s24  }
0xbe: {  	[dreg:$0x3] =	wrdreg $0x41000  }
0xbf: {  	[dreg:$0x4] =	wrdreg $0xA  }
0xc0: {  	_ =	task.clear_ibuf [dreg:s22], $0x5FFFF;
	_ =	strace $0x90000049  }
0xc1: {  	s29 =	simm.s32 $0xA;
	_ =	strace $0x8000004B  }
0xc2: {  	_ =	swait.ge [sflag:s29], $0x1  }
0xc3: {  	[sflag:s29] =	ssyncadd.s32 $0xFFFFFFFF  }
0xc4: {  	_ =	strace $0x9000004B  }
0xc5: {  	_ =	sfence  }
0xc6: {  	s30 =	sld [smem:$0x0];
	_ =	sdelay $0x2  }
0xc7: {  	s31 =	sshll.u32 s1, $0xD;
	s1 =	sshrl.u32 s1, $0x2  }
0xc8: {  	s4 =	sand.u32 $0x4000, s31;
	s1 =	sadd.s32 s1, s30  }
0xc9: {  	s0 =	sor.u32 s4, s0;
	s1 =	sshll.u32 s1, $0x11  }
0xca: {  	s0 =	sor.u32 s1, s0  }
0xcb: {  	s0 =	sadd.s32 $0x8F2B, s0  }
0xcc: {  	[sflag:s0] =	ssyncadd.remote.s32 $0x1  }
0xcd: {  	_ =	sfence.sel $0xFFFF  }
0xce: {  	[dreg:$0x0] =	wrdreg $0xFFFFFFFF;
	(pc) =	sbr.abs _section_cstart, $3  }
0xcf: {  	[dreg:$0x1] =	wrdreg $0xFFFFFFFF  }
0xd0: {  	_ =	task.clear_ibuf [dreg:s22], $0x2FFFF;
	_ =	strace $0x9FFFFFFF  }
0xd1: {  	(tm) =	ssettm $0x7FFFFFFF  }
tec
execute0_lowered:
.L_overlay_start_1:
0x0: {  	(tag) =	ssettag $0x1  }
0x1: {  	s5 =	rddreg [dreg:$0x0]  }
0x2: {  	s2 =	rddreg [dreg:$0x1]  }
0x3: {  	s0 =	rddreg [dreg:$0x2];
	s1 =	stileid.u32  }
0x4: {  	s4 =	srdreg.scid;
	s3 =	simm.s32 $0x0;
	s15 =	simm.s32 $0x100  }
0x5: {  	s16 =	simm.s32 $0x2;
	s17 =	simm.s32 $0x80;
	s6 =	smul.u32 $0x68, s1  }
0x6: {  	s18 =	simm.s32 $0x1;
	s21 =	simm.s32 $0x0;
	s26 =	smul.u32 $0x36, s1  }
0x7: {  	s7 =	sand.u32 $0x1, s4;
	[smem:$0x7FF] =	sst s3;
	s10 =	smul.u32 $0x14000, s1  }
0x8: {  	s4 =	sadd.s32 $0x54200, s5;
	s28 =	smul.u32 $0x50000, s1;
	s19 =	sshll.u32 s1, $0x6  }
0x9: {  	s8 =	smul.u32 $0x140000, s7;
	p0 =	seq.s32 s7, $0x0;
	_ =	strace $0x8000004A  }
0xa: {  	s7 =	ssub.s32 $0x2, s7;
	s19 =	sor.u32 $0x1C02, s19;
	s9 =	sadd.s32 $0x680, s26  }
0xb: {  	s29 =	sshrl.u32 s7, $0x1;
	s9 =	smov.u32 @p0 s6;
	s8 =	sadd.s32 s10, s8  }
0xc: {  	s31 =	sshrl.u32 s28, $0x2;
	s6 =	sshll.u32 s9, $0x4;
	s8 =	sshrl.u32 s8, $0x3  }
0xd: {  	s14 =	sadd.s32 s6, s5;
	s8 =	sadd.s32 s8, s5;
	s5 =	simm.s32 $0x68  }
0xe: {  	s30 =	ssub.s32 s7, s29;
	s6 =	sadd.s32 s31, s2;
	s5 =	simm.s32 @!p0 $0x36  }
0xf: {  	s7 =	sadd.s32 $0x7B400, s8;
	s8 =	smax.u32 s30, $0x1;
	s9 =	sadd.s32 $0x4000, s6  }
0x10: {  	s10 =	sadd.s32 $0x8000, s6;
	s11 =	sadd.s32 $0xC000, s6;
	s12 =	sadd.s32 $0x10000, s6  }
0x11: {  	v0 =	vimm.f32 $0.0e+00;
	s13 =	sadd.s32 $0x4E6200, s14;
	s14 =	sadd.s32 $0x4F0000, s14;
	s20 =	sshrl.u32 s6, $0x3  }
.LBB2_1:
0x12: {  	s22 =	simm.s32 $0x0;
	s23 =	simm.s32 $0x200  }
.LBB2_2:
0x13: {  	p0 =	sne.s32 s23, $0xFE00;
	[tilespmem:s22+$0x170] =	vst v0  }
0x14: {  	[tilespmem:s22+$0x100] =	vst v0  }
0x15: {  	[tilespmem:s22+$0x110] =	vst v0  }
.Ltmp0:
0x16: {  	[tilespmem:s22+$0x120] =	vst v0;
	(pc) =	sbr.rel @p0 .LBB2_2-.Ltmp0, $4  }
0x17: {  	[tilespmem:s22+$0x130] =	vst v0  }
0x18: {  	[tilespmem:s22+$0x140] =	vst v0  }
0x19: {  	[tilespmem:s22+$0x150] =	vst v0  }
0x1a: {  	[tilespmem:s22+$0x160] =	vst v0;
	s22 =	sshra.s32 s23, $0x2;
	s23 =	sadd.s32 $0x200, s23  }
0x1b: {  	[tilespmem:s22+$0x170] =	vst v0  }
0x1c: {  	[tilespmem:s22+$0x100] =	vst v0  }
0x1d: {  	[tilespmem:s22+$0x110] =	vst v0  }
0x1e: {  	[tilespmem:s22+$0x120] =	vst v0  }
0x1f: {  	[tilespmem:s22+$0x130] =	vst v0  }
0x20: {  	[tilespmem:s22+$0x140] =	vst v0  }
0x21: {  	[tilespmem:s22+$0x150] =	vst v0  }
0x22: {  	[tilespmem:s22+$0x160] =	vst v0  }
0x23: {  	[spmem:s6] =	stream.linear.scatter [tilespmem:s15], [sflag:$0x2], $0x4000, $0x38;
	[tilespmem:$0x18100] =	vst v63  }
0x24: {  	_ =	swait.ge [sflag:s16], $0x4000  }
0x25: {  	[sflag:s16] =	ssyncset.done $0x0  }
0x26: {  	[sflag:s16] =	ssyncadd.s32 $0xFFFFC000  }
0x27: {  	[spmem:s9] =	stream.linear.scatter [tilespmem:s15], [sflag:$0x2], $0x4000, $0x38;
	[tilespmem:$0x18100] =	vst v63  }
0x28: {  	_ =	swait.ge [sflag:s16], $0x4000  }
0x29: {  	[sflag:s16] =	ssyncset.done $0x0  }
0x2a: {  	[sflag:s16] =	ssyncadd.s32 $0xFFFFC000  }
0x2b: {  	[spmem:s10] =	stream.linear.scatter [tilespmem:s15], [sflag:$0x2], $0x4000, $0x38;
	[tilespmem:$0x18100] =	vst v63  }
0x2c: {  	_ =	swait.ge [sflag:s16], $0x4000  }
0x2d: {  	[sflag:s16] =	ssyncset.done $0x0  }
0x2e: {  	[sflag:s16] =	ssyncadd.s32 $0xFFFFC000  }
0x2f: {  	[spmem:s11] =	stream.linear.scatter [tilespmem:s15], [sflag:$0x2], $0x4000, $0x38;
	[tilespmem:$0x18100] =	vst v63  }
0x30: {  	_ =	swait.ge [sflag:s16], $0x4000  }
0x31: {  	[sflag:s16] =	ssyncset.done $0x0  }
0x32: {  	[sflag:s16] =	ssyncadd.s32 $0xFFFFC000  }
0x33: {  	[spmem:s12] =	stream.linear.scatter [tilespmem:s15], [sflag:$0x2], $0x4000, $0x38;
	[tilespmem:$0x18100] =	vst v63  }
0x34: {  	_ =	swait.ge [sflag:s16], $0x4000  }
0x35: {  	[sflag:s16] =	ssyncset.done $0x0  }
0x36: {  	[sflag:s16] =	ssyncadd.s32 $0xFFFFC000  }
0x37: {  	[bflag:$0x0] =	sbarrier.arrive $0xFFFF  }
0x38: {  	[tilespmem:s17], [sflag:$0x2] =	stream.linear.gather [hbm4b:s14+s3], $0x80, $0x38;
	[tilespmem:$0x18100] =	vst v63  }
0x39: {  	_ =	swait.ge [sflag:s16], $0x80  }
0x3a: {  	[sflag:s16] =	ssyncset.done $0x0  }
0x3b: {  	[sflag:s16] =	ssyncadd.s32 $0xFFFFFF80  }
0x3c: {  	[tilespmem:s3], [sflag:$0x2] =	stream.linear.gather [hbm4b:s13+s3], $0x80, $0x38;
	[tilespmem:$0x18100] =	vst v63  }
0x3d: {  	_ =	swait.ge [sflag:s16], $0x80  }
0x3e: {  	[sflag:s16] =	ssyncset.done $0x0  }
0x3f: {  	[sflag:s16] =	ssyncadd.s32 $0xFFFFFF80  }
0x40: {  	[tilespmem:s15], [sflag:$0x1] =	stream.indirect.gather [hbm4b:s4+s17], $0x80, s3, s17, $0xb8;
	[tilespmem:$0x18100] =	vst v63  }
0x41: {  	p0 =	sne.s32 s5, $0x1;
	_ =	swait.ge [sflag:s18], $0x4000  }
.Ltmp1:
0x42: {  	[sflag:s18] =	ssyncset.done $0x0;
	(pc) =	sbr.rel @!p0 .LBB2_5-.Ltmp1, $4  }
0x43: {  	[sflag:s18] =	ssyncadd.s32 $0xFFFFC000  }
0x44: {  	[spmem:s2] =	stream.indirect.scatter.add.f32 [tilespmem:s15], [sflag:$0x2], $0x80, s17, s17, $0xb8;
	[tilespmem:$0x18100] =	vst v63  }
0x45: {  	s22 =	sadd.s32 $0xFFFFFFFF, s5;
	_ =	swait.ge [sflag:s16], $0x4000  }
0x46: {  	s23 =	smov.u32 s13;
	s24 =	smov.u32 s14;
	[sflag:s16] =	ssyncset.done $0x0  }
.LBB2_4:
0x47: {  	[sflag:s16] =	ssyncadd.s32 $0xFFFFC000;
	s23 =	sadd.s32 $0x10, s23;
	s24 =	sadd.s32 $0x10, s24  }
0x48: {  	[tilespmem:s17], [sflag:$0x2] =	stream.linear.gather [hbm4b:s24+s3], $0x80, $0x38;
	[tilespmem:$0x18100] =	vst v63  }
0x49: {  	p0 =	sne.s32 s22, $0x1;
	s22 =	sadd.s32 $0xFFFFFFFF, s22;
	_ =	swait.ge [sflag:s16], $0x80  }
0x4a: {  	[sflag:s16] =	ssyncset.done $0x0  }
0x4b: {  	[sflag:s16] =	ssyncadd.s32 $0xFFFFFF80  }
0x4c: {  	[tilespmem:s3], [sflag:$0x2] =	stream.linear.gather [hbm4b:s23+s3], $0x80, $0x38;
	[tilespmem:$0x18100] =	vst v63  }
0x4d: {  	_ =	swait.ge [sflag:s16], $0x80  }
0x4e: {  	[sflag:s16] =	ssyncset.done $0x0  }
0x4f: {  	[sflag:s16] =	ssyncadd.s32 $0xFFFFFF80  }
0x50: {  	[tilespmem:s15], [sflag:$0x1] =	stream.indirect.gather [hbm4b:s4+s17], $0x80, s3, s17, $0xb8;
	[tilespmem:$0x18100] =	vst v63  }
0x51: {  	_ =	swait.ge [sflag:s18], $0x4000  }
.Ltmp2:
0x52: {  	[sflag:s18] =	ssyncset.done $0x0;
	(pc) =	sbr.rel @p0 .LBB2_4-.Ltmp2, $4  }
0x53: {  	[sflag:s18] =	ssyncadd.s32 $0xFFFFC000  }
0x54: {  	[spmem:s2] =	stream.indirect.scatter.add.f32 [tilespmem:s15], [sflag:$0x2], $0x80, s17, s17, $0xb8;
	[tilespmem:$0x18100] =	vst v63  }
0x55: {  	_ =	swait.ge [sflag:s16], $0x4000  }
0x56: {  	[sflag:s16] =	ssyncset.done $0x0  }
.LBB2_5:
0x57: {  	s21 =	sadd.s32 $0x1, s21  }
0x58: {  	[sflag:s16] =	ssyncadd.s32 $0xFFFFC000;
	p0 =	sne.s32 s21, s8  }
.Ltmp3:
0x59: {  	[bflag:$0x0] =	sbarrier.arrive $0xFFFF;
	(pc) =	sbr.rel @p0 .LBB2_1-.Ltmp3, $4  }
0x5a: {  	[hbm:s7], [sflag:s19] =	dma.local [spmem:s20], $0x2800  }
0x5b: {  	_ =	swait.ge [sflag:s16], $0x2800  }
0x5c: {  	[sflag:s16] =	ssyncset.done $0x0  }
0x5d: {  	[sflag:s16] =	ssyncadd.s32 $0xFFFFD800  }
0x5e: {  	_ =	sfence.sel $0x180000  }
0x5f: {  	[bflag:$0x0] =	sbarrier.arrive $0xFFFF  }
0x60: {  	p0 =	sne.s32 s1, $0x0;
	_ =	strace $0x9000004A  }
0x61: {  	s0 =	sadd.s32 @!p0 $0x100000, s0;
	[bflag:$0x2] =	sbarrier.arrive $0xFFFF  }
0x62: {  	[sflag:s0] =	ssyncadd.tile.s32 @!p0 $0x1;
	_ =	shalt  }
.Lfunc_end2:
_tile_overlayer_lowered:
.L_overlay_start_2:
0x63: {  	(tag) =	ssettag $0x2  }
0x64: {  	s0 =	rddreg [dreg:$0x0];
	s2 =	stileid.u32  }
0x65: {  	s1 =	rddreg [dreg:$0x1];
	p0 =	sne.s32 s2, $0x0  }
0x66: {  	s3 =	rddreg [dreg:$0x2];
	[bflag:$0x3] =	sbarrier.arrive $0xFFFF;
	s2 =	simm.s32 @!p0 $0x1C02  }
0x67: {  	[timem:s3], [sflag:s2] =	dma.local @!p0 [hbm:s0], s1  }
0x68: {  	s0 =	simm.s32 @!p0 $0x2  }
0x69: {  	_ =	swait.ge @!p0 [sflag:s0], s1  }
0x6a: {  	s1 =	ssub.s32 @!p0 $0x0, s1;
	[sflag:s0] =	ssyncset.done @!p0 $0x0  }
0x6b: {  	[sflag:s0] =	ssyncadd.s32 @!p0 s1  }
0x6c: {  	[bflag:$0x3] =	sbarrier.arrive $0xFFFF  }
0x6d: {  	_ =	shalt  }

// kernel: kernel.19.cloned.1.call-start
scs
__scs_entry_jumppad:
0x0: {  	(pc) =	sbr.rel $0x88, $3  }
0x1: {  	(tag) =	ssettag $0x0;
	lr =	simm.s32 $0x1  }
0x2: {  	[smem:$0x3F94] =	sst lr;
	_ =	strace $0xD0000000  }
0x3: {  	_ = 	snop  }
0x4: {  	_ = 	snop  }
0x5: {  	_ = 	snop  }
0x6: {  	_ = 	snop  }
0x7: {  	_ = 	snop  }
__scs_overlays_trampoline_lowered:
0x8: {  	[smem:$0x3FA3] =	sst s0  }
0x9: {  	[smem:$0x3FA4] =	sst s1  }
0xa: {  	[smem:$0x3FA5] =	sst s2  }
0xb: {  	[smem:$0x3FA6] =	sst s3  }
0xc: {  	[smem:$0x3FA7] =	sst s4  }
0xd: {  	[smem:$0x3FA8] =	sst s5  }
0xe: {  	[smem:$0x3FA9] =	sst s6  }
0xf: {  	[smem:$0x3FAA] =	sst s7  }
0x10: {  	[smem:$0x3FAB] =	sst s8  }
0x11: {  	[smem:$0x3FAC] =	sst s9;
	s0 =	simm.s32 @!p0 $0x0  }
0x12: {  	s1 =	sld [smem:$0x3F92];
	s0 =	simm.s32 @p0 $0x1  }
0x13: {  	[smem:$0x3FAD] =	sst s0;
	s0 =	simm.s32 @!p1 $0x0  }
0x14: {  	s2 =	sld [smem:$0x3F91];
	s0 =	simm.s32 @p1 $0x1  }
0x15: {  	[smem:$0x3FAE] =	sst s0;
	s0 =	simm.s32 @!p2 $0x0  }
0x16: {  	s3 =	sld [smem:$0x3FDB];
	s0 =	simm.s32 @p2 $0x1  }
0x17: {  	s4 =	simm.s32 $0x1BF5;
	[smem:$0x3FB0] =	sst s0  }
0x18: {  	s0 =	sld [smem:$0x3F93];
	_ =	swait.ge [sflag:s4], $0x0  }
0x19: {  	s7 =	sld [smem:$0x3F94]  }
0x1a: {  	s8 =	sadd.s32 $0xFFFFE003, lr  }
0x1b: {  	s9 =	sadd.s32 $0xFFFFFEF7, lr;
	s5 =	simm.s32 $0xFFFFFFFF;
	p2 =	slt.u32 s8, $0xFFFFF086  }
0x1c: {  	p1 =	slt.u32 s9, $0xF7A;
	s5 =	simm.s32 @!p2 $0x0  }
0x1d: {  	s5 =	simm.s32 @p1 $0x1;
	p0 =	seq.s32 s7, s2  }
0x1e: {  	s7 =	smul.u32 @!p0 $0xF7A, s2;
	p2 =	seq.s32 @!p0 s5, $0x0  }
0x1f: {  	s9 =	smul.u32 $0xF7A, s1;
	s8 =	simm.s32 @!p0 $0x1BF5;
	p2 =	por !p2, p0  }
0x20: {  	[sflag:s8] =	ssyncset.s32 @!p0 $0xFFFFF086;
	s6 =	sadd.s32 @!p0 s3, s7;
	s7 =	simm.s32 @!p0 $0x108  }
0x21: {  	s3 =	sadd.s32 s3, s9;
	s6 =	sadd.s32 @!p0 $0x88, s6;
	s7 =	simm.s32 @p2 $0x1082  }
0x22: {  	[simem:s7], [sflag:s8] =	dma.local @!p0 [hbm:s6], $0xF7A  }
0x23: {  	s9 =	sor.u32 $0xD0000000, s2;
	s6 =	simm.s32 $0x108;
	_ =	swait.ge @!p0 [sflag:s8], $0x0  }
0x24: {  	s3 =	sadd.s32 $0x88, s3;
	s6 =	simm.s32 @!p1 $0x1082;
	[sflag:s4] =	ssyncset.s32 $0xFFFFF086  }
0x25: {  	[simem:s6], [sflag:s4] =	dma.local [hbm:s3], $0xF7A  }
0x26: {  	[smem:$0x3F94] =	sst s1;
	(tag) =	ssettag s2;
	_ =	strace s9  }
0x27: {  	s1 =	sld [smem:$0x3FA4]  }
0x28: {  	s2 =	sld [smem:$0x3FA5]  }
0x29: {  	s4 =	sld [smem:$0x3FA7]  }
0x2a: {  	p0 =	seq.s32 s5, $0x0;
	s5 =	sld [smem:$0x3FA8]  }
0x2b: {  	s6 =	sld [smem:$0x3FA9]  }
0x2c: {  	s7 =	sld [smem:$0x3FAA]  }
0x2d: {  	s3 =	simm.s32 $0x108;
	s8 =	sld [smem:$0x3FAB]  }
0x2e: {  	s3 =	simm.s32 @!p0 $0x1082;
	s9 =	sld [smem:$0x3FAC]  }
0x2f: {  	lr =	sadd.s32 s0, s3;
	s0 =	sld [smem:$0x3FA3]  }
0x30: {  	s3 =	sld [smem:$0x3FA6]  }
0x31: {  	[smem:$0x3FAF] =	sst s10  }
0x32: {  	s10 =	sld [smem:$0x3FAD];
	_ =	sdelay $0x3  }
0x33: {  	p0 =	seq.s32 s10, $0x1;
	s10 =	sld [smem:$0x3FAF];
	_ =	sdelay $0x3  }
0x34: {  	[smem:$0x3FAF] =	sst s10  }
0x35: {  	s10 =	sld [smem:$0x3FAE];
	_ =	sdelay $0x3  }
0x36: {  	p1 =	seq.s32 s10, $0x1;
	s10 =	sld [smem:$0x3FAF];
	_ =	sdelay $0x3  }
0x37: {  	[smem:$0x3FAF] =	sst s10  }
0x38: {  	s10 =	sld [smem:$0x3FB0]  }
0x39: {  	_ = 	snop;
	(pc) =	sbr.ind lr, $3  }
0x3a: {  	_ = 	snop  }
0x3b: {  	_ = 	snop  }
0x3c: {  	p2 =	seq.s32 s10, $0x1;
	s10 =	sld [smem:$0x3FAF]  }
0x3d: {  	_ =	shalt  }
0x3e: {  	_ =	shalt  }
0x3f: {  	_ =	shalt  }
0x40: {  	_ =	shalt  }
0x41: {  	_ =	shalt  }
0x42: {  	_ =	shalt  }
0x43: {  	_ =	shalt  }
0x44: {  	_ =	shalt  }
0x45: {  	_ =	shalt  }
0x46: {  	_ =	shalt  }
0x47: {  	_ =	shalt  }
0x48: {  	_ =	shalt  }
0x49: {  	_ =	shalt  }
0x4a: {  	_ =	shalt  }
0x4b: {  	_ =	shalt  }
0x4c: {  	_ =	shalt  }
0x4d: {  	_ =	shalt  }
0x4e: {  	_ =	shalt  }
0x4f: {  	_ =	shalt  }
0x50: {  	_ =	shalt  }
0x51: {  	_ =	shalt  }
0x52: {  	_ =	shalt  }
0x53: {  	_ =	shalt  }
0x54: {  	_ =	shalt  }
0x55: {  	_ =	shalt  }
0x56: {  	_ =	shalt  }
0x57: {  	_ =	shalt  }
0x58: {  	_ =	shalt  }
0x59: {  	_ =	shalt  }
0x5a: {  	_ =	shalt  }
0x5b: {  	_ =	shalt  }
0x5c: {  	_ =	shalt  }
0x5d: {  	_ =	shalt  }
0x5e: {  	_ =	shalt  }
0x5f: {  	_ =	shalt  }
0x60: {  	_ =	shalt  }
0x61: {  	_ =	shalt  }
0x62: {  	_ =	shalt  }
0x63: {  	_ =	shalt  }
0x64: {  	_ =	shalt  }
0x65: {  	_ =	shalt  }
0x66: {  	_ =	shalt  }
0x67: {  	_ =	shalt  }
0x68: {  	_ =	shalt  }
0x69: {  	_ =	shalt  }
0x6a: {  	_ =	shalt  }
0x6b: {  	_ =	shalt  }
0x6c: {  	_ =	shalt  }
0x6d: {  	_ =	shalt  }
0x6e: {  	_ =	shalt  }
0x6f: {  	_ =	shalt  }
0x70: {  	_ =	shalt  }
0x71: {  	_ =	shalt  }
0x72: {  	_ =	shalt  }
0x73: {  	_ =	shalt  }
0x74: {  	_ =	shalt  }
0x75: {  	_ =	shalt  }
0x76: {  	_ =	shalt  }
0x77: {  	_ =	shalt  }
0x78: {  	_ =	shalt  }
0x79: {  	_ =	shalt  }
0x7a: {  	_ =	shalt  }
0x7b: {  	_ =	shalt  }
0x7c: {  	_ =	shalt  }
0x7d: {  	_ =	shalt  }
0x7e: {  	_ =	shalt  }
0x7f: {  	_ =	shalt  }
0x80: {  	_ =	shalt  }
0x81: {  	_ =	shalt  }
0x82: {  	_ =	shalt  }
0x83: {  	_ =	shalt  }
0x84: {  	_ =	shalt  }
0x85: {  	_ =	shalt  }
0x86: {  	_ =	shalt  }
0x87: {  	_ =	shalt  }
.Lfunc_end0:
.L_simem_size_0:
called_computation.2_lowered:
.L_overlay_start_0:
0x88: {  	s2 =	sld [smem:$0x3FD9]  }
0x89: {  	s3 =	sld [smem:$0x3FFE];
	_ =	sdelay $0x1  }
0x8a: {  	s1 =	srdreg.scid  }
0x8b: {  	s0 =	sand.u32 $0x1, s1  }
0x8c: {  	s16 =	sshll.u32 s0, $0xA;
	s2 =	sadd.s32 s3, s2  }
0x8d: {  	s2 =	sadd.s32 s2, s16  }
0x8e: {  	[smem:$0x3FBB] =	sst s2  }
0x8f: {  	_ = 	snop  }
0x90: {  	(tm) =	ssettm $0x1  }
0x91: {  	s17 =	sld [smem:$0x3FFB];
	_ =	sdelay $0x3  }
0x92: {  	_ =	strace s17  }
0x93: {  	s2 =	sld [smem:$0x3FFC];
	_ =	sdelay $0x3  }
0x94: {  	_ =	strace s2  }
0x95: {  	s2 =	sld [smem:$0x3FFD];
	_ =	sdelay $0x3  }
0x96: {  	_ =	strace s2  }
0x97: {  	_ =	strace $0x8FFFFFFF  }
0x98: {  	s18 =	sld [smem:$0x3FDB];
	_ =	sdelay $0x1  }
0x99: {  	s19 =	simm.s32 $_scs_section_size  }
0x9a: {  	s4 =	simm.s32 $_size__tile_overlayer_lowered;
	s5 =	simm.s32 $_tile_overlayer_lowered  }
0x9b: {  	s22 =	simm.s32 $0x1BFF;
	s21 =	sshll.u32 s5, $0x1;
	s2 =	sadd.s32 s19, s18  }
0x9c: {  	s6 =	simm.s32 $0x0;
	s20 =	sshll.u32 s4, $0x1;
	s4 =	sadd.s32 s21, s2  }
0x9d: {  	[timem:s6], [sflag:s22] =	dma.local [hbm:s4], s20  }
0x9e: {  	_ =	swait.ge [sflag:s22], s20  }
0x9f: {  	s3 =	ssub.s32 $0x0, s20;
	[sflag:s22] =	ssyncset.done $0x0  }
0xa0: {  	[sflag:s22] =	ssyncadd.s32 s3;
	_ =	sdelay $0x1  }
0xa1: {  	s23 =	simm.s32 $0x1B8B  }
0xa2: {  	_ =	swait.ge [sflag:s23], $0x1  }
0xa3: {  	[sflag:s23] =	ssyncset.done $0x0  }
0xa4: {  	s25 =	simm.s32 $0x1B8E;
	s24 =	sld [smem:$0x3FFE];
	[sflag:s23] =	ssyncadd.s32 $0xFFFFFFFF  }
0xa5: {  	s26 =	simm.s32 $execute0_lowered;
	[smem:$0x3FD2] =	sst s25  }
0xa6: {  	s4 =	sshll.u32 s26, $0x1;
	_ =	strace $0x8000004C;
	[dreg:$0x1] =	wrdreg $0xFFFFFFFF  }
0xa7: {  	s28 =	simm.s32 $_size_execute0_lowered;
	s2 =	sadd.s32 s2, s4;
	[dreg:$0x0] =	wrdreg $0x0  }
0xa8: {  	s4 =	sshll.u32 s28, $0x1;
	[dreg:$0x2] =	wrdreg s2  }
0xa9: {  	[dreg:$0x3] =	wrdreg s4  }
0xaa: {  	[dreg:$0x4] =	wrdreg $0xC0  }
0xab: {  	_ =	task [dreg:s6], $0x5FFFF  }
0xac: {  	[dreg:$0x1] =	wrdreg $0xFFFFFFFF  }
0xad: {  	[dreg:$0x0] =	wrdreg $0x60  }
0xae: {  	[dreg:$0x2] =	wrdreg s24  }
0xaf: {  	[dreg:$0x3] =	wrdreg $0x41000  }
0xb0: {  	[dreg:$0x4] =	wrdreg $0x9  }
0xb1: {  	_ =	task.clear_ibuf [dreg:s6], $0x5FFFF;
	_ =	strace $0x9000004C  }
0xb2: {  	s29 =	simm.s32 $0x9;
	_ =	strace $0x8000004E  }
0xb3: {  	_ =	swait.ge [sflag:s29], $0x1  }
0xb4: {  	[sflag:s29] =	ssyncadd.s32 $0xFFFFFFFF  }
0xb5: {  	_ =	strace $0x9000004E  }
0xb6: {  	_ =	sfence  }
0xb7: {  	s30 =	sld [smem:$0x0];
	_ =	sdelay $0x2  }
0xb8: {  	s31 =	sshll.u32 s1, $0xD;
	s1 =	sshrl.u32 s1, $0x2  }
0xb9: {  	s3 =	sand.u32 $0x4000, s31;
	s1 =	sadd.s32 s1, s30  }
0xba: {  	s0 =	sor.u32 s3, s0;
	s1 =	sshll.u32 s1, $0x11  }
0xbb: {  	s0 =	sor.u32 s1, s0  }
0xbc: {  	s0 =	sadd.s32 $0x8F2B, s0  }
0xbd: {  	[sflag:s0] =	ssyncadd.remote.s32 $0x1  }
0xbe: {  	_ =	sfence.sel $0xFFFF  }
0xbf: {  	[dreg:$0x0] =	wrdreg $0xFFFFFFFF;
	(pc) =	sbr.abs _section_cstart, $3  }
0xc0: {  	[dreg:$0x1] =	wrdreg $0xFFFFFFFF  }
0xc1: {  	_ =	task.clear_ibuf [dreg:s6], $0x2FFFF;
	_ =	strace $0x9FFFFFFF  }
0xc2: {  	(tm) =	ssettm $0x7FFFFFFF  }
0xc3: {  	_ =	shalt  }
tec
execute0_lowered:
.L_overlay_start_1:
0x0: {  	(tag) =	ssettag $0x1  }
0x1: {  	s5 =	rddreg [dreg:$0x0]  }
0x2: {  	s2 =	rddreg [dreg:$0x1]  }
0x3: {  	s0 =	rddreg [dreg:$0x2];
	s1 =	stileid.u32  }
0x4: {  	s4 =	srdreg.scid;
	s3 =	simm.s32 $0x0;
	s15 =	simm.s32 $0x100  }
0x5: {  	s16 =	simm.s32 $0x2;
	s17 =	simm.s32 $0x80;
	s6 =	smul.u32 $0x68, s1  }
0x6: {  	s18 =	simm.s32 $0x1;
	s21 =	simm.s32 $0x0;
	s26 =	smul.u32 $0x36, s1  }
0x7: {  	s7 =	sand.u32 $0x1, s4;
	[smem:$0x7FF] =	sst s3;
	s10 =	smul.u32 $0x14000, s1  }
0x8: {  	s4 =	sadd.s32 $0x54200, s5;
	s28 =	smul.u32 $0x50000, s1;
	s19 =	sshll.u32 s1, $0x6  }
0x9: {  	s8 =	smul.u32 $0x140000, s7;
	p0 =	seq.s32 s7, $0x0;
	_ =	strace $0x8000004D  }
0xa: {  	s7 =	ssub.s32 $0x2, s7;
	s19 =	sor.u32 $0x1C02, s19;
	s9 =	sadd.s32 $0x680, s26  }
0xb: {  	s29 =	sshrl.u32 s7, $0x1;
	s9 =	smov.u32 @p0 s6;
	s8 =	sadd.s32 s10, s8  }
0xc: {  	s31 =	sshrl.u32 s28, $0x2;
	s6 =	sshll.u32 s9, $0x4;
	s8 =	sshrl.u32 s8, $0x3  }
0xd: {  	s14 =	sadd.s32 s6, s5;
	s8 =	sadd.s32 s8, s5;
	s5 =	simm.s32 $0x68  }
0xe: {  	s30 =	ssub.s32 s7, s29;
	s6 =	sadd.s32 s31, s2;
	s5 =	simm.s32 @!p0 $0x36  }
0xf: {  	s7 =	sadd.s32 $0x7B400, s8;
	s8 =	smax.u32 s30, $0x1;
	s9 =	sadd.s32 $0x4000, s6  }
0x10: {  	s10 =	sadd.s32 $0x8000, s6;
	s11 =	sadd.s32 $0xC000, s6;
	s12 =	sadd.s32 $0x10000, s6  }
0x11: {  	v0 =	vimm.f32 $0.0e+00;
	s13 =	sadd.s32 $0x4E6200, s14;
	s14 =	sadd.s32 $0x4F0000, s14;
	s20 =	sshrl.u32 s6, $0x3  }
.LBB2_1:
0x12: {  	s22 =	simm.s32 $0x0;
	s23 =	simm.s32 $0x200  }
.LBB2_2:
0x13: {  	p0 =	sne.s32 s23, $0xFE00;
	[tilespmem:s22+$0x170] =	vst v0  }
0x14: {  	[tilespmem:s22+$0x100] =	vst v0  }
0x15: {  	[tilespmem:s22+$0x110] =	vst v0  }
.Ltmp0:
0x16: {  	[tilespmem:s22+$0x120] =	vst v0;
	(pc) =	sbr.rel @p0 .LBB2_2-.Ltmp0, $4  }
0x17: {  	[tilespmem:s22+$0x130] =	vst v0  }
0x18: {  	[tilespmem:s22+$0x140] =	vst v0  }
0x19: {  	[tilespmem:s22+$0x150] =	vst v0  }
0x1a: {  	[tilespmem:s22+$0x160] =	vst v0;
	s22 =	sshra.s32 s23, $0x2;
	s23 =	sadd.s32 $0x200, s23  }
0x1b: {  	[tilespmem:s22+$0x170] =	vst v0  }
0x1c: {  	[tilespmem:s22+$0x100] =	vst v0  }
0x1d: {  	[tilespmem:s22+$0x110] =	vst v0  }
0x1e: {  	[tilespmem:s22+$0x120] =	vst v0  }
0x1f: {  	[tilespmem:s22+$0x130] =	vst v0  }
0x20: {  	[tilespmem:s22+$0x140] =	vst v0  }
0x21: {  	[tilespmem:s22+$0x150] =	vst v0  }
0x22: {  	[tilespmem:s22+$0x160] =	vst v0  }
0x23: {  	[spmem:s6] =	stream.linear.scatter [tilespmem:s15], [sflag:$0x2], $0x4000, $0x38;
	[tilespmem:$0x18100] =	vst v63  }
0x24: {  	_ =	swait.ge [sflag:s16], $0x4000  }
0x25: {  	[sflag:s16] =	ssyncset.done $0x0  }
0x26: {  	[sflag:s16] =	ssyncadd.s32 $0xFFFFC000  }
0x27: {  	[spmem:s9] =	stream.linear.scatter [tilespmem:s15], [sflag:$0x2], $0x4000, $0x38;
	[tilespmem:$0x18100] =	vst v63  }
0x28: {  	_ =	swait.ge [sflag:s16], $0x4000  }
0x29: {  	[sflag:s16] =	ssyncset.done $0x0  }
0x2a: {  	[sflag:s16] =	ssyncadd.s32 $0xFFFFC000  }
0x2b: {  	[spmem:s10] =	stream.linear.scatter [tilespmem:s15], [sflag:$0x2], $0x4000, $0x38;
	[tilespmem:$0x18100] =	vst v63  }
0x2c: {  	_ =	swait.ge [sflag:s16], $0x4000  }
0x2d: {  	[sflag:s16] =	ssyncset.done $0x0  }
0x2e: {  	[sflag:s16] =	ssyncadd.s32 $0xFFFFC000  }
0x2f: {  	[spmem:s11] =	stream.linear.scatter [tilespmem:s15], [sflag:$0x2], $0x4000, $0x38;
	[tilespmem:$0x18100] =	vst v63  }
0x30: {  	_ =	swait.ge [sflag:s16], $0x4000  }
0x31: {  	[sflag:s16] =	ssyncset.done $0x0  }
0x32: {  	[sflag:s16] =	ssyncadd.s32 $0xFFFFC000  }
0x33: {  	[spmem:s12] =	stream.linear.scatter [tilespmem:s15], [sflag:$0x2], $0x4000, $0x38;
	[tilespmem:$0x18100] =	vst v63  }
0x34: {  	_ =	swait.ge [sflag:s16], $0x4000  }
0x35: {  	[sflag:s16] =	ssyncset.done $0x0  }
0x36: {  	[sflag:s16] =	ssyncadd.s32 $0xFFFFC000  }
0x37: {  	[bflag:$0x0] =	sbarrier.arrive $0xFFFF  }
0x38: {  	[tilespmem:s17], [sflag:$0x2] =	stream.linear.gather [hbm4b:s14+s3], $0x80, $0x38;
	[tilespmem:$0x18100] =	vst v63  }
0x39: {  	_ =	swait.ge [sflag:s16], $0x80  }
0x3a: {  	[sflag:s16] =	ssyncset.done $0x0  }
0x3b: {  	[sflag:s16] =	ssyncadd.s32 $0xFFFFFF80  }
0x3c: {  	[tilespmem:s3], [sflag:$0x2] =	stream.linear.gather [hbm4b:s13+s3], $0x80, $0x38;
	[tilespmem:$0x18100] =	vst v63  }
0x3d: {  	_ =	swait.ge [sflag:s16], $0x80  }
0x3e: {  	[sflag:s16] =	ssyncset.done $0x0  }
0x3f: {  	[sflag:s16] =	ssyncadd.s32 $0xFFFFFF80  }
0x40: {  	[tilespmem:s15], [sflag:$0x1] =	stream.indirect.gather [hbm4b:s4+s17], $0x80, s3, s17, $0xb8;
	[tilespmem:$0x18100] =	vst v63  }
0x41: {  	p0 =	sne.s32 s5, $0x1;
	_ =	swait.ge [sflag:s18], $0x4000  }
.Ltmp1:
0x42: {  	[sflag:s18] =	ssyncset.done $0x0;
	(pc) =	sbr.rel @!p0 .LBB2_5-.Ltmp1, $4  }
0x43: {  	[sflag:s18] =	ssyncadd.s32 $0xFFFFC000  }
0x44: {  	[spmem:s2] =	stream.indirect.scatter.add.f32 [tilespmem:s15], [sflag:$0x2], $0x80, s17, s17, $0xb8;
	[tilespmem:$0x18100] =	vst v63  }
0x45: {  	s22 =	sadd.s32 $0xFFFFFFFF, s5;
	_ =	swait.ge [sflag:s16], $0x4000  }
0x46: {  	s23 =	smov.u32 s13;
	s24 =	smov.u32 s14;
	[sflag:s16] =	ssyncset.done $0x0  }
.LBB2_4:
0x47: {  	[sflag:s16] =	ssyncadd.s32 $0xFFFFC000;
	s23 =	sadd.s32 $0x10, s23;
	s24 =	sadd.s32 $0x10, s24  }
0x48: {  	[tilespmem:s17], [sflag:$0x2] =	stream.linear.gather [hbm4b:s24+s3], $0x80, $0x38;
	[tilespmem:$0x18100] =	vst v63  }
0x49: {  	p0 =	sne.s32 s22, $0x1;
	s22 =	sadd.s32 $0xFFFFFFFF, s22;
	_ =	swait.ge [sflag:s16], $0x80  }
0x4a: {  	[sflag:s16] =	ssyncset.done $0x0  }
0x4b: {  	[sflag:s16] =	ssyncadd.s32 $0xFFFFFF80  }
0x4c: {  	[tilespmem:s3], [sflag:$0x2] =	stream.linear.gather [hbm4b:s23+s3], $0x80, $0x38;
	[tilespmem:$0x18100] =	vst v63  }
0x4d: {  	_ =	swait.ge [sflag:s16], $0x80  }
0x4e: {  	[sflag:s16] =	ssyncset.done $0x0  }
0x4f: {  	[sflag:s16] =	ssyncadd.s32 $0xFFFFFF80  }
0x50: {  	[tilespmem:s15], [sflag:$0x1] =	stream.indirect.gather [hbm4b:s4+s17], $0x80, s3, s17, $0xb8;
	[tilespmem:$0x18100] =	vst v63  }
0x51: {  	_ =	swait.ge [sflag:s18], $0x4000  }
.Ltmp2:
0x52: {  	[sflag:s18] =	ssyncset.done $0x0;
	(pc) =	sbr.rel @p0 .LBB2_4-.Ltmp2, $4  }
0x53: {  	[sflag:s18] =	ssyncadd.s32 $0xFFFFC000  }
0x54: {  	[spmem:s2] =	stream.indirect.scatter.add.f32 [tilespmem:s15], [sflag:$0x2], $0x80, s17, s17, $0xb8;
	[tilespmem:$0x18100] =	vst v63  }
0x55: {  	_ =	swait.ge [sflag:s16], $0x4000  }
0x56: {  	[sflag:s16] =	ssyncset.done $0x0  }
.LBB2_5:
0x57: {  	s21 =	sadd.s32 $0x1, s21  }
0x58: {  	[sflag:s16] =	ssyncadd.s32 $0xFFFFC000;
	p0 =	sne.s32 s21, s8  }
.Ltmp3:
0x59: {  	[bflag:$0x0] =	sbarrier.arrive $0xFFFF;
	(pc) =	sbr.rel @p0 .LBB2_1-.Ltmp3, $4  }
0x5a: {  	[hbm:s7], [sflag:s19] =	dma.local [spmem:s20], $0x2800  }
0x5b: {  	_ =	swait.ge [sflag:s16], $0x2800  }
0x5c: {  	[sflag:s16] =	ssyncset.done $0x0  }
0x5d: {  	[sflag:s16] =	ssyncadd.s32 $0xFFFFD800  }
0x5e: {  	_ =	sfence.sel $0x180000  }
0x5f: {  	[bflag:$0x0] =	sbarrier.arrive $0xFFFF  }
0x60: {  	p0 =	sne.s32 s1, $0x0;
	_ =	strace $0x9000004D  }
0x61: {  	s0 =	sadd.s32 @!p0 $0x100000, s0;
	[bflag:$0x2] =	sbarrier.arrive $0xFFFF  }
0x62: {  	[sflag:s0] =	ssyncadd.tile.s32 @!p0 $0x1;
	_ =	shalt  }
.Lfunc_end2:
_tile_overlayer_lowered:
.L_overlay_start_2:
0x63: {  	(tag) =	ssettag $0x2  }
0x64: {  	s0 =	rddreg [dreg:$0x0];
	s2 =	stileid.u32  }
0x65: {  	s1 =	rddreg [dreg:$0x1];
	p0 =	sne.s32 s2, $0x0  }
0x66: {  	s3 =	rddreg [dreg:$0x2];
	[bflag:$0x3] =	sbarrier.arrive $0xFFFF;
	s2 =	simm.s32 @!p0 $0x1C02  }
0x67: {  	[timem:s3], [sflag:s2] =	dma.local @!p0 [hbm:s0], s1  }
0x68: {  	s0 =	simm.s32 @!p0 $0x2  }
0x69: {  	_ =	swait.ge @!p0 [sflag:s0], s1  }
0x6a: {  	s1 =	ssub.s32 @!p0 $0x0, s1;
	[sflag:s0] =	ssyncset.done @!p0 $0x0  }
0x6b: {  	[sflag:s0] =	ssyncadd.s32 @!p0 s1  }
0x6c: {  	[bflag:$0x3] =	sbarrier.arrive $0xFFFF  }
0x6d: {  	_ =	shalt  }

// kernel: kernel.22.cloned.1.call-start
scs
__scs_entry_jumppad:
0x0: {  	(pc) =	sbr.rel $0x88, $3  }
0x1: {  	(tag) =	ssettag $0x0;
	lr =	simm.s32 $0x1  }
0x2: {  	[smem:$0x3F94] =	sst lr;
	_ =	strace $0xD0000000  }
0x3: {  	_ = 	snop  }
0x4: {  	_ = 	snop  }
0x5: {  	_ = 	snop  }
0x6: {  	_ = 	snop  }
0x7: {  	_ = 	snop  }
__scs_overlays_trampoline_lowered:
0x8: {  	[smem:$0x3FA3] =	sst s0  }
0x9: {  	[smem:$0x3FA4] =	sst s1  }
0xa: {  	[smem:$0x3FA5] =	sst s2  }
0xb: {  	[smem:$0x3FA6] =	sst s3  }
0xc: {  	[smem:$0x3FA7] =	sst s4  }
0xd: {  	[smem:$0x3FA8] =	sst s5  }
0xe: {  	[smem:$0x3FA9] =	sst s6  }
0xf: {  	[smem:$0x3FAA] =	sst s7  }
0x10: {  	[smem:$0x3FAB] =	sst s8  }
0x11: {  	[smem:$0x3FAC] =	sst s9;
	s0 =	simm.s32 @!p0 $0x0  }
0x12: {  	s1 =	sld [smem:$0x3F92];
	s0 =	simm.s32 @p0 $0x1  }
0x13: {  	[smem:$0x3FAD] =	sst s0;
	s0 =	simm.s32 @!p1 $0x0  }
0x14: {  	s2 =	sld [smem:$0x3F91];
	s0 =	simm.s32 @p1 $0x1  }
0x15: {  	[smem:$0x3FAE] =	sst s0;
	s0 =	simm.s32 @!p2 $0x0  }
0x16: {  	s3 =	sld [smem:$0x3FDB];
	s0 =	simm.s32 @p2 $0x1  }
0x17: {  	s4 =	simm.s32 $0x1BF5;
	[smem:$0x3FB0] =	sst s0  }
0x18: {  	s0 =	sld [smem:$0x3F93];
	_ =	swait.ge [sflag:s4], $0x0  }
0x19: {  	s7 =	sld [smem:$0x3F94]  }
0x1a: {  	s8 =	sadd.s32 $0xFFFFE003, lr  }
0x1b: {  	s9 =	sadd.s32 $0xFFFFFEF7, lr;
	s5 =	simm.s32 $0xFFFFFFFF;
	p2 =	slt.u32 s8, $0xFFFFF086  }
0x1c: {  	p1 =	slt.u32 s9, $0xF7A;
	s5 =	simm.s32 @!p2 $0x0  }
0x1d: {  	s5 =	simm.s32 @p1 $0x1;
	p0 =	seq.s32 s7, s2  }
0x1e: {  	s7 =	smul.u32 @!p0 $0xF7A, s2;
	p2 =	seq.s32 @!p0 s5, $0x0  }
0x1f: {  	s9 =	smul.u32 $0xF7A, s1;
	s8 =	simm.s32 @!p0 $0x1BF5;
	p2 =	por !p2, p0  }
0x20: {  	[sflag:s8] =	ssyncset.s32 @!p0 $0xFFFFF086;
	s6 =	sadd.s32 @!p0 s3, s7;
	s7 =	simm.s32 @!p0 $0x108  }
0x21: {  	s3 =	sadd.s32 s3, s9;
	s6 =	sadd.s32 @!p0 $0x88, s6;
	s7 =	simm.s32 @p2 $0x1082  }
0x22: {  	[simem:s7], [sflag:s8] =	dma.local @!p0 [hbm:s6], $0xF7A  }
0x23: {  	s9 =	sor.u32 $0xD0000000, s2;
	s6 =	simm.s32 $0x108;
	_ =	swait.ge @!p0 [sflag:s8], $0x0  }
0x24: {  	s3 =	sadd.s32 $0x88, s3;
	s6 =	simm.s32 @!p1 $0x1082;
	[sflag:s4] =	ssyncset.s32 $0xFFFFF086  }
0x25: {  	[simem:s6], [sflag:s4] =	dma.local [hbm:s3], $0xF7A  }
0x26: {  	[smem:$0x3F94] =	sst s1;
	(tag) =	ssettag s2;
	_ =	strace s9  }
0x27: {  	s1 =	sld [smem:$0x3FA4]  }
0x28: {  	s2 =	sld [smem:$0x3FA5]  }
0x29: {  	s4 =	sld [smem:$0x3FA7]  }
0x2a: {  	p0 =	seq.s32 s5, $0x0;
	s5 =	sld [smem:$0x3FA8]  }
0x2b: {  	s6 =	sld [smem:$0x3FA9]  }
0x2c: {  	s7 =	sld [smem:$0x3FAA]  }
0x2d: {  	s3 =	simm.s32 $0x108;
	s8 =	sld [smem:$0x3FAB]  }
0x2e: {  	s3 =	simm.s32 @!p0 $0x1082;
	s9 =	sld [smem:$0x3FAC]  }
0x2f: {  	lr =	sadd.s32 s0, s3;
	s0 =	sld [smem:$0x3FA3]  }
0x30: {  	s3 =	sld [smem:$0x3FA6]  }
0x31: {  	[smem:$0x3FAF] =	sst s10  }
0x32: {  	s10 =	sld [smem:$0x3FAD];
	_ =	sdelay $0x3  }
0x33: {  	p0 =	seq.s32 s10, $0x1;
	s10 =	sld [smem:$0x3FAF];
	_ =	sdelay $0x3  }
0x34: {  	[smem:$0x3FAF] =	sst s10  }
0x35: {  	s10 =	sld [smem:$0x3FAE];
	_ =	sdelay $0x3  }
0x36: {  	p1 =	seq.s32 s10, $0x1;
	s10 =	sld [smem:$0x3FAF];
	_ =	sdelay $0x3  }
0x37: {  	[smem:$0x3FAF] =	sst s10  }
0x38: {  	s10 =	sld [smem:$0x3FB0]  }
0x39: {  	_ = 	snop;
	(pc) =	sbr.ind lr, $3  }
0x3a: {  	_ = 	snop  }
0x3b: {  	_ = 	snop  }
0x3c: {  	p2 =	seq.s32 s10, $0x1;
	s10 =	sld [smem:$0x3FAF]  }
0x3d: {  	_ =	shalt  }
0x3e: {  	_ =	shalt  }
0x3f: {  	_ =	shalt  }
0x40: {  	_ =	shalt  }
0x41: {  	_ =	shalt  }
0x42: {  	_ =	shalt  }
0x43: {  	_ =	shalt  }
0x44: {  	_ =	shalt  }
0x45: {  	_ =	shalt  }
0x46: {  	_ =	shalt  }
0x47: {  	_ =	shalt  }
0x48: {  	_ =	shalt  }
0x49: {  	_ =	shalt  }
0x4a: {  	_ =	shalt  }
0x4b: {  	_ =	shalt  }
0x4c: {  	_ =	shalt  }
0x4d: {  	_ =	shalt  }
0x4e: {  	_ =	shalt  }
0x4f: {  	_ =	shalt  }
0x50: {  	_ =	shalt  }
0x51: {  	_ =	shalt  }
0x52: {  	_ =	shalt  }
0x53: {  	_ =	shalt  }
0x54: {  	_ =	shalt  }
0x55: {  	_ =	shalt  }
0x56: {  	_ =	shalt  }
0x57: {  	_ =	shalt  }
0x58: {  	_ =	shalt  }
0x59: {  	_ =	shalt  }
0x5a: {  	_ =	shalt  }
0x5b: {  	_ =	shalt  }
0x5c: {  	_ =	shalt  }
0x5d: {  	_ =	shalt  }
0x5e: {  	_ =	shalt  }
0x5f: {  	_ =	shalt  }
0x60: {  	_ =	shalt  }
0x61: {  	_ =	shalt  }
0x62: {  	_ =	shalt  }
0x63: {  	_ =	shalt  }
0x64: {  	_ =	shalt  }
0x65: {  	_ =	shalt  }
0x66: {  	_ =	shalt  }
0x67: {  	_ =	shalt  }
0x68: {  	_ =	shalt  }
0x69: {  	_ =	shalt  }
0x6a: {  	_ =	shalt  }
0x6b: {  	_ =	shalt  }
0x6c: {  	_ =	shalt  }
0x6d: {  	_ =	shalt  }
0x6e: {  	_ =	shalt  }
0x6f: {  	_ =	shalt  }
0x70: {  	_ =	shalt  }
0x71: {  	_ =	shalt  }
0x72: {  	_ =	shalt  }
0x73: {  	_ =	shalt  }
0x74: {  	_ =	shalt  }
0x75: {  	_ =	shalt  }
0x76: {  	_ =	shalt  }
0x77: {  	_ =	shalt  }
0x78: {  	_ =	shalt  }
0x79: {  	_ =	shalt  }
0x7a: {  	_ =	shalt  }
0x7b: {  	_ =	shalt  }
0x7c: {  	_ =	shalt  }
0x7d: {  	_ =	shalt  }
0x7e: {  	_ =	shalt  }
0x7f: {  	_ =	shalt  }
0x80: {  	_ =	shalt  }
0x81: {  	_ =	shalt  }
0x82: {  	_ =	shalt  }
0x83: {  	_ =	shalt  }
0x84: {  	_ =	shalt  }
0x85: {  	_ =	shalt  }
0x86: {  	_ =	shalt  }
0x87: {  	_ =	shalt  }
.Lfunc_end0:
.L_simem_size_0:
called_computation.3_lowered:
.L_overlay_start_0:
0x88: {  	s2 =	sld [smem:$0x3FD9]  }
0x89: {  	s3 =	sld [smem:$0x3FFE];
	_ =	sdelay $0x1  }
0x8a: {  	s1 =	srdreg.scid  }
0x8b: {  	s0 =	sand.u32 $0x1, s1  }
0x8c: {  	s16 =	sshll.u32 s0, $0xA;
	s2 =	sadd.s32 s3, s2  }
0x8d: {  	s2 =	sadd.s32 s2, s16  }
0x8e: {  	[smem:$0x3FBB] =	sst s2  }
0x8f: {  	_ = 	snop  }
0x90: {  	(tm) =	ssettm $0x1  }
0x91: {  	s17 =	sld [smem:$0x3FFB];
	_ =	sdelay $0x3  }
0x92: {  	_ =	strace s17  }
0x93: {  	s2 =	sld [smem:$0x3FFC];
	_ =	sdelay $0x3  }
0x94: {  	_ =	strace s2  }
0x95: {  	s2 =	sld [smem:$0x3FFD];
	_ =	sdelay $0x3  }
0x96: {  	_ =	strace s2  }
0x97: {  	_ =	strace $0x8FFFFFFF  }
0x98: {  	s18 =	sld [smem:$0x3FDB];
	_ =	sdelay $0x1  }
0x99: {  	s19 =	simm.s32 $_scs_section_size  }
0x9a: {  	s4 =	simm.s32 $_size__tile_overlayer_lowered;
	s5 =	simm.s32 $_tile_overlayer_lowered  }
0x9b: {  	s22 =	simm.s32 $0x1BFF;
	s21 =	sshll.u32 s5, $0x1;
	s2 =	sadd.s32 s19, s18  }
0x9c: {  	s6 =	simm.s32 $0x0;
	s20 =	sshll.u32 s4, $0x1;
	s4 =	sadd.s32 s21, s2  }
0x9d: {  	[timem:s6], [sflag:s22] =	dma.local [hbm:s4], s20  }
0x9e: {  	_ =	swait.ge [sflag:s22], s20  }
0x9f: {  	s3 =	ssub.s32 $0x0, s20;
	[sflag:s22] =	ssyncset.done $0x0  }
0xa0: {  	[sflag:s22] =	ssyncadd.s32 s3;
	_ =	sdelay $0x1  }
0xa1: {  	s23 =	simm.s32 $0x1B8B  }
0xa2: {  	_ =	swait.ge [sflag:s23], $0x1  }
0xa3: {  	[sflag:s23] =	ssyncset.done $0x0  }
0xa4: {  	s25 =	simm.s32 $0x1B8E;
	s24 =	sld [smem:$0x3FFE];
	[sflag:s23] =	ssyncadd.s32 $0xFFFFFFFF  }
0xa5: {  	s26 =	simm.s32 $execute0_lowered;
	[smem:$0x3FD2] =	sst s25  }
0xa6: {  	s4 =	sshll.u32 s26, $0x1;
	_ =	strace $0x8000004F;
	[dreg:$0x1] =	wrdreg $0xFFFFFFFF  }
0xa7: {  	s28 =	simm.s32 $_size_execute0_lowered;
	s2 =	sadd.s32 s2, s4;
	[dreg:$0x0] =	wrdreg $0x0  }
0xa8: {  	s4 =	sshll.u32 s28, $0x1;
	[dreg:$0x2] =	wrdreg s2  }
0xa9: {  	[dreg:$0x3] =	wrdreg s4  }
0xaa: {  	[dreg:$0x4] =	wrdreg $0xC0  }
0xab: {  	_ =	task [dreg:s6], $0x5FFFF  }
0xac: {  	[dreg:$0x1] =	wrdreg $0xFFFFFFFF  }
0xad: {  	[dreg:$0x0] =	wrdreg $0x60  }
0xae: {  	[dreg:$0x2] =	wrdreg s24  }
0xaf: {  	[dreg:$0x3] =	wrdreg $0x41000  }
0xb0: {  	[dreg:$0x4] =	wrdreg $0x9  }
0xb1: {  	_ =	task.clear_ibuf [dreg:s6], $0x5FFFF;
	_ =	strace $0x9000004F  }
0xb2: {  	s29 =	simm.s32 $0x9;
	_ =	strace $0x80000051  }
0xb3: {  	_ =	swait.ge [sflag:s29], $0x1  }
0xb4: {  	[sflag:s29] =	ssyncadd.s32 $0xFFFFFFFF  }
0xb5: {  	_ =	strace $0x90000051  }
0xb6: {  	_ =	sfence  }
0xb7: {  	s30 =	sld [smem:$0x0];
	_ =	sdelay $0x2  }
0xb8: {  	s31 =	sshll.u32 s1, $0xD;
	s1 =	sshrl.u32 s1, $0x2  }
0xb9: {  	s3 =	sand.u32 $0x4000, s31;
	s1 =	sadd.s32 s1, s30  }
0xba: {  	s0 =	sor.u32 s3, s0;
	s1 =	sshll.u32 s1, $0x11  }
0xbb: {  	s0 =	sor.u32 s1, s0  }
0xbc: {  	s0 =	sadd.s32 $0x8F2B, s0  }
0xbd: {  	[sflag:s0] =	ssyncadd.remote.s32 $0x1  }
0xbe: {  	_ =	sfence.sel $0xFFFF  }
0xbf: {  	[dreg:$0x0] =	wrdreg $0xFFFFFFFF;
	(pc) =	sbr.abs _section_cstart, $3  }
0xc0: {  	[dreg:$0x1] =	wrdreg $0xFFFFFFFF  }
0xc1: {  	_ =	task.clear_ibuf [dreg:s6], $0x2FFFF;
	_ =	strace $0x9FFFFFFF  }
0xc2: {  	(tm) =	ssettm $0x7FFFFFFF  }
0xc3: {  	_ =	shalt  }
tec
execute0_lowered:
.L_overlay_start_1:
0x0: {  	(tag) =	ssettag $0x1  }
0x1: {  	s5 =	rddreg [dreg:$0x0]  }
0x2: {  	s2 =	rddreg [dreg:$0x1]  }
0x3: {  	s0 =	rddreg [dreg:$0x2];
	s1 =	stileid.u32  }
0x4: {  	s4 =	srdreg.scid;
	s3 =	simm.s32 $0x0;
	s15 =	simm.s32 $0x100  }
0x5: {  	s16 =	simm.s32 $0x2;
	s17 =	simm.s32 $0x80;
	s6 =	smul.u32 $0x68, s1  }
0x6: {  	s18 =	simm.s32 $0x1;
	s21 =	simm.s32 $0x0;
	s26 =	smul.u32 $0x36, s1  }
0x7: {  	s7 =	sand.u32 $0x1, s4;
	[smem:$0x7FF] =	sst s3;
	s10 =	smul.u32 $0x14000, s1  }
0x8: {  	s4 =	sadd.s32 $0x54200, s5;
	s28 =	smul.u32 $0x50000, s1;
	s19 =	sshll.u32 s1, $0x6  }
0x9: {  	s8 =	smul.u32 $0x140000, s7;
	p0 =	seq.s32 s7, $0x0;
	_ =	strace $0x80000050  }
0xa: {  	s7 =	ssub.s32 $0x2, s7;
	s19 =	sor.u32 $0x1C02, s19;
	s9 =	sadd.s32 $0x680, s26  }
0xb: {  	s29 =	sshrl.u32 s7, $0x1;
	s9 =	smov.u32 @p0 s6;
	s8 =	sadd.s32 s10, s8  }
0xc: {  	s31 =	sshrl.u32 s28, $0x2;
	s6 =	sshll.u32 s9, $0x4;
	s8 =	sshrl.u32 s8, $0x3  }
0xd: {  	s14 =	sadd.s32 s6, s5;
	s8 =	sadd.s32 s8, s5;
	s5 =	simm.s32 $0x68  }
0xe: {  	s30 =	ssub.s32 s7, s29;
	s6 =	sadd.s32 s31, s2;
	s5 =	simm.s32 @!p0 $0x36  }
0xf: {  	s7 =	sadd.s32 $0x7B400, s8;
	s8 =	smax.u32 s30, $0x1;
	s9 =	sadd.s32 $0x4000, s6  }
0x10: {  	s10 =	sadd.s32 $0x8000, s6;
	s11 =	sadd.s32 $0xC000, s6;
	s12 =	sadd.s32 $0x10000, s6  }
0x11: {  	v0 =	vimm.f32 $0.0e+00;
	s13 =	sadd.s32 $0x4E6200, s14;
	s14 =	sadd.s32 $0x4F0000, s14;
	s20 =	sshrl.u32 s6, $0x3  }
.LBB2_1:
0x12: {  	s22 =	simm.s32 $0x0;
	s23 =	simm.s32 $0x200  }
.LBB2_2:
0x13: {  	p0 =	sne.s32 s23, $0xFE00;
	[tilespmem:s22+$0x170] =	vst v0  }
0x14: {  	[tilespmem:s22+$0x100] =	vst v0  }
0x15: {  	[tilespmem:s22+$0x110] =	vst v0  }
.Ltmp0:
0x16: {  	[tilespmem:s22+$0x120] =	vst v0;
	(pc) =	sbr.rel @p0 .LBB2_2-.Ltmp0, $4  }
0x17: {  	[tilespmem:s22+$0x130] =	vst v0  }
0x18: {  	[tilespmem:s22+$0x140] =	vst v0  }
0x19: {  	[tilespmem:s22+$0x150] =	vst v0  }
0x1a: {  	[tilespmem:s22+$0x160] =	vst v0;
	s22 =	sshra.s32 s23, $0x2;
	s23 =	sadd.s32 $0x200, s23  }
0x1b: {  	[tilespmem:s22+$0x170] =	vst v0  }
0x1c: {  	[tilespmem:s22+$0x100] =	vst v0  }
0x1d: {  	[tilespmem:s22+$0x110] =	vst v0  }
0x1e: {  	[tilespmem:s22+$0x120] =	vst v0  }
0x1f: {  	[tilespmem:s22+$0x130] =	vst v0  }
0x20: {  	[tilespmem:s22+$0x140] =	vst v0  }
0x21: {  	[tilespmem:s22+$0x150] =	vst v0  }
0x22: {  	[tilespmem:s22+$0x160] =	vst v0  }
0x23: {  	[spmem:s6] =	stream.linear.scatter [tilespmem:s15], [sflag:$0x2], $0x4000, $0x38;
	[tilespmem:$0x18100] =	vst v63  }
0x24: {  	_ =	swait.ge [sflag:s16], $0x4000  }
0x25: {  	[sflag:s16] =	ssyncset.done $0x0  }
0x26: {  	[sflag:s16] =	ssyncadd.s32 $0xFFFFC000  }
0x27: {  	[spmem:s9] =	stream.linear.scatter [tilespmem:s15], [sflag:$0x2], $0x4000, $0x38;
	[tilespmem:$0x18100] =	vst v63  }
0x28: {  	_ =	swait.ge [sflag:s16], $0x4000  }
0x29: {  	[sflag:s16] =	ssyncset.done $0x0  }
0x2a: {  	[sflag:s16] =	ssyncadd.s32 $0xFFFFC000  }
0x2b: {  	[spmem:s10] =	stream.linear.scatter [tilespmem:s15], [sflag:$0x2], $0x4000, $0x38;
	[tilespmem:$0x18100] =	vst v63  }
0x2c: {  	_ =	swait.ge [sflag:s16], $0x4000  }
0x2d: {  	[sflag:s16] =	ssyncset.done $0x0  }
0x2e: {  	[sflag:s16] =	ssyncadd.s32 $0xFFFFC000  }
0x2f: {  	[spmem:s11] =	stream.linear.scatter [tilespmem:s15], [sflag:$0x2], $0x4000, $0x38;
	[tilespmem:$0x18100] =	vst v63  }
0x30: {  	_ =	swait.ge [sflag:s16], $0x4000  }
0x31: {  	[sflag:s16] =	ssyncset.done $0x0  }
0x32: {  	[sflag:s16] =	ssyncadd.s32 $0xFFFFC000  }
0x33: {  	[spmem:s12] =	stream.linear.scatter [tilespmem:s15], [sflag:$0x2], $0x4000, $0x38;
	[tilespmem:$0x18100] =	vst v63  }
0x34: {  	_ =	swait.ge [sflag:s16], $0x4000  }
0x35: {  	[sflag:s16] =	ssyncset.done $0x0  }
0x36: {  	[sflag:s16] =	ssyncadd.s32 $0xFFFFC000  }
0x37: {  	[bflag:$0x0] =	sbarrier.arrive $0xFFFF  }
0x38: {  	[tilespmem:s17], [sflag:$0x2] =	stream.linear.gather [hbm4b:s14+s3], $0x80, $0x38;
	[tilespmem:$0x18100] =	vst v63  }
0x39: {  	_ =	swait.ge [sflag:s16], $0x80  }
0x3a: {  	[sflag:s16] =	ssyncset.done $0x0  }
0x3b: {  	[sflag:s16] =	ssyncadd.s32 $0xFFFFFF80  }
0x3c: {  	[tilespmem:s3], [sflag:$0x2] =	stream.linear.gather [hbm4b:s13+s3], $0x80, $0x38;
	[tilespmem:$0x18100] =	vst v63  }
0x3d: {  	_ =	swait.ge [sflag:s16], $0x80  }
0x3e: {  	[sflag:s16] =	ssyncset.done $0x0  }
0x3f: {  	[sflag:s16] =	ssyncadd.s32 $0xFFFFFF80  }
0x40: {  	[tilespmem:s15], [sflag:$0x1] =	stream.indirect.gather [hbm4b:s4+s17], $0x80, s3, s17, $0xb8;
	[tilespmem:$0x18100] =	vst v63  }
0x41: {  	p0 =	sne.s32 s5, $0x1;
	_ =	swait.ge [sflag:s18], $0x4000  }
.Ltmp1:
0x42: {  	[sflag:s18] =	ssyncset.done $0x0;
	(pc) =	sbr.rel @!p0 .LBB2_5-.Ltmp1, $4  }
0x43: {  	[sflag:s18] =	ssyncadd.s32 $0xFFFFC000  }
0x44: {  	[spmem:s2] =	stream.indirect.scatter.add.f32 [tilespmem:s15], [sflag:$0x2], $0x80, s17, s17, $0xb8;
	[tilespmem:$0x18100] =	vst v63  }
0x45: {  	s22 =	sadd.s32 $0xFFFFFFFF, s5;
	_ =	swait.ge [sflag:s16], $0x4000  }
0x46: {  	s23 =	smov.u32 s13;
	s24 =	smov.u32 s14;
	[sflag:s16] =	ssyncset.done $0x0  }
.LBB2_4:
0x47: {  	[sflag:s16] =	ssyncadd.s32 $0xFFFFC000;
	s23 =	sadd.s32 $0x10, s23;
	s24 =	sadd.s32 $0x10, s24  }
0x48: {  	[tilespmem:s17], [sflag:$0x2] =	stream.linear.gather [hbm4b:s24+s3], $0x80, $0x38;
	[tilespmem:$0x18100] =	vst v63  }
0x49: {  	p0 =	sne.s32 s22, $0x1;
	s22 =	sadd.s32 $0xFFFFFFFF, s22;
	_ =	swait.ge [sflag:s16], $0x80  }
0x4a: {  	[sflag:s16] =	ssyncset.done $0x0  }
0x4b: {  	[sflag:s16] =	ssyncadd.s32 $0xFFFFFF80  }
0x4c: {  	[tilespmem:s3], [sflag:$0x2] =	stream.linear.gather [hbm4b:s23+s3], $0x80, $0x38;
	[tilespmem:$0x18100] =	vst v63  }
0x4d: {  	_ =	swait.ge [sflag:s16], $0x80  }
0x4e: {  	[sflag:s16] =	ssyncset.done $0x0  }
0x4f: {  	[sflag:s16] =	ssyncadd.s32 $0xFFFFFF80  }
0x50: {  	[tilespmem:s15], [sflag:$0x1] =	stream.indirect.gather [hbm4b:s4+s17], $0x80, s3, s17, $0xb8;
	[tilespmem:$0x18100] =	vst v63  }
0x51: {  	_ =	swait.ge [sflag:s18], $0x4000  }
.Ltmp2:
0x52: {  	[sflag:s18] =	ssyncset.done $0x0;
	(pc) =	sbr.rel @p0 .LBB2_4-.Ltmp2, $4  }
0x53: {  	[sflag:s18] =	ssyncadd.s32 $0xFFFFC000  }
0x54: {  	[spmem:s2] =	stream.indirect.scatter.add.f32 [tilespmem:s15], [sflag:$0x2], $0x80, s17, s17, $0xb8;
	[tilespmem:$0x18100] =	vst v63  }
0x55: {  	_ =	swait.ge [sflag:s16], $0x4000  }
0x56: {  	[sflag:s16] =	ssyncset.done $0x0  }
.LBB2_5:
0x57: {  	s21 =	sadd.s32 $0x1, s21  }
0x58: {  	[sflag:s16] =	ssyncadd.s32 $0xFFFFC000;
	p0 =	sne.s32 s21, s8  }
.Ltmp3:
0x59: {  	[bflag:$0x0] =	sbarrier.arrive $0xFFFF;
	(pc) =	sbr.rel @p0 .LBB2_1-.Ltmp3, $4  }
0x5a: {  	[hbm:s7], [sflag:s19] =	dma.local [spmem:s20], $0x2800  }
0x5b: {  	_ =	swait.ge [sflag:s16], $0x2800  }
0x5c: {  	[sflag:s16] =	ssyncset.done $0x0  }
0x5d: {  	[sflag:s16] =	ssyncadd.s32 $0xFFFFD800  }
0x5e: {  	_ =	sfence.sel $0x180000  }
0x5f: {  	[bflag:$0x0] =	sbarrier.arrive $0xFFFF  }
0x60: {  	p0 =	sne.s32 s1, $0x0;
	_ =	strace $0x90000050  }
0x61: {  	s0 =	sadd.s32 @!p0 $0x100000, s0;
	[bflag:$0x2] =	sbarrier.arrive $0xFFFF  }
0x62: {  	[sflag:s0] =	ssyncadd.tile.s32 @!p0 $0x1;
	_ =	shalt  }
.Lfunc_end2:
_tile_overlayer_lowered:
.L_overlay_start_2:
0x63: {  	(tag) =	ssettag $0x2  }
0x64: {  	s0 =	rddreg [dreg:$0x0];
	s2 =	stileid.u32  }
0x65: {  	s1 =	rddreg [dreg:$0x1];
	p0 =	sne.s32 s2, $0x0  }
0x66: {  	s3 =	rddreg [dreg:$0x2];
	[bflag:$0x3] =	sbarrier.arrive $0xFFFF;
	s2 =	simm.s32 @!p0 $0x1C02  }
0x67: {  	[timem:s3], [sflag:s2] =	dma.local @!p0 [hbm:s0], s1  }
0x68: {  	s0 =	simm.s32 @!p0 $0x2  }
0x69: {  	_ =	swait.ge @!p0 [sflag:s0], s1  }
0x6a: {  	s1 =	ssub.s32 @!p0 $0x0, s1;
	[sflag:s0] =	ssyncset.done @!p0 $0x0  }
0x6b: {  	[sflag:s0] =	ssyncadd.s32 @!p0 s1  }
0x6c: {  	[bflag:$0x3] =	sbarrier.arrive $0xFFFF  }
0x6d: {  	_ =	shalt  }

// kernel: kernel.25.cloned.1.call-start
scs
__scs_entry_jumppad:
0x0: {  	(pc) =	sbr.rel $0x88, $3  }
0x1: {  	(tag) =	ssettag $0x0;
	lr =	simm.s32 $0x1  }
0x2: {  	[smem:$0x3F94] =	sst lr;
	_ =	strace $0xD0000000  }
0x3: {  	_ = 	snop  }
0x4: {  	_ = 	snop  }
0x5: {  	_ = 	snop  }
0x6: {  	_ = 	snop  }
0x7: {  	_ = 	snop  }
__scs_overlays_trampoline_lowered:
0x8: {  	[smem:$0x3FA3] =	sst s0  }
0x9: {  	[smem:$0x3FA4] =	sst s1  }
0xa: {  	[smem:$0x3FA5] =	sst s2  }
0xb: {  	[smem:$0x3FA6] =	sst s3  }
0xc: {  	[smem:$0x3FA7] =	sst s4  }
0xd: {  	[smem:$0x3FA8] =	sst s5  }
0xe: {  	[smem:$0x3FA9] =	sst s6  }
0xf: {  	[smem:$0x3FAA] =	sst s7  }
0x10: {  	[smem:$0x3FAB] =	sst s8  }
0x11: {  	[smem:$0x3FAC] =	sst s9;
	s0 =	simm.s32 @!p0 $0x0  }
0x12: {  	s1 =	sld [smem:$0x3F92];
	s0 =	simm.s32 @p0 $0x1  }
0x13: {  	[smem:$0x3FAD] =	sst s0;
	s0 =	simm.s32 @!p1 $0x0  }
0x14: {  	s2 =	sld [smem:$0x3F91];
	s0 =	simm.s32 @p1 $0x1  }
0x15: {  	[smem:$0x3FAE] =	sst s0;
	s0 =	simm.s32 @!p2 $0x0  }
0x16: {  	s3 =	sld [smem:$0x3FDB];
	s0 =	simm.s32 @p2 $0x1  }
0x17: {  	s4 =	simm.s32 $0x1BF5;
	[smem:$0x3FB0] =	sst s0  }
0x18: {  	s0 =	sld [smem:$0x3F93];
	_ =	swait.ge [sflag:s4], $0x0  }
0x19: {  	s7 =	sld [smem:$0x3F94]  }
0x1a: {  	s8 =	sadd.s32 $0xFFFFE003, lr  }
0x1b: {  	s9 =	sadd.s32 $0xFFFFFEF7, lr;
	s5 =	simm.s32 $0xFFFFFFFF;
	p2 =	slt.u32 s8, $0xFFFFF086  }
0x1c: {  	p1 =	slt.u32 s9, $0xF7A;
	s5 =	simm.s32 @!p2 $0x0  }
0x1d: {  	s5 =	simm.s32 @p1 $0x1;
	p0 =	seq.s32 s7, s2  }
0x1e: {  	s7 =	smul.u32 @!p0 $0xF7A, s2;
	p2 =	seq.s32 @!p0 s5, $0x0  }
0x1f: {  	s9 =	smul.u32 $0xF7A, s1;
	s8 =	simm.s32 @!p0 $0x1BF5;
	p2 =	por !p2, p0  }
0x20: {  	[sflag:s8] =	ssyncset.s32 @!p0 $0xFFFFF086;
	s6 =	sadd.s32 @!p0 s3, s7;
	s7 =	simm.s32 @!p0 $0x108  }
0x21: {  	s3 =	sadd.s32 s3, s9;
	s6 =	sadd.s32 @!p0 $0x88, s6;
	s7 =	simm.s32 @p2 $0x1082  }
0x22: {  	[simem:s7], [sflag:s8] =	dma.local @!p0 [hbm:s6], $0xF7A  }
0x23: {  	s9 =	sor.u32 $0xD0000000, s2;
	s6 =	simm.s32 $0x108;
	_ =	swait.ge @!p0 [sflag:s8], $0x0  }
0x24: {  	s3 =	sadd.s32 $0x88, s3;
	s6 =	simm.s32 @!p1 $0x1082;
	[sflag:s4] =	ssyncset.s32 $0xFFFFF086  }
0x25: {  	[simem:s6], [sflag:s4] =	dma.local [hbm:s3], $0xF7A  }
0x26: {  	[smem:$0x3F94] =	sst s1;
	(tag) =	ssettag s2;
	_ =	strace s9  }
0x27: {  	s1 =	sld [smem:$0x3FA4]  }
0x28: {  	s2 =	sld [smem:$0x3FA5]  }
0x29: {  	s4 =	sld [smem:$0x3FA7]  }
0x2a: {  	p0 =	seq.s32 s5, $0x0;
	s5 =	sld [smem:$0x3FA8]  }
0x2b: {  	s6 =	sld [smem:$0x3FA9]  }
0x2c: {  	s7 =	sld [smem:$0x3FAA]  }
0x2d: {  	s3 =	simm.s32 $0x108;
	s8 =	sld [smem:$0x3FAB]  }
0x2e: {  	s3 =	simm.s32 @!p0 $0x1082;
	s9 =	sld [smem:$0x3FAC]  }
0x2f: {  	lr =	sadd.s32 s0, s3;
	s0 =	sld [smem:$0x3FA3]  }
0x30: {  	s3 =	sld [smem:$0x3FA6]  }
0x31: {  	[smem:$0x3FAF] =	sst s10  }
0x32: {  	s10 =	sld [smem:$0x3FAD];
	_ =	sdelay $0x3  }
0x33: {  	p0 =	seq.s32 s10, $0x1;
	s10 =	sld [smem:$0x3FAF];
	_ =	sdelay $0x3  }
0x34: {  	[smem:$0x3FAF] =	sst s10  }
0x35: {  	s10 =	sld [smem:$0x3FAE];
	_ =	sdelay $0x3  }
0x36: {  	p1 =	seq.s32 s10, $0x1;
	s10 =	sld [smem:$0x3FAF];
	_ =	sdelay $0x3  }
0x37: {  	[smem:$0x3FAF] =	sst s10  }
0x38: {  	s10 =	sld [smem:$0x3FB0]  }
0x39: {  	_ = 	snop;
	(pc) =	sbr.ind lr, $3  }
0x3a: {  	_ = 	snop  }
0x3b: {  	_ = 	snop  }
0x3c: {  	p2 =	seq.s32 s10, $0x1;
	s10 =	sld [smem:$0x3FAF]  }
0x3d: {  	_ =	shalt  }
0x3e: {  	_ =	shalt  }
0x3f: {  	_ =	shalt  }
0x40: {  	_ =	shalt  }
0x41: {  	_ =	shalt  }
0x42: {  	_ =	shalt  }
0x43: {  	_ =	shalt  }
0x44: {  	_ =	shalt  }
0x45: {  	_ =	shalt  }
0x46: {  	_ =	shalt  }
0x47: {  	_ =	shalt  }
0x48: {  	_ =	shalt  }
0x49: {  	_ =	shalt  }
0x4a: {  	_ =	shalt  }
0x4b: {  	_ =	shalt  }
0x4c: {  	_ =	shalt  }
0x4d: {  	_ =	shalt  }
0x4e: {  	_ =	shalt  }
0x4f: {  	_ =	shalt  }
0x50: {  	_ =	shalt  }
0x51: {  	_ =	shalt  }
0x52: {  	_ =	shalt  }
0x53: {  	_ =	shalt  }
0x54: {  	_ =	shalt  }
0x55: {  	_ =	shalt  }
0x56: {  	_ =	shalt  }
0x57: {  	_ =	shalt  }
0x58: {  	_ =	shalt  }
0x59: {  	_ =	shalt  }
0x5a: {  	_ =	shalt  }
0x5b: {  	_ =	shalt  }
0x5c: {  	_ =	shalt  }
0x5d: {  	_ =	shalt  }
0x5e: {  	_ =	shalt  }
0x5f: {  	_ =	shalt  }
0x60: {  	_ =	shalt  }
0x61: {  	_ =	shalt  }
0x62: {  	_ =	shalt  }
0x63: {  	_ =	shalt  }
0x64: {  	_ =	shalt  }
0x65: {  	_ =	shalt  }
0x66: {  	_ =	shalt  }
0x67: {  	_ =	shalt  }
0x68: {  	_ =	shalt  }
0x69: {  	_ =	shalt  }
0x6a: {  	_ =	shalt  }
0x6b: {  	_ =	shalt  }
0x6c: {  	_ =	shalt  }
0x6d: {  	_ =	shalt  }
0x6e: {  	_ =	shalt  }
0x6f: {  	_ =	shalt  }
0x70: {  	_ =	shalt  }
0x71: {  	_ =	shalt  }
0x72: {  	_ =	shalt  }
0x73: {  	_ =	shalt  }
0x74: {  	_ =	shalt  }
0x75: {  	_ =	shalt  }
0x76: {  	_ =	shalt  }
0x77: {  	_ =	shalt  }
0x78: {  	_ =	shalt  }
0x79: {  	_ =	shalt  }
0x7a: {  	_ =	shalt  }
0x7b: {  	_ =	shalt  }
0x7c: {  	_ =	shalt  }
0x7d: {  	_ =	shalt  }
0x7e: {  	_ =	shalt  }
0x7f: {  	_ =	shalt  }
0x80: {  	_ =	shalt  }
0x81: {  	_ =	shalt  }
0x82: {  	_ =	shalt  }
0x83: {  	_ =	shalt  }
0x84: {  	_ =	shalt  }
0x85: {  	_ =	shalt  }
0x86: {  	_ =	shalt  }
0x87: {  	_ =	shalt  }
.Lfunc_end0:
.L_simem_size_0:
called_computation.4_lowered:
.L_overlay_start_0:
0x88: {  	s2 =	sld [smem:$0x3FD9]  }
0x89: {  	s3 =	sld [smem:$0x3FFE];
	_ =	sdelay $0x1  }
0x8a: {  	s1 =	srdreg.scid  }
0x8b: {  	s0 =	sand.u32 $0x1, s1  }
0x8c: {  	s16 =	sshll.u32 s0, $0xA;
	s2 =	sadd.s32 s3, s2  }
0x8d: {  	s2 =	sadd.s32 s2, s16  }
0x8e: {  	[smem:$0x3FBB] =	sst s2  }
0x8f: {  	_ = 	snop  }
0x90: {  	(tm) =	ssettm $0x1  }
0x91: {  	s17 =	sld [smem:$0x3FFB];
	_ =	sdelay $0x3  }
0x92: {  	_ =	strace s17  }
0x93: {  	s2 =	sld [smem:$0x3FFC];
	_ =	sdelay $0x3  }
0x94: {  	_ =	strace s2  }
0x95: {  	s2 =	sld [smem:$0x3FFD];
	_ =	sdelay $0x3  }
0x96: {  	_ =	strace s2  }
0x97: {  	_ =	strace $0x8FFFFFFF  }
0x98: {  	s18 =	sld [smem:$0x3FDB];
	_ =	sdelay $0x1  }
0x99: {  	s19 =	simm.s32 $_scs_section_size  }
0x9a: {  	s4 =	simm.s32 $_size__tile_overlayer_lowered;
	s5 =	simm.s32 $_tile_overlayer_lowered  }
0x9b: {  	s22 =	simm.s32 $0x1BFF;
	s21 =	sshll.u32 s5, $0x1;
	s2 =	sadd.s32 s19, s18  }
0x9c: {  	s6 =	simm.s32 $0x0;
	s20 =	sshll.u32 s4, $0x1;
	s4 =	sadd.s32 s21, s2  }
0x9d: {  	[timem:s6], [sflag:s22] =	dma.local [hbm:s4], s20  }
0x9e: {  	_ =	swait.ge [sflag:s22], s20  }
0x9f: {  	s3 =	ssub.s32 $0x0, s20;
	[sflag:s22] =	ssyncset.done $0x0  }
0xa0: {  	[sflag:s22] =	ssyncadd.s32 s3;
	_ =	sdelay $0x1  }
0xa1: {  	s23 =	simm.s32 $0x1B8B  }
0xa2: {  	_ =	swait.ge [sflag:s23], $0x1  }
0xa3: {  	[sflag:s23] =	ssyncset.done $0x0  }
0xa4: {  	s25 =	simm.s32 $0x1B8E;
	s24 =	sld [smem:$0x3FFE];
	[sflag:s23] =	ssyncadd.s32 $0xFFFFFFFF  }
0xa5: {  	s26 =	simm.s32 $execute0_lowered;
	[smem:$0x3FD2] =	sst s25  }
0xa6: {  	s4 =	sshll.u32 s26, $0x1;
	_ =	strace $0x80000052;
	[dreg:$0x1] =	wrdreg $0xFFFFFFFF  }
0xa7: {  	s28 =	simm.s32 $_size_execute0_lowered;
	s2 =	sadd.s32 s2, s4;
	[dreg:$0x0] =	wrdreg $0x0  }
0xa8: {  	s4 =	sshll.u32 s28, $0x1;
	[dreg:$0x2] =	wrdreg s2  }
0xa9: {  	[dreg:$0x3] =	wrdreg s4  }
0xaa: {  	[dreg:$0x4] =	wrdreg $0xC0  }
0xab: {  	_ =	task [dreg:s6], $0x5FFFF  }
0xac: {  	[dreg:$0x1] =	wrdreg $0xFFFFFFFF  }
0xad: {  	[dreg:$0x0] =	wrdreg $0x60  }
0xae: {  	[dreg:$0x2] =	wrdreg s24  }
0xaf: {  	[dreg:$0x3] =	wrdreg $0x41000  }
0xb0: {  	[dreg:$0x4] =	wrdreg $0x9  }
0xb1: {  	_ =	task.clear_ibuf [dreg:s6], $0x5FFFF;
	_ =	strace $0x90000052  }
0xb2: {  	s29 =	simm.s32 $0x9;
	_ =	strace $0x80000054  }
0xb3: {  	_ =	swait.ge [sflag:s29], $0x1  }
0xb4: {  	[sflag:s29] =	ssyncadd.s32 $0xFFFFFFFF  }
0xb5: {  	_ =	strace $0x90000054  }
0xb6: {  	_ =	sfence  }
0xb7: {  	s30 =	sld [smem:$0x0];
	_ =	sdelay $0x2  }
0xb8: {  	s31 =	sshll.u32 s1, $0xD;
	s1 =	sshrl.u32 s1, $0x2  }
0xb9: {  	s3 =	sand.u32 $0x4000, s31;
	s1 =	sadd.s32 s1, s30  }
0xba: {  	s0 =	sor.u32 s3, s0;
	s1 =	sshll.u32 s1, $0x11  }
0xbb: {  	s0 =	sor.u32 s1, s0  }
0xbc: {  	s0 =	sadd.s32 $0x8F2B, s0  }
0xbd: {  	[sflag:s0] =	ssyncadd.remote.s32 $0x1  }
0xbe: {  	_ =	sfence.sel $0xFFFF  }
0xbf: {  	[dreg:$0x0] =	wrdreg $0xFFFFFFFF;
	(pc) =	sbr.abs _section_cstart, $3  }
0xc0: {  	[dreg:$0x1] =	wrdreg $0xFFFFFFFF  }
0xc1: {  	_ =	task.clear_ibuf [dreg:s6], $0x2FFFF;
	_ =	strace $0x9FFFFFFF  }
0xc2: {  	(tm) =	ssettm $0x7FFFFFFF  }
0xc3: {  	_ =	shalt  }
tec
execute0_lowered:
.L_overlay_start_1:
0x0: {  	(tag) =	ssettag $0x1  }
0x1: {  	s5 =	rddreg [dreg:$0x0]  }
0x2: {  	s2 =	rddreg [dreg:$0x1]  }
0x3: {  	s0 =	rddreg [dreg:$0x2];
	s1 =	stileid.u32  }
0x4: {  	s4 =	srdreg.scid;
	s3 =	simm.s32 $0x0;
	s15 =	simm.s32 $0x100  }
0x5: {  	s16 =	simm.s32 $0x2;
	s17 =	simm.s32 $0x80;
	s6 =	smul.u32 $0x68, s1  }
0x6: {  	s18 =	simm.s32 $0x1;
	s21 =	simm.s32 $0x0;
	s26 =	smul.u32 $0x36, s1  }
0x7: {  	s7 =	sand.u32 $0x1, s4;
	[smem:$0x7FF] =	sst s3;
	s10 =	smul.u32 $0x14000, s1  }
0x8: {  	s4 =	sadd.s32 $0x54200, s5;
	s28 =	smul.u32 $0x50000, s1;
	s19 =	sshll.u32 s1, $0x6  }
0x9: {  	s8 =	smul.u32 $0x140000, s7;
	p0 =	seq.s32 s7, $0x0;
	_ =	strace $0x80000053  }
0xa: {  	s7 =	ssub.s32 $0x2, s7;
	s19 =	sor.u32 $0x1C02, s19;
	s9 =	sadd.s32 $0x680, s26  }
0xb: {  	s29 =	sshrl.u32 s7, $0x1;
	s9 =	smov.u32 @p0 s6;
	s8 =	sadd.s32 s10, s8  }
0xc: {  	s31 =	sshrl.u32 s28, $0x2;
	s6 =	sshll.u32 s9, $0x4;
	s8 =	sshrl.u32 s8, $0x3  }
0xd: {  	s14 =	sadd.s32 s6, s5;
	s8 =	sadd.s32 s8, s5;
	s5 =	simm.s32 $0x68  }
0xe: {  	s30 =	ssub.s32 s7, s29;
	s6 =	sadd.s32 s31, s2;
	s5 =	simm.s32 @!p0 $0x36  }
0xf: {  	s7 =	sadd.s32 $0x7B400, s8;
	s8 =	smax.u32 s30, $0x1;
	s9 =	sadd.s32 $0x4000, s6  }
0x10: {  	s10 =	sadd.s32 $0x8000, s6;
	s11 =	sadd.s32 $0xC000, s6;
	s12 =	sadd.s32 $0x10000, s6  }
0x11: {  	v0 =	vimm.f32 $0.0e+00;
	s13 =	sadd.s32 $0x4E6200, s14;
	s14 =	sadd.s32 $0x4F0000, s14;
	s20 =	sshrl.u32 s6, $0x3  }
.LBB2_1:
0x12: {  	s22 =	simm.s32 $0x0;
	s23 =	simm.s32 $0x200  }
.LBB2_2:
0x13: {  	p0 =	sne.s32 s23, $0xFE00;
	[tilespmem:s22+$0x170] =	vst v0  }
0x14: {  	[tilespmem:s22+$0x100] =	vst v0  }
0x15: {  	[tilespmem:s22+$0x110] =	vst v0  }
.Ltmp0:
0x16: {  	[tilespmem:s22+$0x120] =	vst v0;
	(pc) =	sbr.rel @p0 .LBB2_2-.Ltmp0, $4  }
0x17: {  	[tilespmem:s22+$0x130] =	vst v0  }
0x18: {  	[tilespmem:s22+$0x140] =	vst v0  }
0x19: {  	[tilespmem:s22+$0x150] =	vst v0  }
0x1a: {  	[tilespmem:s22+$0x160] =	vst v0;
	s22 =	sshra.s32 s23, $0x2;
	s23 =	sadd.s32 $0x200, s23  }
0x1b: {  	[tilespmem:s22+$0x170] =	vst v0  }
0x1c: {  	[tilespmem:s22+$0x100] =	vst v0  }
0x1d: {  	[tilespmem:s22+$0x110] =	vst v0  }
0x1e: {  	[tilespmem:s22+$0x120] =	vst v0  }
0x1f: {  	[tilespmem:s22+$0x130] =	vst v0  }
0x20: {  	[tilespmem:s22+$0x140] =	vst v0  }
0x21: {  	[tilespmem:s22+$0x150] =	vst v0  }
0x22: {  	[tilespmem:s22+$0x160] =	vst v0  }
0x23: {  	[spmem:s6] =	stream.linear.scatter [tilespmem:s15], [sflag:$0x2], $0x4000, $0x38;
	[tilespmem:$0x18100] =	vst v63  }
0x24: {  	_ =	swait.ge [sflag:s16], $0x4000  }
0x25: {  	[sflag:s16] =	ssyncset.done $0x0  }
0x26: {  	[sflag:s16] =	ssyncadd.s32 $0xFFFFC000  }
0x27: {  	[spmem:s9] =	stream.linear.scatter [tilespmem:s15], [sflag:$0x2], $0x4000, $0x38;
	[tilespmem:$0x18100] =	vst v63  }
0x28: {  	_ =	swait.ge [sflag:s16], $0x4000  }
0x29: {  	[sflag:s16] =	ssyncset.done $0x0  }
0x2a: {  	[sflag:s16] =	ssyncadd.s32 $0xFFFFC000  }
0x2b: {  	[spmem:s10] =	stream.linear.scatter [tilespmem:s15], [sflag:$0x2], $0x4000, $0x38;
	[tilespmem:$0x18100] =	vst v63  }
0x2c: {  	_ =	swait.ge [sflag:s16], $0x4000  }
0x2d: {  	[sflag:s16] =	ssyncset.done $0x0  }
0x2e: {  	[sflag:s16] =	ssyncadd.s32 $0xFFFFC000  }
0x2f: {  	[spmem:s11] =	stream.linear.scatter [tilespmem:s15], [sflag:$0x2], $0x4000, $0x38;
	[tilespmem:$0x18100] =	vst v63  }
0x30: {  	_ =	swait.ge [sflag:s16], $0x4000  }
0x31: {  	[sflag:s16] =	ssyncset.done $0x0  }
0x32: {  	[sflag:s16] =	ssyncadd.s32 $0xFFFFC000  }
0x33: {  	[spmem:s12] =	stream.linear.scatter [tilespmem:s15], [sflag:$0x2], $0x4000, $0x38;
	[tilespmem:$0x18100] =	vst v63  }
0x34: {  	_ =	swait.ge [sflag:s16], $0x4000  }
0x35: {  	[sflag:s16] =	ssyncset.done $0x0  }
0x36: {  	[sflag:s16] =	ssyncadd.s32 $0xFFFFC000  }
0x37: {  	[bflag:$0x0] =	sbarrier.arrive $0xFFFF  }
0x38: {  	[tilespmem:s17], [sflag:$0x2] =	stream.linear.gather [hbm4b:s14+s3], $0x80, $0x38;
	[tilespmem:$0x18100] =	vst v63  }
0x39: {  	_ =	swait.ge [sflag:s16], $0x80  }
0x3a: {  	[sflag:s16] =	ssyncset.done $0x0  }
0x3b: {  	[sflag:s16] =	ssyncadd.s32 $0xFFFFFF80  }
0x3c: {  	[tilespmem:s3], [sflag:$0x2] =	stream.linear.gather [hbm4b:s13+s3], $0x80, $0x38;
	[tilespmem:$0x18100] =	vst v63  }
0x3d: {  	_ =	swait.ge [sflag:s16], $0x80  }
0x3e: {  	[sflag:s16] =	ssyncset.done $0x0  }
0x3f: {  	[sflag:s16] =	ssyncadd.s32 $0xFFFFFF80  }
0x40: {  	[tilespmem:s15], [sflag:$0x1] =	stream.indirect.gather [hbm4b:s4+s17], $0x80, s3, s17, $0xb8;
	[tilespmem:$0x18100] =	vst v63  }
0x41: {  	p0 =	sne.s32 s5, $0x1;
	_ =	swait.ge [sflag:s18], $0x4000  }
.Ltmp1:
0x42: {  	[sflag:s18] =	ssyncset.done $0x0;
	(pc) =	sbr.rel @!p0 .LBB2_5-.Ltmp1, $4  }
0x43: {  	[sflag:s18] =	ssyncadd.s32 $0xFFFFC000  }
0x44: {  	[spmem:s2] =	stream.indirect.scatter.add.f32 [tilespmem:s15], [sflag:$0x2], $0x80, s17, s17, $0xb8;
	[tilespmem:$0x18100] =	vst v63  }
0x45: {  	s22 =	sadd.s32 $0xFFFFFFFF, s5;
	_ =	swait.ge [sflag:s16], $0x4000  }
0x46: {  	s23 =	smov.u32 s13;
	s24 =	smov.u32 s14;
	[sflag:s16] =	ssyncset.done $0x0  }
.LBB2_4:
0x47: {  	[sflag:s16] =	ssyncadd.s32 $0xFFFFC000;
	s23 =	sadd.s32 $0x10, s23;
	s24 =	sadd.s32 $0x10, s24  }
0x48: {  	[tilespmem:s17], [sflag:$0x2] =	stream.linear.gather [hbm4b:s24+s3], $0x80, $0x38;
	[tilespmem:$0x18100] =	vst v63  }
0x49: {  	p0 =	sne.s32 s22, $0x1;
	s22 =	sadd.s32 $0xFFFFFFFF, s22;
	_ =	swait.ge [sflag:s16], $0x80  }
0x4a: {  	[sflag:s16] =	ssyncset.done $0x0  }
0x4b: {  	[sflag:s16] =	ssyncadd.s32 $0xFFFFFF80  }
0x4c: {  	[tilespmem:s3], [sflag:$0x2] =	stream.linear.gather [hbm4b:s23+s3], $0x80, $0x38;
	[tilespmem:$0x18100] =	vst v63  }
0x4d: {  	_ =	swait.ge [sflag:s16], $0x80  }
0x4e: {  	[sflag:s16] =	ssyncset.done $0x0  }
0x4f: {  	[sflag:s16] =	ssyncadd.s32 $0xFFFFFF80  }
0x50: {  	[tilespmem:s15], [sflag:$0x1] =	stream.indirect.gather [hbm4b:s4+s17], $0x80, s3, s17, $0xb8;
	[tilespmem:$0x18100] =	vst v63  }
0x51: {  	_ =	swait.ge [sflag:s18], $0x4000  }
.Ltmp2:
0x52: {  	[sflag:s18] =	ssyncset.done $0x0;
	(pc) =	sbr.rel @p0 .LBB2_4-.Ltmp2, $4  }
0x53: {  	[sflag:s18] =	ssyncadd.s32 $0xFFFFC000  }
0x54: {  	[spmem:s2] =	stream.indirect.scatter.add.f32 [tilespmem:s15], [sflag:$0x2], $0x80, s17, s17, $0xb8;
	[tilespmem:$0x18100] =	vst v63  }
0x55: {  	_ =	swait.ge [sflag:s16], $0x4000  }
0x56: {  	[sflag:s16] =	ssyncset.done $0x0  }
.LBB2_5:
0x57: {  	s21 =	sadd.s32 $0x1, s21  }
0x58: {  	[sflag:s16] =	ssyncadd.s32 $0xFFFFC000;
	p0 =	sne.s32 s21, s8  }
.Ltmp3:
0x59: {  	[bflag:$0x0] =	sbarrier.arrive $0xFFFF;
	(pc) =	sbr.rel @p0 .LBB2_1-.Ltmp3, $4  }
0x5a: {  	[hbm:s7], [sflag:s19] =	dma.local [spmem:s20], $0x2800  }
0x5b: {  	_ =	swait.ge [sflag:s16], $0x2800  }
0x5c: {  	[sflag:s16] =	ssyncset.done $0x0  }
0x5d: {  	[sflag:s16] =	ssyncadd.s32 $0xFFFFD800  }
0x5e: {  	_ =	sfence.sel $0x180000  }
0x5f: {  	[bflag:$0x0] =	sbarrier.arrive $0xFFFF  }
0x60: {  	p0 =	sne.s32 s1, $0x0;
	_ =	strace $0x90000053  }
0x61: {  	s0 =	sadd.s32 @!p0 $0x100000, s0;
	[bflag:$0x2] =	sbarrier.arrive $0xFFFF  }
0x62: {  	[sflag:s0] =	ssyncadd.tile.s32 @!p0 $0x1;
	_ =	shalt  }
.Lfunc_end2:
_tile_overlayer_lowered:
.L_overlay_start_2:
0x63: {  	(tag) =	ssettag $0x2  }
0x64: {  	s0 =	rddreg [dreg:$0x0];
	s2 =	stileid.u32  }
0x65: {  	s1 =	rddreg [dreg:$0x1];
	p0 =	sne.s32 s2, $0x0  }
0x66: {  	s3 =	rddreg [dreg:$0x2];
	[bflag:$0x3] =	sbarrier.arrive $0xFFFF;
	s2 =	simm.s32 @!p0 $0x1C02  }
0x67: {  	[timem:s3], [sflag:s2] =	dma.local @!p0 [hbm:s0], s1  }
0x68: {  	s0 =	simm.s32 @!p0 $0x2  }
0x69: {  	_ =	swait.ge @!p0 [sflag:s0], s1  }
0x6a: {  	s1 =	ssub.s32 @!p0 $0x0, s1;
	[sflag:s0] =	ssyncset.done @!p0 $0x0  }
0x6b: {  	[sflag:s0] =	ssyncadd.s32 @!p0 s1  }
0x6c: {  	[bflag:$0x3] =	sbarrier.arrive $0xFFFF  }
0x6d: {  	_ =	shalt  }

</sc_bundles>
